<compile_context>
chip_gen: v7x
topology: tpu7x:2x2x1
jax: 0.10.2.dev20260603
libtpu: 0.0.44.dev20260713+nightly
codegen_flags: <defaults>
</compile_context>

<pallas_src>
import functools

import jax
import jax.numpy as jnp
import numpy as np
from jax import lax
from jax.experimental import pallas as pl
from jax.experimental.pallas import tpu as pltpu
from jax.experimental.pallas import tpu_sc as plsc

B, C, T, H, W, L = 2, 256, 8, 24, 24, 4
THW = T * H * W
BL = B * L
NPTS = 4
N = NPTS ** 3
NO = 4
NK = 32
NROWS = BL * N * NK

_ti = np.round(np.linspace(T / NPTS / 2, T - 1 - T / NPTS / 2, NPTS)).astype(np.int32)
_hi = np.round(np.linspace(H / NPTS / 2, H - 1 - H / NPTS / 2, NPTS)).astype(np.int32)
_wi = np.round(np.linspace(W / NPTS / 2, W - 1 - W / NPTS / 2, NPTS)).astype(np.int32)
_tt = np.broadcast_to(_ti[:, None, None], (NPTS,) * 3).reshape(-1)
_hh = np.broadcast_to(_hi[None, :, None], (NPTS,) * 3).reshape(-1)
_ww = np.broadcast_to(_wi[None, None, :], (NPTS,) * 3).reshape(-1)
_V = (H * W * _tt + W * _hh + _ww).astype(np.int32)

_thw = np.stack([_tt / (T - 1), _hh / (H - 1), _ww / (W - 1)], -1)
_thw = np.clip(_thw, 0.0, 1.0)
_IST = np.log(np.clip(_thw, 1e-5, None) / np.clip(1.0 - _thw, 1e-5, None)).astype(np.float32)


def _sigmoid(x):
    return 1.0 / (1.0 + jnp.exp(-x))


def _stage_a(f_ref, p_ref, w1t_ref, b1_ref, w2t_ref, b2_ref, hw_ref, hb_ref,
             ist_ref, out_ref):
    fb = f_ref[0]
    glob = jnp.sum(fb, axis=0, keepdims=True) * (1.0 / THW)
    f_s = jnp.concatenate([fb[v:v + 1, :] for v in _V.tolist()], axis=0)
    x = jnp.concatenate([f_s, p_ref[0], jnp.broadcast_to(glob, (N, C))], axis=1)
    h1 = jnp.maximum(jnp.dot(x, w1t_ref[...], preferred_element_type=jnp.float32)
                     + b1_ref[...], 0.0)
    src = jnp.maximum(jnp.dot(h1, w2t_ref[...], preferred_element_type=jnp.float32)
                      + b2_ref[...], 0.0)
    heads = jnp.dot(src, hw_ref[...], preferred_element_type=jnp.float32) + hb_ref[...]
    nxt = heads[:, 0:3]
    wl_log = heads[:, 3:7]
    st = heads[:, 7:11]
    sh = heads[:, 11:15]
    sw = heads[:, 15:19]
    wo = _sigmoid(heads[:, 19:23])

    e = jnp.exp(wl_log - jnp.max(wl_log, axis=1, keepdims=True))
    s_l = jnp.sum(e / jnp.sum(e, axis=1, keepdims=True), axis=1, keepdims=True)

    ist = ist_ref[...]
    s0 = _sigmoid(ist[:, 0:1] + st) * 2.0 - 1.0
    s1 = _sigmoid(ist[:, 1:2] + sh) * 2.0 - 1.0
    s2 = _sigmoid(ist[:, 2:3] + sw) * 2.0 - 1.0
    ix = ((s0 + 1.0) * W - 1.0) * 0.5
    iy = ((s1 + 1.0) * H - 1.0) * 0.5
    iz = ((s2 + 1.0) * T - 1.0) * 0.5
    ix0 = jnp.floor(ix)
    iy0 = jnp.floor(iy)
    iz0 = jnp.floor(iz)
    fx = ix - ix0
    fy = iy - iy0
    fz = iz - iz0

    base = pl.program_id(0) * THW
    cw_cols = []
    ci_cols = []
    for dz in (0, 1):
        for dy in (0, 1):
            for dx in (0, 1):
                xi = ix0 + dx
                yi = iy0 + dy
                zi = iz0 + dz
                wgt = ((fx if dx else 1.0 - fx) * (fy if dy else 1.0 - fy)
                       * (fz if dz else 1.0 - fz))
                valid = ((xi >= 0) & (xi <= W - 1) & (yi >= 0) & (yi <= H - 1)
                         & (zi >= 0) & (zi <= T - 1))
                xc = jnp.clip(xi, 0, W - 1).astype(jnp.int32)
                yc = jnp.clip(yi, 0, H - 1).astype(jnp.int32)
                zc = jnp.clip(zi, 0, T - 1).astype(jnp.int32)
                fl = (zc * H + yc) * W + xc + base
                cw_cols.append(wgt * valid.astype(jnp.float32) * wo)
                ci_cols.append(fl.astype(jnp.float32))
    cw = jnp.concatenate(cw_cols, axis=1)
    ci = jnp.concatenate(ci_cols, axis=1)

    disp = _sigmoid(ist[:, 0:3] + nxt)
    d0 = jnp.round(disp[:, 0:1] * (T - 1.0))
    d1 = jnp.round(disp[:, 1:2] * (H - 1.0))
    d2 = jnp.round(disp[:, 2:3] * (W - 1.0))
    ni = (H * W) * d0 + W * d1 + d2

    out_ref[0] = jnp.concatenate(
        [f_s, cw, ci, s_l, ni, jnp.zeros((N, 512 - C - 2 * NK - 2), jnp.float32)], axis=1)


def _stage_c(g_ref, a_ref, lng_ref, lnb_ref, out_ref):
    a = a_ref[0]
    acc = a[:, 0:C]
    for kk in range(NK):
        acc = acc + g_ref[0, kk * N:(kk + 1) * N, :] * a[:, C + kk:C + kk + 1]
    v = acc * a[:, C + 2 * NK:C + 2 * NK + 1]
    mu = jnp.mean(v, axis=1, keepdims=True)
    var = jnp.mean((v - mu) ** 2, axis=1, keepdims=True)
    ln = (v - mu) * jax.lax.rsqrt(var + 1e-5) * lng_ref[...] + lnb_ref[...]
    out_ref[0] = jnp.broadcast_to(lnb_ref[...], (THW, C))
    for n, vx in enumerate(_V.tolist()):
        out_ref[0, vx:vx + 1, :] = ln[n:n + 1, :]


@functools.lru_cache(maxsize=1)
def _sc_gather_build():
    info = plsc.get_sparse_core_info()
    nw = info.num_cores * info.num_subcores
    rpw = NROWS // nw
    chunk = 128
    mesh = plsc.VectorSubcoreMesh(core_axis_name="c", subcore_axis_name="s")

    @functools.partial(
        pl.kernel,
        out_type=jax.ShapeDtypeStruct((NROWS, C), jnp.float32),
        mesh=mesh,
        scratch_types=[
            pltpu.VMEM((rpw,), jnp.int32),
            pltpu.VMEM((chunk, C), jnp.float32),
            pltpu.SemaphoreType.DMA,
        ],
    )
    def sc_gather(table_hbm, idx_hbm, out_hbm, idx_v, buf, sem):
        wid = lax.axis_index("s") * info.num_cores + lax.axis_index("c")
        base = wid * rpw
        pltpu.sync_copy(idx_hbm.at[pl.ds(base, rpw)], idx_v)
        for j in range(rpw // chunk):
            pltpu.async_copy(
                table_hbm.at[idx_v.at[pl.ds(j * chunk, chunk)]], buf, sem).wait()
            pltpu.sync_copy(buf, out_hbm.at[pl.ds(base + j * chunk, chunk)])

    return sc_gather


def _gather_rows(table, idx):
    return _sc_gather_build()(table, idx)


def kernel(features, pos, proj_w1, proj_b1, proj_w2, proj_b2, off_w, off_b,
           wo_w, wo_b, wl_w, wl_b, next_w, next_b, ln_g, ln_b):
    f_t = (features.reshape(B, C, THW, L).transpose(0, 3, 2, 1)
           .reshape(BL, THW, C))
    p_s = (pos.reshape(B, C, THW, L)[:, :, _V, :].transpose(0, 3, 2, 1)
           .reshape(BL, N, C))

    eye = jnp.eye(NO, dtype=jnp.float32)
    dd = C // NO

    def blockdiag(row):
        return (eye[:, None, :] * row[None, :, None]).reshape(C, NO)

    hw = jnp.concatenate(
        [next_w.T, wl_w.T, blockdiag(off_w[0]), blockdiag(off_w[1]),
         blockdiag(off_w[2]), blockdiag(wo_w[1] - wo_w[0]),
         jnp.zeros((C, 128 - 23), jnp.float32)], axis=1)
    hb = jnp.concatenate(
        [next_b, wl_b, jnp.full((NO,), off_b[0]), jnp.full((NO,), off_b[1]),
         jnp.full((NO,), off_b[2]), jnp.full((NO,), wo_b[1] - wo_b[0]),
         jnp.zeros((128 - 23,), jnp.float32)])[None, :]
    ist = jnp.concatenate(
        [jnp.asarray(_IST), jnp.zeros((N, 125), jnp.float32)], axis=1)

    out_a = pl.pallas_call(
        _stage_a,
        grid=(BL,),
        in_specs=[
            pl.BlockSpec((1, THW, C), lambda i: (i, 0, 0)),
            pl.BlockSpec((1, N, C), lambda i: (i, 0, 0)),
            pl.BlockSpec((3 * C, C), lambda i: (0, 0)),
            pl.BlockSpec((1, C), lambda i: (0, 0)),
            pl.BlockSpec((C, C), lambda i: (0, 0)),
            pl.BlockSpec((1, C), lambda i: (0, 0)),
            pl.BlockSpec((C, 128), lambda i: (0, 0)),
            pl.BlockSpec((1, 128), lambda i: (0, 0)),
            pl.BlockSpec((N, 128), lambda i: (0, 0)),
        ],
        out_specs=pl.BlockSpec((1, N, 512), lambda i: (i, 0, 0)),
        out_shape=jax.ShapeDtypeStruct((BL, N, 512), jnp.float32),
    )(f_t, p_s, proj_w1.T, proj_b1[None, :], proj_w2.T, proj_b2[None, :],
      hw, hb, ist)

    idx = (out_a[:, :, C + NK:C + 2 * NK].astype(jnp.int32)
           .transpose(0, 2, 1).reshape(NROWS))
    gathered = _gather_rows(f_t.reshape(BL * THW, C), idx)

    out_t = pl.pallas_call(
        _stage_c,
        grid=(BL,),
        in_specs=[
            pl.BlockSpec((1, N * NK, C), lambda i: (i, 0, 0)),
            pl.BlockSpec((1, N, 512), lambda i: (i, 0, 0)),
            pl.BlockSpec((1, C), lambda i: (0, 0)),
            pl.BlockSpec((1, C), lambda i: (0, 0)),
        ],
        out_specs=pl.BlockSpec((1, THW, C), lambda i: (i, 0, 0)),
        out_shape=jax.ShapeDtypeStruct((BL, THW, C), jnp.float32),
    )(gathered.reshape(BL, N * NK, C), out_a, ln_g[None, :], ln_b[None, :])

    feats4 = (out_t.reshape(B, L, THW, C).transpose(0, 3, 2, 1)
              .reshape(B, C, T, H, W, L))
    next_ind = (out_a[:, :, C + 2 * NK + 1].astype(jnp.int32)
                .reshape(B, L, N))
    return feats4, next_ind

# --- scband reference (transcript-rebuilt; emitter-appended) ---
"""Pipeline reference for scband-encoder-stage-24515673325823 (READ-ONLY COPY).

The authoritative reference and input builder live on the scoring server;
editing this copy changes nothing except your own understanding.
"""

import jax, jax.numpy as jnp
import numpy as np

B, C, T, H, W, L = 2, 256, 8, 24, 24, 4
NUM_PTS = 4
NUM_OFFSETS = 4
NUM_LEVELS = 4

def inverse_sigmoid(x, eps=1e-5):
    x = jnp.clip(x, 0.0, 1.0)
    x1 = jnp.clip(x, eps, None)
    x2 = jnp.clip(1.0 - x, eps, None)
    return jnp.log(x1 / x2)

def linear(x, w, b):
    return x @ w.T + b

def grid_sample_3d(inp, grid):
    # inp: (N, C, D, H, W); grid: (N, Do, Ho, Wo, 3); torch semantics: grid[...,0]=x(W), 1=y(H), 2=z(D)
    N, Cc, D, Hh, Ww = inp.shape
    Do, Ho, Wo = grid.shape[1:4]
    P = Do * Ho * Wo
    g = grid.reshape(N, P, 3)
    ix = ((g[..., 0] + 1.0) * Ww - 1.0) / 2.0
    iy = ((g[..., 1] + 1.0) * Hh - 1.0) / 2.0
    iz = ((g[..., 2] + 1.0) * D - 1.0) / 2.0
    ix0 = jnp.floor(ix); iy0 = jnp.floor(iy); iz0 = jnp.floor(iz)
    fx = ix - ix0; fy = iy - iy0; fz = iz - iz0
    flat_in = inp.reshape(N, Cc, D * Hh * Ww)
    out = jnp.zeros((N, Cc, P), dtype=inp.dtype)
    for dz in (0, 1):
        for dy in (0, 1):
            for dx in (0, 1):
                xi = ix0 + dx; yi = iy0 + dy; zi = iz0 + dz
                wgt = (fx if dx else 1.0 - fx) * (fy if dy else 1.0 - fy) * (fz if dz else 1.0 - fz)
                valid = (xi >= 0) & (xi <= Ww - 1) & (yi >= 0) & (yi <= Hh - 1) & (zi >= 0) & (zi <= D - 1)
                xc = jnp.clip(xi, 0, Ww - 1).astype(jnp.int32)
                yc = jnp.clip(yi, 0, Hh - 1).astype(jnp.int32)
                zc = jnp.clip(zi, 0, D - 1).astype(jnp.int32)
                fl = (zc * Hh + yc) * Ww + xc
                vals = jnp.take_along_axis(flat_in, fl[:, None, :], axis=2)
                out = out + vals * (wgt * valid.astype(inp.dtype))[:, None, :]
    return out.reshape(N, Cc, Do, Ho, Wo)

def uniform_indices():
    n = NUM_PTS
    ti = jnp.round(jnp.linspace(T / n / 2, T - 1 - T / n / 2, n)).astype(jnp.int32)
    hi = jnp.round(jnp.linspace(H / n / 2, H - 1 - H / n / 2, n)).astype(jnp.int32)
    wi = jnp.round(jnp.linspace(W / n / 2, W - 1 - W / n / 2, n)).astype(jnp.int32)
    tt = jnp.broadcast_to(ti[:, None, None], (n, n, n)).reshape(-1)
    hh = jnp.broadcast_to(hi[None, :, None], (n, n, n)).reshape(-1)
    ww = jnp.broadcast_to(wi[None, None, :], (n, n, n)).reshape(-1)
    flat = H * W * tt + W * hh + ww
    return jnp.broadcast_to(flat[None, None, :], (B, L, n * n * n))

def select_at(x, flat_idx):
    x_ = jnp.transpose(x, (0, 5, 2, 3, 4, 1)).reshape(B, L, T * H * W, C)
    return jnp.take_along_axis(x_, flat_idx[..., None], axis=2)

def setup_inputs(seed: int = 0):
    key = jax.random.key(seed)
    ks = jax.random.split(key, 12)
    s = 0.02
    d = C // NUM_OFFSETS
    return {
        'features': jax.random.normal(ks[0], (B, C, T, H, W, L), dtype=jnp.float32),
        'pos': jax.random.normal(ks[1], (B, C, T, H, W, L), dtype=jnp.float32),
        'proj_w1': jax.random.normal(ks[2], (C, 3 * C), dtype=jnp.float32) * s,
        'proj_b1': jnp.zeros((C,), jnp.float32),
        'proj_w2': jax.random.normal(ks[3], (C, C), dtype=jnp.float32) * s,
        'proj_b2': jnp.zeros((C,), jnp.float32),
        'off_w': jax.random.normal(ks[4], (3, d), dtype=jnp.float32) * s,
        'off_b': jnp.zeros((3,), jnp.float32),
        'wo_w': jax.random.normal(ks[5], (2, d), dtype=jnp.float32) * s,
        'wo_b': jnp.zeros((2,), jnp.float32),
        'wl_w': jax.random.normal(ks[6], (NUM_LEVELS, C), dtype=jnp.float32) * s,
        'wl_b': jnp.zeros((NUM_LEVELS,), jnp.float32),
        'next_w': jax.random.normal(ks[7], (3, C), dtype=jnp.float32) * s,
        'next_b': jnp.zeros((3,), jnp.float32),
        'ln_g': jnp.ones((C,), jnp.float32),
        'ln_b': jnp.zeros((C,), jnp.float32),
    }

def _forward(features, pos, proj_w1, proj_b1, proj_w2, proj_b2, off_w, off_b, wo_w, wo_b, wl_w, wl_b, next_w, next_b, ln_g, ln_b):
    THW = T * H * W
    No = NUM_OFFSETS
    ind_pts = uniform_indices()  # (B, L, N) int32
    sampled_pts = select_at(features, ind_pts)
    sampled_pos = select_at(pos, ind_pts)
    N = sampled_pts.shape[2]
    glob = features.mean(axis=(2, 3, 4))  # (B, C, L)
    glob_ = jnp.broadcast_to(jnp.transpose(glob, (0, 2, 1))[:, :, None, :], (B, L, N, C))
    src = jnp.concatenate([sampled_pts, sampled_pos, glob_], axis=-1)
    src = jax.nn.relu(linear(src, proj_w1, proj_b1))
    src = jax.nn.relu(linear(src, proj_w2, proj_b2))  # (B, L, N, C)
    nxt = linear(src, next_w, next_b)  # (B, L, N, 3)
    weight_l = jax.nn.softmax(linear(src, wl_w, wl_b), axis=-1)  # (B, L, N, 4)
    dd = C // No
    src_o = src.reshape(B, L, N, No, dd).transpose(0, 1, 3, 2, 4).reshape(B * L * No, N, dd)
    offset = linear(src_o, off_w, off_b)  # (BLNo, N, 3)
    weight_o = jax.nn.softmax(linear(src_o, wo_w, wo_b), axis=-1)[..., 1:]  # (BLNo, N, 1)
    Bn = B * L * No
    idx = jnp.broadcast_to(ind_pts[:, :, None, :], (B, L, No, N)).reshape(Bn, N)
    w_i = (idx % W) / (W - 1)
    h_i = (idx // W % H) / (H - 1)
    t_i = (idx // W // H) / (T - 1)
    thw = jnp.stack([t_i, h_i, w_i], axis=-1).astype(jnp.float32)
    src_coords = jax.nn.sigmoid(inverse_sigmoid(thw) + offset) * 2.0 - 1.0
    dt = jnp.linspace(-1.0, 1.0, T); dh = jnp.linspace(-1.0, 1.0, H); dw = jnp.linspace(-1.0, 1.0, W)
    mt, mh, mw = jnp.meshgrid(dt, dh, dw, indexing='ij')
    grid = jnp.broadcast_to(jnp.stack((mt, mh, mw), -1).reshape(1, THW, 3), (Bn, THW, 3)).astype(jnp.float32)
    bi = jnp.arange(Bn)[:, None]
    flow = grid.at[bi, idx].set(src_coords).reshape(Bn, T, H, W, 3)
    feats_rep = jnp.broadcast_to(features[:, None], (B, No, C, T, H, W, L))
    feats_rep = jnp.transpose(feats_rep, (0, 6, 1, 2, 3, 4, 5)).reshape(Bn, C, T, H, W)
    sampled_features = grid_sample_3d(feats_rep, flow)  # (Bn, C, T, H, W)
    sampled_features = jnp.transpose(sampled_features, (0, 2, 3, 4, 1))
    wo_full = jnp.zeros((Bn, THW), jnp.float32).at[bi, idx].set(weight_o[..., 0]).reshape(Bn, T, H, W, 1)
    ws = (sampled_features * wo_full).reshape(B, L, No, T, H, W, C)
    ws = jnp.transpose(ws, (0, 2, 6, 3, 4, 5, 1)).sum(axis=1)  # (B, C, T, H, W, L)
    feats2 = features + ws
    bI = jnp.arange(B)[:, None, None]
    lI = jnp.arange(L)[None, :, None]
    wl_full = jnp.zeros((B, L, THW, L), jnp.float32).at[bI, lI, ind_pts].set(weight_l)
    wl_full = jnp.transpose(wl_full.reshape(B, L, T, H, W, L), (0, 2, 3, 4, 1, 5))[:, None]  # (B,1,T,H,W,L,l)
    feats3 = (feats2[..., None] * wl_full).sum(axis=-1)  # (B,C,T,H,W,L)
    ft = jnp.swapaxes(feats3, 1, -1)  # (B,L,T,H,W,C)
    mu = ft.mean(axis=-1, keepdims=True)
    var = ft.var(axis=-1, keepdims=True)
    ft = (ft - mu) / jnp.sqrt(var + 1e-5) * ln_g + ln_b
    feats4 = jnp.swapaxes(ft, 1, -1)
    w_i2 = (ind_pts % W) / (W - 1)
    h_i2 = (ind_pts // W % H) / (H - 1)
    t_i2 = (ind_pts // W // H) / (T - 1)
    thw2 = jnp.stack([t_i2, h_i2, w_i2], axis=-1).astype(jnp.float32)
    disp = jax.nn.sigmoid(inverse_sigmoid(thw2) + nxt)
    scale = jnp.array([T - 1, H - 1, W - 1], jnp.float32)
    disp = jnp.round(disp * scale).astype(jnp.int32)
    next_ind = H * W * disp[..., 0] + W * disp[..., 1] + disp[..., 2]
    return feats4, next_ind

def reference(features, pos, proj_w1, proj_b1, proj_w2, proj_b2, off_w, off_b, wo_w, wo_b, wl_w, wl_b, next_w, next_b, ln_g, ln_b):
    return _forward(features, pos, proj_w1, proj_b1, proj_w2, proj_b2, off_w, off_b, wo_w, wo_b, wl_w, wl_b, next_w, next_b, ln_g, ln_b)

if __name__ == "__main__":
    import jax
    _d = setup_inputs()
    print(jax.jit(kernel)(*tuple(_d.values())))

</pallas_src>

<mosaic_0001>
#map = affine_map<(d0, d1) -> (0, 0)>
#map1 = affine_map<(d0, d1) -> (0)>
module attributes {stable_mosaic.version = 14 : i64} {
  func.func @sc_gather(%arg0: i32, %arg1: i32, %arg2: memref<36864x256xf32, #tpu.memory_space<hbm>>, %arg3: memref<16384xi32, #tpu.memory_space<hbm>>, %arg4: memref<16384x256xf32, #tpu.memory_space<hbm>>, %arg5: memref<512xi32, #tpu.memory_space<vmem>>, %arg6: memref<128x256xf32, #tpu.memory_space<vmem>>, %arg7: memref<!tpu.dma_semaphore, #tpu.memory_space<semaphore_mem>>) attributes {dimension_semantics = [#tpu.dimension_semantics<core_parallel>, #tpu.dimension_semantics<subcore_parallel>], iteration_bounds = array<i64: 2, 16>, scalar_prefetch = 0 : i64, scratch_operands = 3 : i64, tpu.core_type = #tpu.core_type<sc_vector_subcore>, window_params = [{transform_indices = #map}, {transform_indices = #map1}, {transform_indices = #map}]} {
    %mul3A = arith.constant 2 : i32
    %mul3A_0 = arith.muli %arg1, %mul3A : i32
    %add3A = arith.addi %mul3A_0, %arg0 : i32
    %mul3A_1 = arith.constant 512 : i32
    %mul3A_2 = arith.muli %add3A, %mul3A_1 : i32
    "tpu.region"() ({
      %run_scoped3A = tpu.sem_alloc : memref<!tpu.dma_semaphore, #tpu.memory_space<semaphore_mem>>
      %dma_start3A_49 = tpu.memref_slice %arg3[%mul3A_2] : memref<16384xi32, #tpu.memory_space<hbm>> -> memref<512xi32, #tpu.memory_space<hbm>>
      %dma_start3A_50 = tpu.memref_slice %arg3[%mul3A_2] : memref<16384xi32, #tpu.memory_space<hbm>> -> memref<512xi32, #tpu.memory_space<hbm>>
      tpu.enqueue_dma source(%dma_start3A_50 : memref<512xi32, #tpu.memory_space<hbm>>) target(%arg5 : memref<512xi32, #tpu.memory_space<vmem>>) target_semaphore(%run_scoped3A : memref<!tpu.dma_semaphore, #tpu.memory_space<semaphore_mem>>)
      %dma_wait3A_51 = tpu.memref_slice %arg3[%mul3A_2] : memref<16384xi32, #tpu.memory_space<hbm>> -> memref<512xi32, #tpu.memory_space<hbm>>
      %dma_wait3A_52 = tpu.memref_slice %arg3[%mul3A_2] : memref<16384xi32, #tpu.memory_space<hbm>> -> memref<512xi32, #tpu.memory_space<hbm>>
      tpu.wait_dma2 semaphore(%run_scoped3A : memref<!tpu.dma_semaphore, #tpu.memory_space<semaphore_mem>>) src(%dma_wait3A_52 : memref<512xi32, #tpu.memory_space<hbm>>) dst(%arg5 : memref<512xi32, #tpu.memory_space<vmem>>)
      tpu.yield
    }) : () -> ()
    %dma_start3A = arith.constant 0 : i32
    %dma_start3A_3 = tpu.memref_slice %arg5[%dma_start3A] : memref<512xi32, #tpu.memory_space<vmem>> -> memref<128xi32, #tpu.memory_space<vmem>>
    %dma_start3A_4 = arith.constant 0 : i32
    %dma_start3A_5 = arith.constant 0 : i32
    %dma_start3A_6 = tpu.memref_slice %arg2[%dma_start3A_4, %dma_start3A_5] : memref<36864x256xf32, #tpu.memory_space<hbm>> -> memref<36864x256xf32, #tpu.memory_space<hbm>>
    tpu.enqueue_indirect_dma source(%dma_start3A_6 : memref<36864x256xf32, #tpu.memory_space<hbm>>) target(%arg6 : memref<128x256xf32, #tpu.memory_space<vmem>>) offsets(%dma_start3A_3 : memref<128xi32, #tpu.memory_space<vmem>>) semaphore(%arg7 : memref<!tpu.dma_semaphore, #tpu.memory_space<semaphore_mem>>)
    %dma_wait3A = arith.constant 0 : i32
    %dma_wait3A_7 = tpu.memref_slice %arg5[%dma_wait3A] : memref<512xi32, #tpu.memory_space<vmem>> -> memref<128xi32, #tpu.memory_space<vmem>>
    %dma_wait3A_8 = arith.constant 0 : i32
    %dma_wait3A_9 = arith.constant 0 : i32
    %dma_wait3A_10 = tpu.memref_slice %arg2[%dma_wait3A_8, %dma_wait3A_9] : memref<36864x256xf32, #tpu.memory_space<hbm>> -> memref<36864x256xf32, #tpu.memory_space<hbm>>
    tpu.wait_indirect_dma semaphore(%arg7 : memref<!tpu.dma_semaphore, #tpu.memory_space<semaphore_mem>>) src(%dma_wait3A_10 : memref<36864x256xf32, #tpu.memory_space<hbm>>) dst(%arg6 : memref<128x256xf32, #tpu.memory_space<vmem>>)
    %add3A_11 = arith.constant 0 : i32
    %add3A_12 = arith.addi %mul3A_2, %add3A_11 : i32
    "tpu.region"() ({
      %run_scoped3A = tpu.sem_alloc : memref<!tpu.dma_semaphore, #tpu.memory_space<semaphore_mem>>
      %dma_start3A_49 = arith.constant 0 : i32
      %dma_start3A_50 = tpu.memref_slice %arg4[%add3A_12, %dma_start3A_49] : memref<16384x256xf32, #tpu.memory_space<hbm>> -> memref<128x256xf32, #tpu.memory_space<hbm>>
      %dma_start3A_51 = arith.constant 0 : i32
      %dma_start3A_52 = tpu.memref_slice %arg4[%add3A_12, %dma_start3A_51] : memref<16384x256xf32, #tpu.memory_space<hbm>> -> memref<128x256xf32, #tpu.memory_space<hbm>>
      tpu.enqueue_dma source(%arg6 : memref<128x256xf32, #tpu.memory_space<vmem>>) target(%dma_start3A_52 : memref<128x256xf32, #tpu.memory_space<hbm>>) target_semaphore(%run_scoped3A : memref<!tpu.dma_semaphore, #tpu.memory_space<semaphore_mem>>)
      %dma_wait3A_53 = arith.constant 0 : i32
      %dma_wait3A_54 = tpu.memref_slice %arg4[%add3A_12, %dma_wait3A_53] : memref<16384x256xf32, #tpu.memory_space<hbm>> -> memref<128x256xf32, #tpu.memory_space<hbm>>
      %dma_wait3A_55 = arith.constant 0 : i32
      %dma_wait3A_56 = tpu.memref_slice %arg4[%add3A_12, %dma_wait3A_55] : memref<16384x256xf32, #tpu.memory_space<hbm>> -> memref<128x256xf32, #tpu.memory_space<hbm>>
      tpu.wait_dma2 semaphore(%run_scoped3A : memref<!tpu.dma_semaphore, #tpu.memory_space<semaphore_mem>>) src(%arg6 : memref<128x256xf32, #tpu.memory_space<vmem>>) dst(%dma_wait3A_56 : memref<128x256xf32, #tpu.memory_space<hbm>>)
      tpu.yield
    }) : () -> ()
    %dma_start3A_13 = arith.constant 128 : i32
    %dma_start3A_14 = tpu.memref_slice %arg5[%dma_start3A_13] : memref<512xi32, #tpu.memory_space<vmem>> -> memref<128xi32, #tpu.memory_space<vmem>>
    %dma_start3A_15 = arith.constant 0 : i32
    %dma_start3A_16 = arith.constant 0 : i32
    %dma_start3A_17 = tpu.memref_slice %arg2[%dma_start3A_15, %dma_start3A_16] : memref<36864x256xf32, #tpu.memory_space<hbm>> -> memref<36864x256xf32, #tpu.memory_space<hbm>>
    tpu.enqueue_indirect_dma source(%dma_start3A_17 : memref<36864x256xf32, #tpu.memory_space<hbm>>) target(%arg6 : memref<128x256xf32, #tpu.memory_space<vmem>>) offsets(%dma_start3A_14 : memref<128xi32, #tpu.memory_space<vmem>>) semaphore(%arg7 : memref<!tpu.dma_semaphore, #tpu.memory_space<semaphore_mem>>)
    %dma_wait3A_18 = arith.constant 128 : i32
    %dma_wait3A_19 = tpu.memref_slice %arg5[%dma_wait3A_18] : memref<512xi32, #tpu.memory_space<vmem>> -> memref<128xi32, #tpu.memory_space<vmem>>
    %dma_wait3A_20 = arith.constant 0 : i32
    %dma_wait3A_21 = arith.constant 0 : i32
    %dma_wait3A_22 = tpu.memref_slice %arg2[%dma_wait3A_20, %dma_wait3A_21] : memref<36864x256xf32, #tpu.memory_space<hbm>> -> memref<36864x256xf32, #tpu.memory_space<hbm>>
    tpu.wait_indirect_dma semaphore(%arg7 : memref<!tpu.dma_semaphore, #tpu.memory_space<semaphore_mem>>) src(%dma_wait3A_22 : memref<36864x256xf32, #tpu.memory_space<hbm>>) dst(%arg6 : memref<128x256xf32, #tpu.memory_space<vmem>>)
    %add3A_23 = arith.constant 128 : i32
    %add3A_24 = arith.addi %mul3A_2, %add3A_23 : i32
    "tpu.region"() ({
      %run_scoped3A = tpu.sem_alloc : memref<!tpu.dma_semaphore, #tpu.memory_space<semaphore_mem>>
      %dma_start3A_49 = arith.constant 0 : i32
      %dma_start3A_50 = tpu.memref_slice %arg4[%add3A_24, %dma_start3A_49] : memref<16384x256xf32, #tpu.memory_space<hbm>> -> memref<128x256xf32, #tpu.memory_space<hbm>>
      %dma_start3A_51 = arith.constant 0 : i32
      %dma_start3A_52 = tpu.memref_slice %arg4[%add3A_24, %dma_start3A_51] : memref<16384x256xf32, #tpu.memory_space<hbm>> -> memref<128x256xf32, #tpu.memory_space<hbm>>
      tpu.enqueue_dma source(%arg6 : memref<128x256xf32, #tpu.memory_space<vmem>>) target(%dma_start3A_52 : memref<128x256xf32, #tpu.memory_space<hbm>>) target_semaphore(%run_scoped3A : memref<!tpu.dma_semaphore, #tpu.memory_space<semaphore_mem>>)
      %dma_wait3A_53 = arith.constant 0 : i32
      %dma_wait3A_54 = tpu.memref_slice %arg4[%add3A_24, %dma_wait3A_53] : memref<16384x256xf32, #tpu.memory_space<hbm>> -> memref<128x256xf32, #tpu.memory_space<hbm>>
      %dma_wait3A_55 = arith.constant 0 : i32
      %dma_wait3A_56 = tpu.memref_slice %arg4[%add3A_24, %dma_wait3A_55] : memref<16384x256xf32, #tpu.memory_space<hbm>> -> memref<128x256xf32, #tpu.memory_space<hbm>>
      tpu.wait_dma2 semaphore(%run_scoped3A : memref<!tpu.dma_semaphore, #tpu.memory_space<semaphore_mem>>) src(%arg6 : memref<128x256xf32, #tpu.memory_space<vmem>>) dst(%dma_wait3A_56 : memref<128x256xf32, #tpu.memory_space<hbm>>)
      tpu.yield
    }) : () -> ()
    %dma_start3A_25 = arith.constant 256 : i32
    %dma_start3A_26 = tpu.memref_slice %arg5[%dma_start3A_25] : memref<512xi32, #tpu.memory_space<vmem>> -> memref<128xi32, #tpu.memory_space<vmem>>
    %dma_start3A_27 = arith.constant 0 : i32
    %dma_start3A_28 = arith.constant 0 : i32
    %dma_start3A_29 = tpu.memref_slice %arg2[%dma_start3A_27, %dma_start3A_28] : memref<36864x256xf32, #tpu.memory_space<hbm>> -> memref<36864x256xf32, #tpu.memory_space<hbm>>
    tpu.enqueue_indirect_dma source(%dma_start3A_29 : memref<36864x256xf32, #tpu.memory_space<hbm>>) target(%arg6 : memref<128x256xf32, #tpu.memory_space<vmem>>) offsets(%dma_start3A_26 : memref<128xi32, #tpu.memory_space<vmem>>) semaphore(%arg7 : memref<!tpu.dma_semaphore, #tpu.memory_space<semaphore_mem>>)
    %dma_wait3A_30 = arith.constant 256 : i32
    %dma_wait3A_31 = tpu.memref_slice %arg5[%dma_wait3A_30] : memref<512xi32, #tpu.memory_space<vmem>> -> memref<128xi32, #tpu.memory_space<vmem>>
    %dma_wait3A_32 = arith.constant 0 : i32
    %dma_wait3A_33 = arith.constant 0 : i32
    %dma_wait3A_34 = tpu.memref_slice %arg2[%dma_wait3A_32, %dma_wait3A_33] : memref<36864x256xf32, #tpu.memory_space<hbm>> -> memref<36864x256xf32, #tpu.memory_space<hbm>>
    tpu.wait_indirect_dma semaphore(%arg7 : memref<!tpu.dma_semaphore, #tpu.memory_space<semaphore_mem>>) src(%dma_wait3A_34 : memref<36864x256xf32, #tpu.memory_space<hbm>>) dst(%arg6 : memref<128x256xf32, #tpu.memory_space<vmem>>)
    %add3A_35 = arith.constant 256 : i32
    %add3A_36 = arith.addi %mul3A_2, %add3A_35 : i32
    "tpu.region"() ({
      %run_scoped3A = tpu.sem_alloc : memref<!tpu.dma_semaphore, #tpu.memory_space<semaphore_mem>>
      %dma_start3A_49 = arith.constant 0 : i32
      %dma_start3A_50 = tpu.memref_slice %arg4[%add3A_36, %dma_start3A_49] : memref<16384x256xf32, #tpu.memory_space<hbm>> -> memref<128x256xf32, #tpu.memory_space<hbm>>
      %dma_start3A_51 = arith.constant 0 : i32
      %dma_start3A_52 = tpu.memref_slice %arg4[%add3A_36, %dma_start3A_51] : memref<16384x256xf32, #tpu.memory_space<hbm>> -> memref<128x256xf32, #tpu.memory_space<hbm>>
      tpu.enqueue_dma source(%arg6 : memref<128x256xf32, #tpu.memory_space<vmem>>) target(%dma_start3A_52 : memref<128x256xf32, #tpu.memory_space<hbm>>) target_semaphore(%run_scoped3A : memref<!tpu.dma_semaphore, #tpu.memory_space<semaphore_mem>>)
      %dma_wait3A_53 = arith.constant 0 : i32
      %dma_wait3A_54 = tpu.memref_slice %arg4[%add3A_36, %dma_wait3A_53] : memref<16384x256xf32, #tpu.memory_space<hbm>> -> memref<128x256xf32, #tpu.memory_space<hbm>>
      %dma_wait3A_55 = arith.constant 0 : i32
      %dma_wait3A_56 = tpu.memref_slice %arg4[%add3A_36, %dma_wait3A_55] : memref<16384x256xf32, #tpu.memory_space<hbm>> -> memref<128x256xf32, #tpu.memory_space<hbm>>
      tpu.wait_dma2 semaphore(%run_scoped3A : memref<!tpu.dma_semaphore, #tpu.memory_space<semaphore_mem>>) src(%arg6 : memref<128x256xf32, #tpu.memory_space<vmem>>) dst(%dma_wait3A_56 : memref<128x256xf32, #tpu.memory_space<hbm>>)
      tpu.yield
    }) : () -> ()
    %dma_start3A_37 = arith.constant 384 : i32
    %dma_start3A_38 = tpu.memref_slice %arg5[%dma_start3A_37] : memref<512xi32, #tpu.memory_space<vmem>> -> memref<128xi32, #tpu.memory_space<vmem>>
    %dma_start3A_39 = arith.constant 0 : i32
    %dma_start3A_40 = arith.constant 0 : i32
    %dma_start3A_41 = tpu.memref_slice %arg2[%dma_start3A_39, %dma_start3A_40] : memref<36864x256xf32, #tpu.memory_space<hbm>> -> memref<36864x256xf32, #tpu.memory_space<hbm>>
    tpu.enqueue_indirect_dma source(%dma_start3A_41 : memref<36864x256xf32, #tpu.memory_space<hbm>>) target(%arg6 : memref<128x256xf32, #tpu.memory_space<vmem>>) offsets(%dma_start3A_38 : memref<128xi32, #tpu.memory_space<vmem>>) semaphore(%arg7 : memref<!tpu.dma_semaphore, #tpu.memory_space<semaphore_mem>>)
    %dma_wait3A_42 = arith.constant 384 : i32
    %dma_wait3A_43 = tpu.memref_slice %arg5[%dma_wait3A_42] : memref<512xi32, #tpu.memory_space<vmem>> -> memref<128xi32, #tpu.memory_space<vmem>>
    %dma_wait3A_44 = arith.constant 0 : i32
    %dma_wait3A_45 = arith.constant 0 : i32
    %dma_wait3A_46 = tpu.memref_slice %arg2[%dma_wait3A_44, %dma_wait3A_45] : memref<36864x256xf32, #tpu.memory_space<hbm>> -> memref<36864x256xf32, #tpu.memory_space<hbm>>
    tpu.wait_indirect_dma semaphore(%arg7 : memref<!tpu.dma_semaphore, #tpu.memory_space<semaphore_mem>>) src(%dma_wait3A_46 : memref<36864x256xf32, #tpu.memory_space<hbm>>) dst(%arg6 : memref<128x256xf32, #tpu.memory_space<vmem>>)
    %add3A_47 = arith.constant 384 : i32
    %add3A_48 = arith.addi %mul3A_2, %add3A_47 : i32
    "tpu.region"() ({
      %run_scoped3A = tpu.sem_alloc : memref<!tpu.dma_semaphore, #tpu.memory_space<semaphore_mem>>
      %dma_start3A_49 = arith.constant 0 : i32
      %dma_start3A_50 = tpu.memref_slice %arg4[%add3A_48, %dma_start3A_49] : memref<16384x256xf32, #tpu.memory_space<hbm>> -> memref<128x256xf32, #tpu.memory_space<hbm>>
      %dma_start3A_51 = arith.constant 0 : i32
      %dma_start3A_52 = tpu.memref_slice %arg4[%add3A_48, %dma_start3A_51] : memref<16384x256xf32, #tpu.memory_space<hbm>> -> memref<128x256xf32, #tpu.memory_space<hbm>>
      tpu.enqueue_dma source(%arg6 : memref<128x256xf32, #tpu.memory_space<vmem>>) target(%dma_start3A_52 : memref<128x256xf32, #tpu.memory_space<hbm>>) target_semaphore(%run_scoped3A : memref<!tpu.dma_semaphore, #tpu.memory_space<semaphore_mem>>)
      %dma_wait3A_53 = arith.constant 0 : i32
      %dma_wait3A_54 = tpu.memref_slice %arg4[%add3A_48, %dma_wait3A_53] : memref<16384x256xf32, #tpu.memory_space<hbm>> -> memref<128x256xf32, #tpu.memory_space<hbm>>
      %dma_wait3A_55 = arith.constant 0 : i32
      %dma_wait3A_56 = tpu.memref_slice %arg4[%add3A_48, %dma_wait3A_55] : memref<16384x256xf32, #tpu.memory_space<hbm>> -> memref<128x256xf32, #tpu.memory_space<hbm>>
      tpu.wait_dma2 semaphore(%run_scoped3A : memref<!tpu.dma_semaphore, #tpu.memory_space<semaphore_mem>>) src(%arg6 : memref<128x256xf32, #tpu.memory_space<vmem>>) dst(%dma_wait3A_56 : memref<128x256xf32, #tpu.memory_space<hbm>>)
      tpu.yield
    }) : () -> ()
    return
  }
}

module attributes {stable_mosaic.version = 14 : i64} {
  func.func @_stage_a(%arg0: i32, %arg1: memref<1x4608x256xf32, #tpu.memory_space<vmem>>, %arg2: memref<1x64x256xf32, #tpu.memory_space<vmem>>, %arg3: memref<768x256xf32, #tpu.memory_space<vmem>>, %arg4: memref<1x256xf32, #tpu.memory_space<vmem>>, %arg5: memref<256x256xf32, #tpu.memory_space<vmem>>, %arg6: memref<1x256xf32, #tpu.memory_space<vmem>>, %arg7: memref<256x128xf32, #tpu.memory_space<vmem>>, %arg8: memref<1x128xf32, #tpu.memory_space<vmem>>, %arg9: memref<64x128xf32, #tpu.memory_space<vmem>>, %arg10: memref<1x64x512xf32, #tpu.memory_space<vmem>>) attributes {dimension_semantics = [#tpu.dimension_semantics<arbitrary>], iteration_bounds = array<i64: 8>, scalar_prefetch = 0 : i64, scratch_operands = 0 : i64, tpu.core_type = #tpu.core_type<tc>, window_params = [{transform_indices = @transform_0, window_bounds = array<i64: 1, 4608, 256>}, {transform_indices = @transform_1, window_bounds = array<i64: 1, 64, 256>}, {pipeline_mode = #tpu.pipeline_mode<synchronous>, transform_indices = @transform_2, window_bounds = array<i64: 768, 256>}, {pipeline_mode = #tpu.pipeline_mode<synchronous>, transform_indices = @transform_3, window_bounds = array<i64: 1, 256>}, {pipeline_mode = #tpu.pipeline_mode<synchronous>, transform_indices = @transform_4, window_bounds = array<i64: 256, 256>}, {pipeline_mode = #tpu.pipeline_mode<synchronous>, transform_indices = @transform_5, window_bounds = array<i64: 1, 256>}, {pipeline_mode = #tpu.pipeline_mode<synchronous>, transform_indices = @transform_6, window_bounds = array<i64: 256, 128>}, {pipeline_mode = #tpu.pipeline_mode<synchronous>, transform_indices = @transform_7, window_bounds = array<i64: 1, 128>}, {pipeline_mode = #tpu.pipeline_mode<synchronous>, transform_indices = @transform_8, window_bounds = array<i64: 64, 128>}, {transform_indices = @transform_9, window_bounds = array<i64: 1, 64, 512>}]} {
    %get3A = arith.constant 0 : index
    %get3A_0 = arith.constant 0 : index
    %get3A_1 = arith.constant 0 : index
    %get3A_2 = vector.load %arg1[%get3A, %get3A_0, %get3A_1] : memref<1x4608x256xf32, #tpu.memory_space<vmem>>, vector<1x4608x256xf32>
    %get3A_3 = vector.shape_cast %get3A_2 : vector<1x4608x256xf32> to vector<4608x256xf32>
    %reduce_sum3A = arith.constant dense<0.000000e+00> : vector<256xf32>
    %reduce_sum3A_4 = vector.multi_reduction <add>, %get3A_3, %reduce_sum3A [0] : vector<4608x256xf32> to vector<256xf32>
    %broadcast_in_dim3A = vector.shape_cast %reduce_sum3A_4 : vector<256xf32> to vector<1x256xf32>
    %mul3A = arith.constant 2.17013891E-4 : f32
    %mul3A_5 = vector.broadcast %mul3A : f32 to vector<1x256xf32>
    %mul3A_6 = arith.mulf %broadcast_in_dim3A, %mul3A_5 : vector<1x256xf32>
    %slice3A = vector.extract_strided_slice %get3A_3 {offsets = [651, 0], sizes = [1, 256], strides = [1, 1]} : vector<4608x256xf32> to vector<1x256xf32>
    %slice3A_7 = vector.extract_strided_slice %get3A_3 {offsets = [657, 0], sizes = [1, 256], strides = [1, 1]} : vector<4608x256xf32> to vector<1x256xf32>
    %slice3A_8 = vector.extract_strided_slice %get3A_3 {offsets = [662, 0], sizes = [1, 256], strides = [1, 1]} : vector<4608x256xf32> to vector<1x256xf32>
    %slice3A_9 = vector.extract_strided_slice %get3A_3 {offsets = [668, 0], sizes = [1, 256], strides = [1, 1]} : vector<4608x256xf32> to vector<1x256xf32>
    %slice3A_10 = vector.extract_strided_slice %get3A_3 {offsets = [795, 0], sizes = [1, 256], strides = [1, 1]} : vector<4608x256xf32> to vector<1x256xf32>
    %slice3A_11 = vector.extract_strided_slice %get3A_3 {offsets = [801, 0], sizes = [1, 256], strides = [1, 1]} : vector<4608x256xf32> to vector<1x256xf32>
    %slice3A_12 = vector.extract_strided_slice %get3A_3 {offsets = [806, 0], sizes = [1, 256], strides = [1, 1]} : vector<4608x256xf32> to vector<1x256xf32>
    %slice3A_13 = vector.extract_strided_slice %get3A_3 {offsets = [812, 0], sizes = [1, 256], strides = [1, 1]} : vector<4608x256xf32> to vector<1x256xf32>
    %slice3A_14 = vector.extract_strided_slice %get3A_3 {offsets = [915, 0], sizes = [1, 256], strides = [1, 1]} : vector<4608x256xf32> to vector<1x256xf32>
    %slice3A_15 = vector.extract_strided_slice %get3A_3 {offsets = [921, 0], sizes = [1, 256], strides = [1, 1]} : vector<4608x256xf32> to vector<1x256xf32>
    %slice3A_16 = vector.extract_strided_slice %get3A_3 {offsets = [926, 0], sizes = [1, 256], strides = [1, 1]} : vector<4608x256xf32> to vector<1x256xf32>
    %slice3A_17 = vector.extract_strided_slice %get3A_3 {offsets = [932, 0], sizes = [1, 256], strides = [1, 1]} : vector<4608x256xf32> to vector<1x256xf32>
    %slice3A_18 = vector.extract_strided_slice %get3A_3 {offsets = [1059, 0], sizes = [1, 256], strides = [1, 1]} : vector<4608x256xf32> to vector<1x256xf32>
    %slice3A_19 = vector.extract_strided_slice %get3A_3 {offsets = [1065, 0], sizes = [1, 256], strides = [1, 1]} : vector<4608x256xf32> to vector<1x256xf32>
    %slice3A_20 = vector.extract_strided_slice %get3A_3 {offsets = [1070, 0], sizes = [1, 256], strides = [1, 1]} : vector<4608x256xf32> to vector<1x256xf32>
    %slice3A_21 = vector.extract_strided_slice %get3A_3 {offsets = [1076, 0], sizes = [1, 256], strides = [1, 1]} : vector<4608x256xf32> to vector<1x256xf32>
    %slice3A_22 = vector.extract_strided_slice %get3A_3 {offsets = [1803, 0], sizes = [1, 256], strides = [1, 1]} : vector<4608x256xf32> to vector<1x256xf32>
    %slice3A_23 = vector.extract_strided_slice %get3A_3 {offsets = [1809, 0], sizes = [1, 256], strides = [1, 1]} : vector<4608x256xf32> to vector<1x256xf32>
    %slice3A_24 = vector.extract_strided_slice %get3A_3 {offsets = [1814, 0], sizes = [1, 256], strides = [1, 1]} : vector<4608x256xf32> to vector<1x256xf32>
    %slice3A_25 = vector.extract_strided_slice %get3A_3 {offsets = [1820, 0], sizes = [1, 256], strides = [1, 1]} : vector<4608x256xf32> to vector<1x256xf32>
    %slice3A_26 = vector.extract_strided_slice %get3A_3 {offsets = [1947, 0], sizes = [1, 256], strides = [1, 1]} : vector<4608x256xf32> to vector<1x256xf32>
    %slice3A_27 = vector.extract_strided_slice %get3A_3 {offsets = [1953, 0], sizes = [1, 256], strides = [1, 1]} : vector<4608x256xf32> to vector<1x256xf32>
    %slice3A_28 = vector.extract_strided_slice %get3A_3 {offsets = [1958, 0], sizes = [1, 256], strides = [1, 1]} : vector<4608x256xf32> to vector<1x256xf32>
    %slice3A_29 = vector.extract_strided_slice %get3A_3 {offsets = [1964, 0], sizes = [1, 256], strides = [1, 1]} : vector<4608x256xf32> to vector<1x256xf32>
    %slice3A_30 = vector.extract_strided_slice %get3A_3 {offsets = [2067, 0], sizes = [1, 256], strides = [1, 1]} : vector<4608x256xf32> to vector<1x256xf32>
    %slice3A_31 = vector.extract_strided_slice %get3A_3 {offsets = [2073, 0], sizes = [1, 256], strides = [1, 1]} : vector<4608x256xf32> to vector<1x256xf32>
    %slice3A_32 = vector.extract_strided_slice %get3A_3 {offsets = [2078, 0], sizes = [1, 256], strides = [1, 1]} : vector<4608x256xf32> to vector<1x256xf32>
    %slice3A_33 = vector.extract_strided_slice %get3A_3 {offsets = [2084, 0], sizes = [1, 256], strides = [1, 1]} : vector<4608x256xf32> to vector<1x256xf32>
    %slice3A_34 = vector.extract_strided_slice %get3A_3 {offsets = [2211, 0], sizes = [1, 256], strides = [1, 1]} : vector<4608x256xf32> to vector<1x256xf32>
    %slice3A_35 = vector.extract_strided_slice %get3A_3 {offsets = [2217, 0], sizes = [1, 256], strides = [1, 1]} : vector<4608x256xf32> to vector<1x256xf32>
    %slice3A_36 = vector.extract_strided_slice %get3A_3 {offsets = [2222, 0], sizes = [1, 256], strides = [1, 1]} : vector<4608x256xf32> to vector<1x256xf32>
    %slice3A_37 = vector.extract_strided_slice %get3A_3 {offsets = [2228, 0], sizes = [1, 256], strides = [1, 1]} : vector<4608x256xf32> to vector<1x256xf32>
    %slice3A_38 = vector.extract_strided_slice %get3A_3 {offsets = [2379, 0], sizes = [1, 256], strides = [1, 1]} : vector<4608x256xf32> to vector<1x256xf32>
    %slice3A_39 = vector.extract_strided_slice %get3A_3 {offsets = [2385, 0], sizes = [1, 256], strides = [1, 1]} : vector<4608x256xf32> to vector<1x256xf32>
    %slice3A_40 = vector.extract_strided_slice %get3A_3 {offsets = [2390, 0], sizes = [1, 256], strides = [1, 1]} : vector<4608x256xf32> to vector<1x256xf32>
    %slice3A_41 = vector.extract_strided_slice %get3A_3 {offsets = [2396, 0], sizes = [1, 256], strides = [1, 1]} : vector<4608x256xf32> to vector<1x256xf32>
    %slice3A_42 = vector.extract_strided_slice %get3A_3 {offsets = [2523, 0], sizes = [1, 256], strides = [1, 1]} : vector<4608x256xf32> to vector<1x256xf32>
    %slice3A_43 = vector.extract_strided_slice %get3A_3 {offsets = [2529, 0], sizes = [1, 256], strides = [1, 1]} : vector<4608x256xf32> to vector<1x256xf32>
    %slice3A_44 = vector.extract_strided_slice %get3A_3 {offsets = [2534, 0], sizes = [1, 256], strides = [1, 1]} : vector<4608x256xf32> to vector<1x256xf32>
    %slice3A_45 = vector.extract_strided_slice %get3A_3 {offsets = [2540, 0], sizes = [1, 256], strides = [1, 1]} : vector<4608x256xf32> to vector<1x256xf32>
    %slice3A_46 = vector.extract_strided_slice %get3A_3 {offsets = [2643, 0], sizes = [1, 256], strides = [1, 1]} : vector<4608x256xf32> to vector<1x256xf32>
    %slice3A_47 = vector.extract_strided_slice %get3A_3 {offsets = [2649, 0], sizes = [1, 256], strides = [1, 1]} : vector<4608x256xf32> to vector<1x256xf32>
    %slice3A_48 = vector.extract_strided_slice %get3A_3 {offsets = [2654, 0], sizes = [1, 256], strides = [1, 1]} : vector<4608x256xf32> to vector<1x256xf32>
    %slice3A_49 = vector.extract_strided_slice %get3A_3 {offsets = [2660, 0], sizes = [1, 256], strides = [1, 1]} : vector<4608x256xf32> to vector<1x256xf32>
    %slice3A_50 = vector.extract_strided_slice %get3A_3 {offsets = [2787, 0], sizes = [1, 256], strides = [1, 1]} : vector<4608x256xf32> to vector<1x256xf32>
    %slice3A_51 = vector.extract_strided_slice %get3A_3 {offsets = [2793, 0], sizes = [1, 256], strides = [1, 1]} : vector<4608x256xf32> to vector<1x256xf32>
    %slice3A_52 = vector.extract_strided_slice %get3A_3 {offsets = [2798, 0], sizes = [1, 256], strides = [1, 1]} : vector<4608x256xf32> to vector<1x256xf32>
    %slice3A_53 = vector.extract_strided_slice %get3A_3 {offsets = [2804, 0], sizes = [1, 256], strides = [1, 1]} : vector<4608x256xf32> to vector<1x256xf32>
    %slice3A_54 = vector.extract_strided_slice %get3A_3 {offsets = [3531, 0], sizes = [1, 256], strides = [1, 1]} : vector<4608x256xf32> to vector<1x256xf32>
    %slice3A_55 = vector.extract_strided_slice %get3A_3 {offsets = [3537, 0], sizes = [1, 256], strides = [1, 1]} : vector<4608x256xf32> to vector<1x256xf32>
    %slice3A_56 = vector.extract_strided_slice %get3A_3 {offsets = [3542, 0], sizes = [1, 256], strides = [1, 1]} : vector<4608x256xf32> to vector<1x256xf32>
    %slice3A_57 = vector.extract_strided_slice %get3A_3 {offsets = [3548, 0], sizes = [1, 256], strides = [1, 1]} : vector<4608x256xf32> to vector<1x256xf32>
    %slice3A_58 = vector.extract_strided_slice %get3A_3 {offsets = [3675, 0], sizes = [1, 256], strides = [1, 1]} : vector<4608x256xf32> to vector<1x256xf32>
    %slice3A_59 = vector.extract_strided_slice %get3A_3 {offsets = [3681, 0], sizes = [1, 256], strides = [1, 1]} : vector<4608x256xf32> to vector<1x256xf32>
    %slice3A_60 = vector.extract_strided_slice %get3A_3 {offsets = [3686, 0], sizes = [1, 256], strides = [1, 1]} : vector<4608x256xf32> to vector<1x256xf32>
    %slice3A_61 = vector.extract_strided_slice %get3A_3 {offsets = [3692, 0], sizes = [1, 256], strides = [1, 1]} : vector<4608x256xf32> to vector<1x256xf32>
    %slice3A_62 = vector.extract_strided_slice %get3A_3 {offsets = [3795, 0], sizes = [1, 256], strides = [1, 1]} : vector<4608x256xf32> to vector<1x256xf32>
    %slice3A_63 = vector.extract_strided_slice %get3A_3 {offsets = [3801, 0], sizes = [1, 256], strides = [1, 1]} : vector<4608x256xf32> to vector<1x256xf32>
    %slice3A_64 = vector.extract_strided_slice %get3A_3 {offsets = [3806, 0], sizes = [1, 256], strides = [1, 1]} : vector<4608x256xf32> to vector<1x256xf32>
    %slice3A_65 = vector.extract_strided_slice %get3A_3 {offsets = [3812, 0], sizes = [1, 256], strides = [1, 1]} : vector<4608x256xf32> to vector<1x256xf32>
    %slice3A_66 = vector.extract_strided_slice %get3A_3 {offsets = [3939, 0], sizes = [1, 256], strides = [1, 1]} : vector<4608x256xf32> to vector<1x256xf32>
    %slice3A_67 = vector.extract_strided_slice %get3A_3 {offsets = [3945, 0], sizes = [1, 256], strides = [1, 1]} : vector<4608x256xf32> to vector<1x256xf32>
    %slice3A_68 = vector.extract_strided_slice %get3A_3 {offsets = [3950, 0], sizes = [1, 256], strides = [1, 1]} : vector<4608x256xf32> to vector<1x256xf32>
    %slice3A_69 = vector.extract_strided_slice %get3A_3 {offsets = [3956, 0], sizes = [1, 256], strides = [1, 1]} : vector<4608x256xf32> to vector<1x256xf32>
    %concatenate3A = tpu.concatenate %slice3A, %slice3A_7, %slice3A_8, %slice3A_9, %slice3A_10, %slice3A_11, %slice3A_12, %slice3A_13, %slice3A_14, %slice3A_15, %slice3A_16, %slice3A_17, %slice3A_18, %slice3A_19, %slice3A_20, %slice3A_21, %slice3A_22, %slice3A_23, %slice3A_24, %slice3A_25, %slice3A_26, %slice3A_27, %slice3A_28, %slice3A_29, %slice3A_30, %slice3A_31, %slice3A_32, %slice3A_33, %slice3A_34, %slice3A_35, %slice3A_36, %slice3A_37, %slice3A_38, %slice3A_39, %slice3A_40, %slice3A_41, %slice3A_42, %slice3A_43, %slice3A_44, %slice3A_45, %slice3A_46, %slice3A_47, %slice3A_48, %slice3A_49, %slice3A_50, %slice3A_51, %slice3A_52, %slice3A_53, %slice3A_54, %slice3A_55, %slice3A_56, %slice3A_57, %slice3A_58, %slice3A_59, %slice3A_60, %slice3A_61, %slice3A_62, %slice3A_63, %slice3A_64, %slice3A_65, %slice3A_66, %slice3A_67, %slice3A_68, %slice3A_69 in 0 : vector<1x256xf32>, vector<1x256xf32>, vector<1x256xf32>, vector<1x256xf32>, vector<1x256xf32>, vector<1x256xf32>, vector<1x256xf32>, vector<1x256xf32>, vector<1x256xf32>, vector<1x256xf32>, vector<1x256xf32>, vector<1x256xf32>, vector<1x256xf32>, vector<1x256xf32>, vector<1x256xf32>, vector<1x256xf32>, vector<1x256xf32>, vector<1x256xf32>, vector<1x256xf32>, vector<1x256xf32>, vector<1x256xf32>, vector<1x256xf32>, vector<1x256xf32>, vector<1x256xf32>, vector<1x256xf32>, vector<1x256xf32>, vector<1x256xf32>, vector<1x256xf32>, vector<1x256xf32>, vector<1x256xf32>, vector<1x256xf32>, vector<1x256xf32>, vector<1x256xf32>, vector<1x256xf32>, vector<1x256xf32>, vector<1x256xf32>, vector<1x256xf32>, vector<1x256xf32>, vector<1x256xf32>, vector<1x256xf32>, vector<1x256xf32>, vector<1x256xf32>, vector<1x256xf32>, vector<1x256xf32>, vector<1x256xf32>, vector<1x256xf32>, vector<1x256xf32>, vector<1x256xf32>, vector<1x256xf32>, vector<1x256xf32>, vector<1x256xf32>, vector<1x256xf32>, vector<1x256xf32>, vector<1x256xf32>, vector<1x256xf32>, vector<1x256xf32>, vector<1x256xf32>, vector<1x256xf32>, vector<1x256xf32>, vector<1x256xf32>, vector<1x256xf32>, vector<1x256xf32>, vector<1x256xf32>, vector<1x256xf32> -> vector<64x256xf32>
    %get3A_70 = arith.constant 0 : index
    %get3A_71 = arith.constant 0 : index
    %get3A_72 = arith.constant 0 : index
    %get3A_73 = vector.load %arg2[%get3A_70, %get3A_71, %get3A_72] : memref<1x64x256xf32, #tpu.memory_space<vmem>>, vector<1x64x256xf32>
    %get3A_74 = vector.shape_cast %get3A_73 : vector<1x64x256xf32> to vector<64x256xf32>
    %broadcast_in_dim3A_75 = vector.shape_cast %mul3A_6 : vector<1x256xf32> to vector<1x256xf32>
    %broadcast_in_dim3A_76 = vector.broadcast %broadcast_in_dim3A_75 : vector<1x256xf32> to vector<64x256xf32>
    %concatenate3A_77 = tpu.concatenate %concatenate3A, %get3A_74, %broadcast_in_dim3A_76 in 1 : vector<64x256xf32>, vector<64x256xf32>, vector<64x256xf32> -> vector<64x768xf32>
    %get3A_78 = arith.constant 0 : index
    %get3A_79 = arith.constant 0 : index
    %get3A_80 = vector.load %arg3[%get3A_78, %get3A_79] : memref<768x256xf32, #tpu.memory_space<vmem>>, vector<768x256xf32>
    %dot_general3A = arith.constant dense<0.000000e+00> : vector<64x256xf32>
    %dot_general3A_81 = tpu.matmul %concatenate3A_77, %get3A_80, %dot_general3A {dimension_numbers = #tpu.dot_dimension_numbers<[1], [0], [0], [1], [0, 0, 1, 1], [], []>, transpose_lhs_hint = false} : vector<64x768xf32>, vector<768x256xf32>, vector<64x256xf32> -> vector<64x256xf32>
    %get3A_82 = arith.constant 0 : index
    %get3A_83 = arith.constant 0 : index
    %get3A_84 = vector.load %arg4[%get3A_82, %get3A_83] : memref<1x256xf32, #tpu.memory_space<vmem>>, vector<1x256xf32>
    %add3A = vector.broadcast %get3A_84 : vector<1x256xf32> to vector<64x256xf32>
    %add3A_85 = arith.addf %dot_general3A_81, %add3A : vector<64x256xf32>
    %max3A = arith.constant 0.000000e+00 : f32
    %max3A_86 = vector.broadcast %max3A : f32 to vector<64x256xf32>
    %max3A_87 = arith.maximumf %add3A_85, %max3A_86 : vector<64x256xf32>
    %get3A_88 = arith.constant 0 : index
    %get3A_89 = arith.constant 0 : index
    %get3A_90 = vector.load %arg5[%get3A_88, %get3A_89] : memref<256x256xf32, #tpu.memory_space<vmem>>, vector<256x256xf32>
    %dot_general3A_91 = arith.constant dense<0.000000e+00> : vector<64x256xf32>
    %dot_general3A_92 = tpu.matmul %max3A_87, %get3A_90, %dot_general3A_91 {dimension_numbers = #tpu.dot_dimension_numbers<[1], [0], [0], [1], [0, 0, 1, 1], [], []>, transpose_lhs_hint = false} : vector<64x256xf32>, vector<256x256xf32>, vector<64x256xf32> -> vector<64x256xf32>
    %get3A_93 = arith.constant 0 : index
    %get3A_94 = arith.constant 0 : index
    %get3A_95 = vector.load %arg6[%get3A_93, %get3A_94] : memref<1x256xf32, #tpu.memory_space<vmem>>, vector<1x256xf32>
    %add3A_96 = vector.broadcast %get3A_95 : vector<1x256xf32> to vector<64x256xf32>
    %add3A_97 = arith.addf %dot_general3A_92, %add3A_96 : vector<64x256xf32>
    %max3A_98 = arith.constant 0.000000e+00 : f32
    %max3A_99 = vector.broadcast %max3A_98 : f32 to vector<64x256xf32>
    %max3A_100 = arith.maximumf %add3A_97, %max3A_99 : vector<64x256xf32>
    %get3A_101 = arith.constant 0 : index
    %get3A_102 = arith.constant 0 : index
    %get3A_103 = vector.load %arg7[%get3A_101, %get3A_102] : memref<256x128xf32, #tpu.memory_space<vmem>>, vector<256x128xf32>
    %dot_general3A_104 = arith.constant dense<0.000000e+00> : vector<64x128xf32>
    %dot_general3A_105 = tpu.matmul %max3A_100, %get3A_103, %dot_general3A_104 {dimension_numbers = #tpu.dot_dimension_numbers<[1], [0], [0], [1], [0, 0, 1, 1], [], []>, transpose_lhs_hint = false} : vector<64x256xf32>, vector<256x128xf32>, vector<64x128xf32> -> vector<64x128xf32>
    %get3A_106 = arith.constant 0 : index
    %get3A_107 = arith.constant 0 : index
    %get3A_108 = vector.load %arg8[%get3A_106, %get3A_107] : memref<1x128xf32, #tpu.memory_space<vmem>>, vector<1x128xf32>
    %add3A_109 = vector.broadcast %get3A_108 : vector<1x128xf32> to vector<64x128xf32>
    %add3A_110 = arith.addf %dot_general3A_105, %add3A_109 : vector<64x128xf32>
    %slice3A_111 = vector.extract_strided_slice %add3A_110 {offsets = [0, 0], sizes = [64, 3], strides = [1, 1]} : vector<64x128xf32> to vector<64x3xf32>
    %slice3A_112 = vector.extract_strided_slice %add3A_110 {offsets = [0, 3], sizes = [64, 4], strides = [1, 1]} : vector<64x128xf32> to vector<64x4xf32>
    %slice3A_113 = vector.extract_strided_slice %add3A_110 {offsets = [0, 7], sizes = [64, 4], strides = [1, 1]} : vector<64x128xf32> to vector<64x4xf32>
    %slice3A_114 = vector.extract_strided_slice %add3A_110 {offsets = [0, 11], sizes = [64, 4], strides = [1, 1]} : vector<64x128xf32> to vector<64x4xf32>
    %slice3A_115 = vector.extract_strided_slice %add3A_110 {offsets = [0, 15], sizes = [64, 4], strides = [1, 1]} : vector<64x128xf32> to vector<64x4xf32>
    %slice3A_116 = vector.extract_strided_slice %add3A_110 {offsets = [0, 19], sizes = [64, 4], strides = [1, 1]} : vector<64x128xf32> to vector<64x4xf32>
    %neg3A = arith.constant 0.000000e+00 : f32
    %neg3A_117 = vector.broadcast %neg3A : f32 to vector<64x4xf32>
    %neg3A_118 = arith.subf %neg3A_117, %slice3A_116 : vector<64x4xf32>
    %exp3A = math.exp %neg3A_118 : vector<64x4xf32>
    %add3A_119 = arith.constant 1.000000e+00 : f32
    %add3A_120 = vector.broadcast %add3A_119 : f32 to vector<64x4xf32>
    %add3A_121 = arith.addf %add3A_120, %exp3A : vector<64x4xf32>
    %div3A = arith.constant 1.000000e+00 : f32
    %div3A_122 = vector.broadcast %div3A : f32 to vector<64x4xf32>
    %div3A_123 = arith.divf %div3A_122, %add3A_121 : vector<64x4xf32>
    %reduce_max3A = arith.constant dense<0xFF800000> : vector<64xf32>
    %reduce_max3A_124 = vector.multi_reduction <maximumf>, %slice3A_112, %reduce_max3A [1] : vector<64x4xf32> to vector<64xf32>
    %broadcast_in_dim3A_125 = vector.shape_cast %reduce_max3A_124 : vector<64xf32> to vector<64x1xf32>
    %sub3A = vector.broadcast %broadcast_in_dim3A_125 : vector<64x1xf32> to vector<64x4xf32>
    %sub3A_126 = arith.subf %slice3A_112, %sub3A : vector<64x4xf32>
    %exp3A_127 = math.exp %sub3A_126 : vector<64x4xf32>
    %reduce_sum3A_128 = arith.constant dense<0.000000e+00> : vector<64xf32>
    %reduce_sum3A_129 = vector.multi_reduction <add>, %exp3A_127, %reduce_sum3A_128 [1] : vector<64x4xf32> to vector<64xf32>
    %broadcast_in_dim3A_130 = vector.shape_cast %reduce_sum3A_129 : vector<64xf32> to vector<64x1xf32>
    %div3A_131 = vector.broadcast %broadcast_in_dim3A_130 : vector<64x1xf32> to vector<64x4xf32>
    %div3A_132 = arith.divf %exp3A_127, %div3A_131 : vector<64x4xf32>
    %reduce_sum3A_133 = arith.constant dense<0.000000e+00> : vector<64xf32>
    %reduce_sum3A_134 = vector.multi_reduction <add>, %div3A_132, %reduce_sum3A_133 [1] : vector<64x4xf32> to vector<64xf32>
    %broadcast_in_dim3A_135 = vector.shape_cast %reduce_sum3A_134 : vector<64xf32> to vector<64x1xf32>
    %get3A_136 = arith.constant 0 : index
    %get3A_137 = arith.constant 0 : index
    %get3A_138 = vector.load %arg9[%get3A_136, %get3A_137] : memref<64x128xf32, #tpu.memory_space<vmem>>, vector<64x128xf32>
    %slice3A_139 = vector.extract_strided_slice %get3A_138 {offsets = [0, 0], sizes = [64, 1], strides = [1, 1]} : vector<64x128xf32> to vector<64x1xf32>
    %add3A_140 = vector.broadcast %slice3A_139 : vector<64x1xf32> to vector<64x4xf32>
    %add3A_141 = arith.addf %add3A_140, %slice3A_113 : vector<64x4xf32>
    %neg3A_142 = arith.constant 0.000000e+00 : f32
    %neg3A_143 = vector.broadcast %neg3A_142 : f32 to vector<64x4xf32>
    %neg3A_144 = arith.subf %neg3A_143, %add3A_141 : vector<64x4xf32>
    %exp3A_145 = math.exp %neg3A_144 : vector<64x4xf32>
    %add3A_146 = arith.constant 1.000000e+00 : f32
    %add3A_147 = vector.broadcast %add3A_146 : f32 to vector<64x4xf32>
    %add3A_148 = arith.addf %add3A_147, %exp3A_145 : vector<64x4xf32>
    %div3A_149 = arith.constant 1.000000e+00 : f32
    %div3A_150 = vector.broadcast %div3A_149 : f32 to vector<64x4xf32>
    %div3A_151 = arith.divf %div3A_150, %add3A_148 : vector<64x4xf32>
    %mul3A_152 = arith.constant 2.000000e+00 : f32
    %mul3A_153 = vector.broadcast %mul3A_152 : f32 to vector<64x4xf32>
    %mul3A_154 = arith.mulf %div3A_151, %mul3A_153 : vector<64x4xf32>
    %sub3A_155 = arith.constant 1.000000e+00 : f32
    %sub3A_156 = vector.broadcast %sub3A_155 : f32 to vector<64x4xf32>
    %sub3A_157 = arith.subf %mul3A_154, %sub3A_156 : vector<64x4xf32>
    %slice3A_158 = vector.extract_strided_slice %get3A_138 {offsets = [0, 1], sizes = [64, 1], strides = [1, 1]} : vector<64x128xf32> to vector<64x1xf32>
    %add3A_159 = vector.broadcast %slice3A_158 : vector<64x1xf32> to vector<64x4xf32>
    %add3A_160 = arith.addf %add3A_159, %slice3A_114 : vector<64x4xf32>
    %neg3A_161 = arith.constant 0.000000e+00 : f32
    %neg3A_162 = vector.broadcast %neg3A_161 : f32 to vector<64x4xf32>
    %neg3A_163 = arith.subf %neg3A_162, %add3A_160 : vector<64x4xf32>
    %exp3A_164 = math.exp %neg3A_163 : vector<64x4xf32>
    %add3A_165 = arith.constant 1.000000e+00 : f32
    %add3A_166 = vector.broadcast %add3A_165 : f32 to vector<64x4xf32>
    %add3A_167 = arith.addf %add3A_166, %exp3A_164 : vector<64x4xf32>
    %div3A_168 = arith.constant 1.000000e+00 : f32
    %div3A_169 = vector.broadcast %div3A_168 : f32 to vector<64x4xf32>
    %div3A_170 = arith.divf %div3A_169, %add3A_167 : vector<64x4xf32>
    %mul3A_171 = arith.constant 2.000000e+00 : f32
    %mul3A_172 = vector.broadcast %mul3A_171 : f32 to vector<64x4xf32>
    %mul3A_173 = arith.mulf %div3A_170, %mul3A_172 : vector<64x4xf32>
    %sub3A_174 = arith.constant 1.000000e+00 : f32
    %sub3A_175 = vector.broadcast %sub3A_174 : f32 to vector<64x4xf32>
    %sub3A_176 = arith.subf %mul3A_173, %sub3A_175 : vector<64x4xf32>
    %slice3A_177 = vector.extract_strided_slice %get3A_138 {offsets = [0, 2], sizes = [64, 1], strides = [1, 1]} : vector<64x128xf32> to vector<64x1xf32>
    %add3A_178 = vector.broadcast %slice3A_177 : vector<64x1xf32> to vector<64x4xf32>
    %add3A_179 = arith.addf %add3A_178, %slice3A_115 : vector<64x4xf32>
    %neg3A_180 = arith.constant 0.000000e+00 : f32
    %neg3A_181 = vector.broadcast %neg3A_180 : f32 to vector<64x4xf32>
    %neg3A_182 = arith.subf %neg3A_181, %add3A_179 : vector<64x4xf32>
    %exp3A_183 = math.exp %neg3A_182 : vector<64x4xf32>
    %add3A_184 = arith.constant 1.000000e+00 : f32
    %add3A_185 = vector.broadcast %add3A_184 : f32 to vector<64x4xf32>
    %add3A_186 = arith.addf %add3A_185, %exp3A_183 : vector<64x4xf32>
    %div3A_187 = arith.constant 1.000000e+00 : f32
    %div3A_188 = vector.broadcast %div3A_187 : f32 to vector<64x4xf32>
    %div3A_189 = arith.divf %div3A_188, %add3A_186 : vector<64x4xf32>
    %mul3A_190 = arith.constant 2.000000e+00 : f32
    %mul3A_191 = vector.broadcast %mul3A_190 : f32 to vector<64x4xf32>
    %mul3A_192 = arith.mulf %div3A_189, %mul3A_191 : vector<64x4xf32>
    %sub3A_193 = arith.constant 1.000000e+00 : f32
    %sub3A_194 = vector.broadcast %sub3A_193 : f32 to vector<64x4xf32>
    %sub3A_195 = arith.subf %mul3A_192, %sub3A_194 : vector<64x4xf32>
    %add3A_196 = arith.constant 1.000000e+00 : f32
    %add3A_197 = vector.broadcast %add3A_196 : f32 to vector<64x4xf32>
    %add3A_198 = arith.addf %sub3A_157, %add3A_197 : vector<64x4xf32>
    %mul3A_199 = arith.constant 2.400000e+01 : f32
    %mul3A_200 = vector.broadcast %mul3A_199 : f32 to vector<64x4xf32>
    %mul3A_201 = arith.mulf %add3A_198, %mul3A_200 : vector<64x4xf32>
    %sub3A_202 = arith.constant 1.000000e+00 : f32
    %sub3A_203 = vector.broadcast %sub3A_202 : f32 to vector<64x4xf32>
    %sub3A_204 = arith.subf %mul3A_201, %sub3A_203 : vector<64x4xf32>
    %mul3A_205 = arith.constant 5.000000e-01 : f32
    %mul3A_206 = vector.broadcast %mul3A_205 : f32 to vector<64x4xf32>
    %mul3A_207 = arith.mulf %sub3A_204, %mul3A_206 : vector<64x4xf32>
    %add3A_208 = arith.constant 1.000000e+00 : f32
    %add3A_209 = vector.broadcast %add3A_208 : f32 to vector<64x4xf32>
    %add3A_210 = arith.addf %sub3A_176, %add3A_209 : vector<64x4xf32>
    %mul3A_211 = arith.constant 2.400000e+01 : f32
    %mul3A_212 = vector.broadcast %mul3A_211 : f32 to vector<64x4xf32>
    %mul3A_213 = arith.mulf %add3A_210, %mul3A_212 : vector<64x4xf32>
    %sub3A_214 = arith.constant 1.000000e+00 : f32
    %sub3A_215 = vector.broadcast %sub3A_214 : f32 to vector<64x4xf32>
    %sub3A_216 = arith.subf %mul3A_213, %sub3A_215 : vector<64x4xf32>
    %mul3A_217 = arith.constant 5.000000e-01 : f32
    %mul3A_218 = vector.broadcast %mul3A_217 : f32 to vector<64x4xf32>
    %mul3A_219 = arith.mulf %sub3A_216, %mul3A_218 : vector<64x4xf32>
    %add3A_220 = arith.constant 1.000000e+00 : f32
    %add3A_221 = vector.broadcast %add3A_220 : f32 to vector<64x4xf32>
    %add3A_222 = arith.addf %sub3A_195, %add3A_221 : vector<64x4xf32>
    %mul3A_223 = arith.constant 8.000000e+00 : f32
    %mul3A_224 = vector.broadcast %mul3A_223 : f32 to vector<64x4xf32>
    %mul3A_225 = arith.mulf %add3A_222, %mul3A_224 : vector<64x4xf32>
    %sub3A_226 = arith.constant 1.000000e+00 : f32
    %sub3A_227 = vector.broadcast %sub3A_226 : f32 to vector<64x4xf32>
    %sub3A_228 = arith.subf %mul3A_225, %sub3A_227 : vector<64x4xf32>
    %mul3A_229 = arith.constant 5.000000e-01 : f32
    %mul3A_230 = vector.broadcast %mul3A_229 : f32 to vector<64x4xf32>
    %mul3A_231 = arith.mulf %sub3A_228, %mul3A_230 : vector<64x4xf32>
    %floor3A = math.floor %mul3A_207 : vector<64x4xf32>
    %floor3A_232 = math.floor %mul3A_219 : vector<64x4xf32>
    %floor3A_233 = math.floor %mul3A_231 : vector<64x4xf32>
    %sub3A_234 = arith.subf %mul3A_207, %floor3A : vector<64x4xf32>
    %sub3A_235 = arith.subf %mul3A_219, %floor3A_232 : vector<64x4xf32>
    %sub3A_236 = arith.subf %mul3A_231, %floor3A_233 : vector<64x4xf32>
    %mul3A_237 = arith.constant 4608 : i32
    %mul3A_238 = arith.muli %arg0, %mul3A_237 : i32
    %add3A_239 = arith.constant 0.000000e+00 : f32
    %add3A_240 = vector.broadcast %add3A_239 : f32 to vector<64x4xf32>
    %add3A_241 = arith.addf %floor3A, %add3A_240 : vector<64x4xf32>
    %add3A_242 = arith.constant 0.000000e+00 : f32
    %add3A_243 = vector.broadcast %add3A_242 : f32 to vector<64x4xf32>
    %add3A_244 = arith.addf %floor3A_232, %add3A_243 : vector<64x4xf32>
    %add3A_245 = arith.constant 0.000000e+00 : f32
    %add3A_246 = vector.broadcast %add3A_245 : f32 to vector<64x4xf32>
    %add3A_247 = arith.addf %floor3A_233, %add3A_246 : vector<64x4xf32>
    %sub3A_248 = arith.constant 1.000000e+00 : f32
    %sub3A_249 = vector.broadcast %sub3A_248 : f32 to vector<64x4xf32>
    %sub3A_250 = arith.subf %sub3A_249, %sub3A_234 : vector<64x4xf32>
    %sub3A_251 = arith.constant 1.000000e+00 : f32
    %sub3A_252 = vector.broadcast %sub3A_251 : f32 to vector<64x4xf32>
    %sub3A_253 = arith.subf %sub3A_252, %sub3A_235 : vector<64x4xf32>
    %mul3A_254 = arith.mulf %sub3A_250, %sub3A_253 : vector<64x4xf32>
    %sub3A_255 = arith.constant 1.000000e+00 : f32
    %sub3A_256 = vector.broadcast %sub3A_255 : f32 to vector<64x4xf32>
    %sub3A_257 = arith.subf %sub3A_256, %sub3A_236 : vector<64x4xf32>
    %mul3A_258 = arith.mulf %mul3A_254, %sub3A_257 : vector<64x4xf32>
    %ge3A = arith.constant 0.000000e+00 : f32
    %ge3A_259 = vector.broadcast %ge3A : f32 to vector<64x4xf32>
    %ge3A_260 = arith.cmpf oge, %add3A_241, %ge3A_259 : vector<64x4xf32>
    %le3A = arith.constant 2.300000e+01 : f32
    %le3A_261 = vector.broadcast %le3A : f32 to vector<64x4xf32>
    %le3A_262 = arith.cmpf ole, %add3A_241, %le3A_261 : vector<64x4xf32>
    %and3A = arith.andi %ge3A_260, %le3A_262 : vector<64x4xi1>
    %ge3A_263 = arith.constant 0.000000e+00 : f32
    %ge3A_264 = vector.broadcast %ge3A_263 : f32 to vector<64x4xf32>
    %ge3A_265 = arith.cmpf oge, %add3A_244, %ge3A_264 : vector<64x4xf32>
    %and3A_266 = arith.andi %and3A, %ge3A_265 : vector<64x4xi1>
    %le3A_267 = arith.constant 2.300000e+01 : f32
    %le3A_268 = vector.broadcast %le3A_267 : f32 to vector<64x4xf32>
    %le3A_269 = arith.cmpf ole, %add3A_244, %le3A_268 : vector<64x4xf32>
    %and3A_270 = arith.andi %and3A_266, %le3A_269 : vector<64x4xi1>
    %ge3A_271 = arith.constant 0.000000e+00 : f32
    %ge3A_272 = vector.broadcast %ge3A_271 : f32 to vector<64x4xf32>
    %ge3A_273 = arith.cmpf oge, %add3A_247, %ge3A_272 : vector<64x4xf32>
    %and3A_274 = arith.andi %and3A_270, %ge3A_273 : vector<64x4xi1>
    %le3A_275 = arith.constant 7.000000e+00 : f32
    %le3A_276 = vector.broadcast %le3A_275 : f32 to vector<64x4xf32>
    %le3A_277 = arith.cmpf ole, %add3A_247, %le3A_276 : vector<64x4xf32>
    %and3A_278 = arith.andi %and3A_274, %le3A_277 : vector<64x4xi1>
    %jit3A = arith.constant 0 : i32
    %jit3A_279 = arith.constant 23 : i32
    %convert_element_type3A = arith.sitofp %jit3A : i32 to f32
    %max3A_280 = vector.broadcast %convert_element_type3A : f32 to vector<64x4xf32>
    %max3A_281 = arith.maximumf %max3A_280, %add3A_241 : vector<64x4xf32>
    %convert_element_type3A_282 = arith.sitofp %jit3A_279 : i32 to f32
    %min3A = vector.broadcast %convert_element_type3A_282 : f32 to vector<64x4xf32>
    %min3A_283 = arith.minimumf %min3A, %max3A_281 : vector<64x4xf32>
    %convert_element_type3A_284 = arith.fptosi %min3A_283 : vector<64x4xf32> to vector<64x4xi32>
    %jit3A_285 = arith.constant 0 : i32
    %jit3A_286 = arith.constant 23 : i32
    %convert_element_type3A_287 = arith.sitofp %jit3A_285 : i32 to f32
    %max3A_288 = vector.broadcast %convert_element_type3A_287 : f32 to vector<64x4xf32>
    %max3A_289 = arith.maximumf %max3A_288, %add3A_244 : vector<64x4xf32>
    %convert_element_type3A_290 = arith.sitofp %jit3A_286 : i32 to f32
    %min3A_291 = vector.broadcast %convert_element_type3A_290 : f32 to vector<64x4xf32>
    %min3A_292 = arith.minimumf %min3A_291, %max3A_289 : vector<64x4xf32>
    %convert_element_type3A_293 = arith.fptosi %min3A_292 : vector<64x4xf32> to vector<64x4xi32>
    %jit3A_294 = arith.constant 0 : i32
    %jit3A_295 = arith.constant 7 : i32
    %convert_element_type3A_296 = arith.sitofp %jit3A_294 : i32 to f32
    %max3A_297 = vector.broadcast %convert_element_type3A_296 : f32 to vector<64x4xf32>
    %max3A_298 = arith.maximumf %max3A_297, %add3A_247 : vector<64x4xf32>
    %convert_element_type3A_299 = arith.sitofp %jit3A_295 : i32 to f32
    %min3A_300 = vector.broadcast %convert_element_type3A_299 : f32 to vector<64x4xf32>
    %min3A_301 = arith.minimumf %min3A_300, %max3A_298 : vector<64x4xf32>
    %convert_element_type3A_302 = arith.fptosi %min3A_301 : vector<64x4xf32> to vector<64x4xi32>
    %mul3A_303 = arith.constant 24 : i32
    %mul3A_304 = vector.broadcast %mul3A_303 : i32 to vector<64x4xi32>
    %mul3A_305 = arith.muli %convert_element_type3A_302, %mul3A_304 : vector<64x4xi32>
    %add3A_306 = arith.addi %mul3A_305, %convert_element_type3A_293 : vector<64x4xi32>
    %mul3A_307 = arith.constant 24 : i32
    %mul3A_308 = vector.broadcast %mul3A_307 : i32 to vector<64x4xi32>
    %mul3A_309 = arith.muli %add3A_306, %mul3A_308 : vector<64x4xi32>
    %add3A_310 = arith.addi %mul3A_309, %convert_element_type3A_284 : vector<64x4xi32>
    %add3A_311 = vector.broadcast %mul3A_238 : i32 to vector<64x4xi32>
    %add3A_312 = arith.addi %add3A_310, %add3A_311 : vector<64x4xi32>
    %convert_element_type3A_313 = arith.extui %and3A_278 : vector<64x4xi1> to vector<64x4xi32>
    %convert_element_type3A_314 = arith.sitofp %convert_element_type3A_313 : vector<64x4xi32> to vector<64x4xf32>
    %mul3A_315 = arith.mulf %mul3A_258, %convert_element_type3A_314 : vector<64x4xf32>
    %mul3A_316 = arith.mulf %mul3A_315, %div3A_123 : vector<64x4xf32>
    %convert_element_type3A_317 = arith.sitofp %add3A_312 : vector<64x4xi32> to vector<64x4xf32>
    %add3A_318 = arith.constant 1.000000e+00 : f32
    %add3A_319 = vector.broadcast %add3A_318 : f32 to vector<64x4xf32>
    %add3A_320 = arith.addf %floor3A, %add3A_319 : vector<64x4xf32>
    %add3A_321 = arith.constant 0.000000e+00 : f32
    %add3A_322 = vector.broadcast %add3A_321 : f32 to vector<64x4xf32>
    %add3A_323 = arith.addf %floor3A_232, %add3A_322 : vector<64x4xf32>
    %add3A_324 = arith.constant 0.000000e+00 : f32
    %add3A_325 = vector.broadcast %add3A_324 : f32 to vector<64x4xf32>
    %add3A_326 = arith.addf %floor3A_233, %add3A_325 : vector<64x4xf32>
    %sub3A_327 = arith.constant 1.000000e+00 : f32
    %sub3A_328 = vector.broadcast %sub3A_327 : f32 to vector<64x4xf32>
    %sub3A_329 = arith.subf %sub3A_328, %sub3A_235 : vector<64x4xf32>
    %mul3A_330 = arith.mulf %sub3A_234, %sub3A_329 : vector<64x4xf32>
    %sub3A_331 = arith.constant 1.000000e+00 : f32
    %sub3A_332 = vector.broadcast %sub3A_331 : f32 to vector<64x4xf32>
    %sub3A_333 = arith.subf %sub3A_332, %sub3A_236 : vector<64x4xf32>
    %mul3A_334 = arith.mulf %mul3A_330, %sub3A_333 : vector<64x4xf32>
    %ge3A_335 = arith.constant 0.000000e+00 : f32
    %ge3A_336 = vector.broadcast %ge3A_335 : f32 to vector<64x4xf32>
    %ge3A_337 = arith.cmpf oge, %add3A_320, %ge3A_336 : vector<64x4xf32>
    %le3A_338 = arith.constant 2.300000e+01 : f32
    %le3A_339 = vector.broadcast %le3A_338 : f32 to vector<64x4xf32>
    %le3A_340 = arith.cmpf ole, %add3A_320, %le3A_339 : vector<64x4xf32>
    %and3A_341 = arith.andi %ge3A_337, %le3A_340 : vector<64x4xi1>
    %ge3A_342 = arith.constant 0.000000e+00 : f32
    %ge3A_343 = vector.broadcast %ge3A_342 : f32 to vector<64x4xf32>
    %ge3A_344 = arith.cmpf oge, %add3A_323, %ge3A_343 : vector<64x4xf32>
    %and3A_345 = arith.andi %and3A_341, %ge3A_344 : vector<64x4xi1>
    %le3A_346 = arith.constant 2.300000e+01 : f32
    %le3A_347 = vector.broadcast %le3A_346 : f32 to vector<64x4xf32>
    %le3A_348 = arith.cmpf ole, %add3A_323, %le3A_347 : vector<64x4xf32>
    %and3A_349 = arith.andi %and3A_345, %le3A_348 : vector<64x4xi1>
    %ge3A_350 = arith.constant 0.000000e+00 : f32
    %ge3A_351 = vector.broadcast %ge3A_350 : f32 to vector<64x4xf32>
    %ge3A_352 = arith.cmpf oge, %add3A_326, %ge3A_351 : vector<64x4xf32>
    %and3A_353 = arith.andi %and3A_349, %ge3A_352 : vector<64x4xi1>
    %le3A_354 = arith.constant 7.000000e+00 : f32
    %le3A_355 = vector.broadcast %le3A_354 : f32 to vector<64x4xf32>
    %le3A_356 = arith.cmpf ole, %add3A_326, %le3A_355 : vector<64x4xf32>
    %and3A_357 = arith.andi %and3A_353, %le3A_356 : vector<64x4xi1>
    %jit3A_358 = arith.constant 0 : i32
    %jit3A_359 = arith.constant 23 : i32
    %convert_element_type3A_360 = arith.sitofp %jit3A_358 : i32 to f32
    %max3A_361 = vector.broadcast %convert_element_type3A_360 : f32 to vector<64x4xf32>
    %max3A_362 = arith.maximumf %max3A_361, %add3A_320 : vector<64x4xf32>
    %convert_element_type3A_363 = arith.sitofp %jit3A_359 : i32 to f32
    %min3A_364 = vector.broadcast %convert_element_type3A_363 : f32 to vector<64x4xf32>
    %min3A_365 = arith.minimumf %min3A_364, %max3A_362 : vector<64x4xf32>
    %convert_element_type3A_366 = arith.fptosi %min3A_365 : vector<64x4xf32> to vector<64x4xi32>
    %jit3A_367 = arith.constant 0 : i32
    %jit3A_368 = arith.constant 23 : i32
    %convert_element_type3A_369 = arith.sitofp %jit3A_367 : i32 to f32
    %max3A_370 = vector.broadcast %convert_element_type3A_369 : f32 to vector<64x4xf32>
    %max3A_371 = arith.maximumf %max3A_370, %add3A_323 : vector<64x4xf32>
    %convert_element_type3A_372 = arith.sitofp %jit3A_368 : i32 to f32
    %min3A_373 = vector.broadcast %convert_element_type3A_372 : f32 to vector<64x4xf32>
    %min3A_374 = arith.minimumf %min3A_373, %max3A_371 : vector<64x4xf32>
    %convert_element_type3A_375 = arith.fptosi %min3A_374 : vector<64x4xf32> to vector<64x4xi32>
    %jit3A_376 = arith.constant 0 : i32
    %jit3A_377 = arith.constant 7 : i32
    %convert_element_type3A_378 = arith.sitofp %jit3A_376 : i32 to f32
    %max3A_379 = vector.broadcast %convert_element_type3A_378 : f32 to vector<64x4xf32>
    %max3A_380 = arith.maximumf %max3A_379, %add3A_326 : vector<64x4xf32>
    %convert_element_type3A_381 = arith.sitofp %jit3A_377 : i32 to f32
    %min3A_382 = vector.broadcast %convert_element_type3A_381 : f32 to vector<64x4xf32>
    %min3A_383 = arith.minimumf %min3A_382, %max3A_380 : vector<64x4xf32>
    %convert_element_type3A_384 = arith.fptosi %min3A_383 : vector<64x4xf32> to vector<64x4xi32>
    %mul3A_385 = arith.constant 24 : i32
    %mul3A_386 = vector.broadcast %mul3A_385 : i32 to vector<64x4xi32>
    %mul3A_387 = arith.muli %convert_element_type3A_384, %mul3A_386 : vector<64x4xi32>
    %add3A_388 = arith.addi %mul3A_387, %convert_element_type3A_375 : vector<64x4xi32>
    %mul3A_389 = arith.constant 24 : i32
    %mul3A_390 = vector.broadcast %mul3A_389 : i32 to vector<64x4xi32>
    %mul3A_391 = arith.muli %add3A_388, %mul3A_390 : vector<64x4xi32>
    %add3A_392 = arith.addi %mul3A_391, %convert_element_type3A_366 : vector<64x4xi32>
    %add3A_393 = vector.broadcast %mul3A_238 : i32 to vector<64x4xi32>
    %add3A_394 = arith.addi %add3A_392, %add3A_393 : vector<64x4xi32>
    %convert_element_type3A_395 = arith.extui %and3A_357 : vector<64x4xi1> to vector<64x4xi32>
    %convert_element_type3A_396 = arith.sitofp %convert_element_type3A_395 : vector<64x4xi32> to vector<64x4xf32>
    %mul3A_397 = arith.mulf %mul3A_334, %convert_element_type3A_396 : vector<64x4xf32>
    %mul3A_398 = arith.mulf %mul3A_397, %div3A_123 : vector<64x4xf32>
    %convert_element_type3A_399 = arith.sitofp %add3A_394 : vector<64x4xi32> to vector<64x4xf32>
    %add3A_400 = arith.constant 0.000000e+00 : f32
    %add3A_401 = vector.broadcast %add3A_400 : f32 to vector<64x4xf32>
    %add3A_402 = arith.addf %floor3A, %add3A_401 : vector<64x4xf32>
    %add3A_403 = arith.constant 1.000000e+00 : f32
    %add3A_404 = vector.broadcast %add3A_403 : f32 to vector<64x4xf32>
    %add3A_405 = arith.addf %floor3A_232, %add3A_404 : vector<64x4xf32>
    %add3A_406 = arith.constant 0.000000e+00 : f32
    %add3A_407 = vector.broadcast %add3A_406 : f32 to vector<64x4xf32>
    %add3A_408 = arith.addf %floor3A_233, %add3A_407 : vector<64x4xf32>
    %sub3A_409 = arith.constant 1.000000e+00 : f32
    %sub3A_410 = vector.broadcast %sub3A_409 : f32 to vector<64x4xf32>
    %sub3A_411 = arith.subf %sub3A_410, %sub3A_234 : vector<64x4xf32>
    %mul3A_412 = arith.mulf %sub3A_411, %sub3A_235 : vector<64x4xf32>
    %sub3A_413 = arith.constant 1.000000e+00 : f32
    %sub3A_414 = vector.broadcast %sub3A_413 : f32 to vector<64x4xf32>
    %sub3A_415 = arith.subf %sub3A_414, %sub3A_236 : vector<64x4xf32>
    %mul3A_416 = arith.mulf %mul3A_412, %sub3A_415 : vector<64x4xf32>
    %ge3A_417 = arith.constant 0.000000e+00 : f32
    %ge3A_418 = vector.broadcast %ge3A_417 : f32 to vector<64x4xf32>
    %ge3A_419 = arith.cmpf oge, %add3A_402, %ge3A_418 : vector<64x4xf32>
    %le3A_420 = arith.constant 2.300000e+01 : f32
    %le3A_421 = vector.broadcast %le3A_420 : f32 to vector<64x4xf32>
    %le3A_422 = arith.cmpf ole, %add3A_402, %le3A_421 : vector<64x4xf32>
    %and3A_423 = arith.andi %ge3A_419, %le3A_422 : vector<64x4xi1>
    %ge3A_424 = arith.constant 0.000000e+00 : f32
    %ge3A_425 = vector.broadcast %ge3A_424 : f32 to vector<64x4xf32>
    %ge3A_426 = arith.cmpf oge, %add3A_405, %ge3A_425 : vector<64x4xf32>
    %and3A_427 = arith.andi %and3A_423, %ge3A_426 : vector<64x4xi1>
    %le3A_428 = arith.constant 2.300000e+01 : f32
    %le3A_429 = vector.broadcast %le3A_428 : f32 to vector<64x4xf32>
    %le3A_430 = arith.cmpf ole, %add3A_405, %le3A_429 : vector<64x4xf32>
    %and3A_431 = arith.andi %and3A_427, %le3A_430 : vector<64x4xi1>
    %ge3A_432 = arith.constant 0.000000e+00 : f32
    %ge3A_433 = vector.broadcast %ge3A_432 : f32 to vector<64x4xf32>
    %ge3A_434 = arith.cmpf oge, %add3A_408, %ge3A_433 : vector<64x4xf32>
    %and3A_435 = arith.andi %and3A_431, %ge3A_434 : vector<64x4xi1>
    %le3A_436 = arith.constant 7.000000e+00 : f32
    %le3A_437 = vector.broadcast %le3A_436 : f32 to vector<64x4xf32>
    %le3A_438 = arith.cmpf ole, %add3A_408, %le3A_437 : vector<64x4xf32>
    %and3A_439 = arith.andi %and3A_435, %le3A_438 : vector<64x4xi1>
    %jit3A_440 = arith.constant 0 : i32
    %jit3A_441 = arith.constant 23 : i32
    %convert_element_type3A_442 = arith.sitofp %jit3A_440 : i32 to f32
    %max3A_443 = vector.broadcast %convert_element_type3A_442 : f32 to vector<64x4xf32>
    %max3A_444 = arith.maximumf %max3A_443, %add3A_402 : vector<64x4xf32>
    %convert_element_type3A_445 = arith.sitofp %jit3A_441 : i32 to f32
    %min3A_446 = vector.broadcast %convert_element_type3A_445 : f32 to vector<64x4xf32>
    %min3A_447 = arith.minimumf %min3A_446, %max3A_444 : vector<64x4xf32>
    %convert_element_type3A_448 = arith.fptosi %min3A_447 : vector<64x4xf32> to vector<64x4xi32>
    %jit3A_449 = arith.constant 0 : i32
    %jit3A_450 = arith.constant 23 : i32
    %convert_element_type3A_451 = arith.sitofp %jit3A_449 : i32 to f32
    %max3A_452 = vector.broadcast %convert_element_type3A_451 : f32 to vector<64x4xf32>
    %max3A_453 = arith.maximumf %max3A_452, %add3A_405 : vector<64x4xf32>
    %convert_element_type3A_454 = arith.sitofp %jit3A_450 : i32 to f32
    %min3A_455 = vector.broadcast %convert_element_type3A_454 : f32 to vector<64x4xf32>
    %min3A_456 = arith.minimumf %min3A_455, %max3A_453 : vector<64x4xf32>
    %convert_element_type3A_457 = arith.fptosi %min3A_456 : vector<64x4xf32> to vector<64x4xi32>
    %jit3A_458 = arith.constant 0 : i32
    %jit3A_459 = arith.constant 7 : i32
    %convert_element_type3A_460 = arith.sitofp %jit3A_458 : i32 to f32
    %max3A_461 = vector.broadcast %convert_element_type3A_460 : f32 to vector<64x4xf32>
    %max3A_462 = arith.maximumf %max3A_461, %add3A_408 : vector<64x4xf32>
    %convert_element_type3A_463 = arith.sitofp %jit3A_459 : i32 to f32
    %min3A_464 = vector.broadcast %convert_element_type3A_463 : f32 to vector<64x4xf32>
    %min3A_465 = arith.minimumf %min3A_464, %max3A_462 : vector<64x4xf32>
    %convert_element_type3A_466 = arith.fptosi %min3A_465 : vector<64x4xf32> to vector<64x4xi32>
    %mul3A_467 = arith.constant 24 : i32
    %mul3A_468 = vector.broadcast %mul3A_467 : i32 to vector<64x4xi32>
    %mul3A_469 = arith.muli %convert_element_type3A_466, %mul3A_468 : vector<64x4xi32>
    %add3A_470 = arith.addi %mul3A_469, %convert_element_type3A_457 : vector<64x4xi32>
    %mul3A_471 = arith.constant 24 : i32
    %mul3A_472 = vector.broadcast %mul3A_471 : i32 to vector<64x4xi32>
    %mul3A_473 = arith.muli %add3A_470, %mul3A_472 : vector<64x4xi32>
    %add3A_474 = arith.addi %mul3A_473, %convert_element_type3A_448 : vector<64x4xi32>
    %add3A_475 = vector.broadcast %mul3A_238 : i32 to vector<64x4xi32>
    %add3A_476 = arith.addi %add3A_474, %add3A_475 : vector<64x4xi32>
    %convert_element_type3A_477 = arith.extui %and3A_439 : vector<64x4xi1> to vector<64x4xi32>
    %convert_element_type3A_478 = arith.sitofp %convert_element_type3A_477 : vector<64x4xi32> to vector<64x4xf32>
    %mul3A_479 = arith.mulf %mul3A_416, %convert_element_type3A_478 : vector<64x4xf32>
    %mul3A_480 = arith.mulf %mul3A_479, %div3A_123 : vector<64x4xf32>
    %convert_element_type3A_481 = arith.sitofp %add3A_476 : vector<64x4xi32> to vector<64x4xf32>
    %add3A_482 = arith.constant 1.000000e+00 : f32
    %add3A_483 = vector.broadcast %add3A_482 : f32 to vector<64x4xf32>
    %add3A_484 = arith.addf %floor3A, %add3A_483 : vector<64x4xf32>
    %add3A_485 = arith.constant 1.000000e+00 : f32
    %add3A_486 = vector.broadcast %add3A_485 : f32 to vector<64x4xf32>
    %add3A_487 = arith.addf %floor3A_232, %add3A_486 : vector<64x4xf32>
    %add3A_488 = arith.constant 0.000000e+00 : f32
    %add3A_489 = vector.broadcast %add3A_488 : f32 to vector<64x4xf32>
    %add3A_490 = arith.addf %floor3A_233, %add3A_489 : vector<64x4xf32>
    %mul3A_491 = arith.mulf %sub3A_234, %sub3A_235 : vector<64x4xf32>
    %sub3A_492 = arith.constant 1.000000e+00 : f32
    %sub3A_493 = vector.broadcast %sub3A_492 : f32 to vector<64x4xf32>
    %sub3A_494 = arith.subf %sub3A_493, %sub3A_236 : vector<64x4xf32>
    %mul3A_495 = arith.mulf %mul3A_491, %sub3A_494 : vector<64x4xf32>
    %ge3A_496 = arith.constant 0.000000e+00 : f32
    %ge3A_497 = vector.broadcast %ge3A_496 : f32 to vector<64x4xf32>
    %ge3A_498 = arith.cmpf oge, %add3A_484, %ge3A_497 : vector<64x4xf32>
    %le3A_499 = arith.constant 2.300000e+01 : f32
    %le3A_500 = vector.broadcast %le3A_499 : f32 to vector<64x4xf32>
    %le3A_501 = arith.cmpf ole, %add3A_484, %le3A_500 : vector<64x4xf32>
    %and3A_502 = arith.andi %ge3A_498, %le3A_501 : vector<64x4xi1>
    %ge3A_503 = arith.constant 0.000000e+00 : f32
    %ge3A_504 = vector.broadcast %ge3A_503 : f32 to vector<64x4xf32>
    %ge3A_505 = arith.cmpf oge, %add3A_487, %ge3A_504 : vector<64x4xf32>
    %and3A_506 = arith.andi %and3A_502, %ge3A_505 : vector<64x4xi1>
    %le3A_507 = arith.constant 2.300000e+01 : f32
    %le3A_508 = vector.broadcast %le3A_507 : f32 to vector<64x4xf32>
    %le3A_509 = arith.cmpf ole, %add3A_487, %le3A_508 : vector<64x4xf32>
    %and3A_510 = arith.andi %and3A_506, %le3A_509 : vector<64x4xi1>
    %ge3A_511 = arith.constant 0.000000e+00 : f32
    %ge3A_512 = vector.broadcast %ge3A_511 : f32 to vector<64x4xf32>
    %ge3A_513 = arith.cmpf oge, %add3A_490, %ge3A_512 : vector<64x4xf32>
    %and3A_514 = arith.andi %and3A_510, %ge3A_513 : vector<64x4xi1>
    %le3A_515 = arith.constant 7.000000e+00 : f32
    %le3A_516 = vector.broadcast %le3A_515 : f32 to vector<64x4xf32>
    %le3A_517 = arith.cmpf ole, %add3A_490, %le3A_516 : vector<64x4xf32>
    %and3A_518 = arith.andi %and3A_514, %le3A_517 : vector<64x4xi1>
    %jit3A_519 = arith.constant 0 : i32
    %jit3A_520 = arith.constant 23 : i32
    %convert_element_type3A_521 = arith.sitofp %jit3A_519 : i32 to f32
    %max3A_522 = vector.broadcast %convert_element_type3A_521 : f32 to vector<64x4xf32>
    %max3A_523 = arith.maximumf %max3A_522, %add3A_484 : vector<64x4xf32>
    %convert_element_type3A_524 = arith.sitofp %jit3A_520 : i32 to f32
    %min3A_525 = vector.broadcast %convert_element_type3A_524 : f32 to vector<64x4xf32>
    %min3A_526 = arith.minimumf %min3A_525, %max3A_523 : vector<64x4xf32>
    %convert_element_type3A_527 = arith.fptosi %min3A_526 : vector<64x4xf32> to vector<64x4xi32>
    %jit3A_528 = arith.constant 0 : i32
    %jit3A_529 = arith.constant 23 : i32
    %convert_element_type3A_530 = arith.sitofp %jit3A_528 : i32 to f32
    %max3A_531 = vector.broadcast %convert_element_type3A_530 : f32 to vector<64x4xf32>
    %max3A_532 = arith.maximumf %max3A_531, %add3A_487 : vector<64x4xf32>
    %convert_element_type3A_533 = arith.sitofp %jit3A_529 : i32 to f32
    %min3A_534 = vector.broadcast %convert_element_type3A_533 : f32 to vector<64x4xf32>
    %min3A_535 = arith.minimumf %min3A_534, %max3A_532 : vector<64x4xf32>
    %convert_element_type3A_536 = arith.fptosi %min3A_535 : vector<64x4xf32> to vector<64x4xi32>
    %jit3A_537 = arith.constant 0 : i32
    %jit3A_538 = arith.constant 7 : i32
    %convert_element_type3A_539 = arith.sitofp %jit3A_537 : i32 to f32
    %max3A_540 = vector.broadcast %convert_element_type3A_539 : f32 to vector<64x4xf32>
    %max3A_541 = arith.maximumf %max3A_540, %add3A_490 : vector<64x4xf32>
    %convert_element_type3A_542 = arith.sitofp %jit3A_538 : i32 to f32
    %min3A_543 = vector.broadcast %convert_element_type3A_542 : f32 to vector<64x4xf32>
    %min3A_544 = arith.minimumf %min3A_543, %max3A_541 : vector<64x4xf32>
    %convert_element_type3A_545 = arith.fptosi %min3A_544 : vector<64x4xf32> to vector<64x4xi32>
    %mul3A_546 = arith.constant 24 : i32
    %mul3A_547 = vector.broadcast %mul3A_546 : i32 to vector<64x4xi32>
    %mul3A_548 = arith.muli %convert_element_type3A_545, %mul3A_547 : vector<64x4xi32>
    %add3A_549 = arith.addi %mul3A_548, %convert_element_type3A_536 : vector<64x4xi32>
    %mul3A_550 = arith.constant 24 : i32
    %mul3A_551 = vector.broadcast %mul3A_550 : i32 to vector<64x4xi32>
    %mul3A_552 = arith.muli %add3A_549, %mul3A_551 : vector<64x4xi32>
    %add3A_553 = arith.addi %mul3A_552, %convert_element_type3A_527 : vector<64x4xi32>
    %add3A_554 = vector.broadcast %mul3A_238 : i32 to vector<64x4xi32>
    %add3A_555 = arith.addi %add3A_553, %add3A_554 : vector<64x4xi32>
    %convert_element_type3A_556 = arith.extui %and3A_518 : vector<64x4xi1> to vector<64x4xi32>
    %convert_element_type3A_557 = arith.sitofp %convert_element_type3A_556 : vector<64x4xi32> to vector<64x4xf32>
    %mul3A_558 = arith.mulf %mul3A_495, %convert_element_type3A_557 : vector<64x4xf32>
    %mul3A_559 = arith.mulf %mul3A_558, %div3A_123 : vector<64x4xf32>
    %convert_element_type3A_560 = arith.sitofp %add3A_555 : vector<64x4xi32> to vector<64x4xf32>
    %add3A_561 = arith.constant 0.000000e+00 : f32
    %add3A_562 = vector.broadcast %add3A_561 : f32 to vector<64x4xf32>
    %add3A_563 = arith.addf %floor3A, %add3A_562 : vector<64x4xf32>
    %add3A_564 = arith.constant 0.000000e+00 : f32
    %add3A_565 = vector.broadcast %add3A_564 : f32 to vector<64x4xf32>
    %add3A_566 = arith.addf %floor3A_232, %add3A_565 : vector<64x4xf32>
    %add3A_567 = arith.constant 1.000000e+00 : f32
    %add3A_568 = vector.broadcast %add3A_567 : f32 to vector<64x4xf32>
    %add3A_569 = arith.addf %floor3A_233, %add3A_568 : vector<64x4xf32>
    %sub3A_570 = arith.constant 1.000000e+00 : f32
    %sub3A_571 = vector.broadcast %sub3A_570 : f32 to vector<64x4xf32>
    %sub3A_572 = arith.subf %sub3A_571, %sub3A_234 : vector<64x4xf32>
    %sub3A_573 = arith.constant 1.000000e+00 : f32
    %sub3A_574 = vector.broadcast %sub3A_573 : f32 to vector<64x4xf32>
    %sub3A_575 = arith.subf %sub3A_574, %sub3A_235 : vector<64x4xf32>
    %mul3A_576 = arith.mulf %sub3A_572, %sub3A_575 : vector<64x4xf32>
    %mul3A_577 = arith.mulf %mul3A_576, %sub3A_236 : vector<64x4xf32>
    %ge3A_578 = arith.constant 0.000000e+00 : f32
    %ge3A_579 = vector.broadcast %ge3A_578 : f32 to vector<64x4xf32>
    %ge3A_580 = arith.cmpf oge, %add3A_563, %ge3A_579 : vector<64x4xf32>
    %le3A_581 = arith.constant 2.300000e+01 : f32
    %le3A_582 = vector.broadcast %le3A_581 : f32 to vector<64x4xf32>
    %le3A_583 = arith.cmpf ole, %add3A_563, %le3A_582 : vector<64x4xf32>
    %and3A_584 = arith.andi %ge3A_580, %le3A_583 : vector<64x4xi1>
    %ge3A_585 = arith.constant 0.000000e+00 : f32
    %ge3A_586 = vector.broadcast %ge3A_585 : f32 to vector<64x4xf32>
    %ge3A_587 = arith.cmpf oge, %add3A_566, %ge3A_586 : vector<64x4xf32>
    %and3A_588 = arith.andi %and3A_584, %ge3A_587 : vector<64x4xi1>
    %le3A_589 = arith.constant 2.300000e+01 : f32
    %le3A_590 = vector.broadcast %le3A_589 : f32 to vector<64x4xf32>
    %le3A_591 = arith.cmpf ole, %add3A_566, %le3A_590 : vector<64x4xf32>
    %and3A_592 = arith.andi %and3A_588, %le3A_591 : vector<64x4xi1>
    %ge3A_593 = arith.constant 0.000000e+00 : f32
    %ge3A_594 = vector.broadcast %ge3A_593 : f32 to vector<64x4xf32>
    %ge3A_595 = arith.cmpf oge, %add3A_569, %ge3A_594 : vector<64x4xf32>
    %and3A_596 = arith.andi %and3A_592, %ge3A_595 : vector<64x4xi1>
    %le3A_597 = arith.constant 7.000000e+00 : f32
    %le3A_598 = vector.broadcast %le3A_597 : f32 to vector<64x4xf32>
    %le3A_599 = arith.cmpf ole, %add3A_569, %le3A_598 : vector<64x4xf32>
    %and3A_600 = arith.andi %and3A_596, %le3A_599 : vector<64x4xi1>
    %jit3A_601 = arith.constant 0 : i32
    %jit3A_602 = arith.constant 23 : i32
    %convert_element_type3A_603 = arith.sitofp %jit3A_601 : i32 to f32
    %max3A_604 = vector.broadcast %convert_element_type3A_603 : f32 to vector<64x4xf32>
    %max3A_605 = arith.maximumf %max3A_604, %add3A_563 : vector<64x4xf32>
    %convert_element_type3A_606 = arith.sitofp %jit3A_602 : i32 to f32
    %min3A_607 = vector.broadcast %convert_element_type3A_606 : f32 to vector<64x4xf32>
    %min3A_608 = arith.minimumf %min3A_607, %max3A_605 : vector<64x4xf32>
    %convert_element_type3A_609 = arith.fptosi %min3A_608 : vector<64x4xf32> to vector<64x4xi32>
    %jit3A_610 = arith.constant 0 : i32
    %jit3A_611 = arith.constant 23 : i32
    %convert_element_type3A_612 = arith.sitofp %jit3A_610 : i32 to f32
    %max3A_613 = vector.broadcast %convert_element_type3A_612 : f32 to vector<64x4xf32>
    %max3A_614 = arith.maximumf %max3A_613, %add3A_566 : vector<64x4xf32>
    %convert_element_type3A_615 = arith.sitofp %jit3A_611 : i32 to f32
    %min3A_616 = vector.broadcast %convert_element_type3A_615 : f32 to vector<64x4xf32>
    %min3A_617 = arith.minimumf %min3A_616, %max3A_614 : vector<64x4xf32>
    %convert_element_type3A_618 = arith.fptosi %min3A_617 : vector<64x4xf32> to vector<64x4xi32>
    %jit3A_619 = arith.constant 0 : i32
    %jit3A_620 = arith.constant 7 : i32
    %convert_element_type3A_621 = arith.sitofp %jit3A_619 : i32 to f32
    %max3A_622 = vector.broadcast %convert_element_type3A_621 : f32 to vector<64x4xf32>
    %max3A_623 = arith.maximumf %max3A_622, %add3A_569 : vector<64x4xf32>
    %convert_element_type3A_624 = arith.sitofp %jit3A_620 : i32 to f32
    %min3A_625 = vector.broadcast %convert_element_type3A_624 : f32 to vector<64x4xf32>
    %min3A_626 = arith.minimumf %min3A_625, %max3A_623 : vector<64x4xf32>
    %convert_element_type3A_627 = arith.fptosi %min3A_626 : vector<64x4xf32> to vector<64x4xi32>
    %mul3A_628 = arith.constant 24 : i32
    %mul3A_629 = vector.broadcast %mul3A_628 : i32 to vector<64x4xi32>
    %mul3A_630 = arith.muli %convert_element_type3A_627, %mul3A_629 : vector<64x4xi32>
    %add3A_631 = arith.addi %mul3A_630, %convert_element_type3A_618 : vector<64x4xi32>
    %mul3A_632 = arith.constant 24 : i32
    %mul3A_633 = vector.broadcast %mul3A_632 : i32 to vector<64x4xi32>
    %mul3A_634 = arith.muli %add3A_631, %mul3A_633 : vector<64x4xi32>
    %add3A_635 = arith.addi %mul3A_634, %convert_element_type3A_609 : vector<64x4xi32>
    %add3A_636 = vector.broadcast %mul3A_238 : i32 to vector<64x4xi32>
    %add3A_637 = arith.addi %add3A_635, %add3A_636 : vector<64x4xi32>
    %convert_element_type3A_638 = arith.extui %and3A_600 : vector<64x4xi1> to vector<64x4xi32>
    %convert_element_type3A_639 = arith.sitofp %convert_element_type3A_638 : vector<64x4xi32> to vector<64x4xf32>
    %mul3A_640 = arith.mulf %mul3A_577, %convert_element_type3A_639 : vector<64x4xf32>
    %mul3A_641 = arith.mulf %mul3A_640, %div3A_123 : vector<64x4xf32>
    %convert_element_type3A_642 = arith.sitofp %add3A_637 : vector<64x4xi32> to vector<64x4xf32>
    %add3A_643 = arith.constant 1.000000e+00 : f32
    %add3A_644 = vector.broadcast %add3A_643 : f32 to vector<64x4xf32>
    %add3A_645 = arith.addf %floor3A, %add3A_644 : vector<64x4xf32>
    %add3A_646 = arith.constant 0.000000e+00 : f32
    %add3A_647 = vector.broadcast %add3A_646 : f32 to vector<64x4xf32>
    %add3A_648 = arith.addf %floor3A_232, %add3A_647 : vector<64x4xf32>
    %add3A_649 = arith.constant 1.000000e+00 : f32
    %add3A_650 = vector.broadcast %add3A_649 : f32 to vector<64x4xf32>
    %add3A_651 = arith.addf %floor3A_233, %add3A_650 : vector<64x4xf32>
    %sub3A_652 = arith.constant 1.000000e+00 : f32
    %sub3A_653 = vector.broadcast %sub3A_652 : f32 to vector<64x4xf32>
    %sub3A_654 = arith.subf %sub3A_653, %sub3A_235 : vector<64x4xf32>
    %mul3A_655 = arith.mulf %sub3A_234, %sub3A_654 : vector<64x4xf32>
    %mul3A_656 = arith.mulf %mul3A_655, %sub3A_236 : vector<64x4xf32>
    %ge3A_657 = arith.constant 0.000000e+00 : f32
    %ge3A_658 = vector.broadcast %ge3A_657 : f32 to vector<64x4xf32>
    %ge3A_659 = arith.cmpf oge, %add3A_645, %ge3A_658 : vector<64x4xf32>
    %le3A_660 = arith.constant 2.300000e+01 : f32
    %le3A_661 = vector.broadcast %le3A_660 : f32 to vector<64x4xf32>
    %le3A_662 = arith.cmpf ole, %add3A_645, %le3A_661 : vector<64x4xf32>
    %and3A_663 = arith.andi %ge3A_659, %le3A_662 : vector<64x4xi1>
    %ge3A_664 = arith.constant 0.000000e+00 : f32
    %ge3A_665 = vector.broadcast %ge3A_664 : f32 to vector<64x4xf32>
    %ge3A_666 = arith.cmpf oge, %add3A_648, %ge3A_665 : vector<64x4xf32>
    %and3A_667 = arith.andi %and3A_663, %ge3A_666 : vector<64x4xi1>
    %le3A_668 = arith.constant 2.300000e+01 : f32
    %le3A_669 = vector.broadcast %le3A_668 : f32 to vector<64x4xf32>
    %le3A_670 = arith.cmpf ole, %add3A_648, %le3A_669 : vector<64x4xf32>
    %and3A_671 = arith.andi %and3A_667, %le3A_670 : vector<64x4xi1>
    %ge3A_672 = arith.constant 0.000000e+00 : f32
    %ge3A_673 = vector.broadcast %ge3A_672 : f32 to vector<64x4xf32>
    %ge3A_674 = arith.cmpf oge, %add3A_651, %ge3A_673 : vector<64x4xf32>
    %and3A_675 = arith.andi %and3A_671, %ge3A_674 : vector<64x4xi1>
    %le3A_676 = arith.constant 7.000000e+00 : f32
    %le3A_677 = vector.broadcast %le3A_676 : f32 to vector<64x4xf32>
    %le3A_678 = arith.cmpf ole, %add3A_651, %le3A_677 : vector<64x4xf32>
    %and3A_679 = arith.andi %and3A_675, %le3A_678 : vector<64x4xi1>
    %jit3A_680 = arith.constant 0 : i32
    %jit3A_681 = arith.constant 23 : i32
    %convert_element_type3A_682 = arith.sitofp %jit3A_680 : i32 to f32
    %max3A_683 = vector.broadcast %convert_element_type3A_682 : f32 to vector<64x4xf32>
    %max3A_684 = arith.maximumf %max3A_683, %add3A_645 : vector<64x4xf32>
    %convert_element_type3A_685 = arith.sitofp %jit3A_681 : i32 to f32
    %min3A_686 = vector.broadcast %convert_element_type3A_685 : f32 to vector<64x4xf32>
    %min3A_687 = arith.minimumf %min3A_686, %max3A_684 : vector<64x4xf32>
    %convert_element_type3A_688 = arith.fptosi %min3A_687 : vector<64x4xf32> to vector<64x4xi32>
    %jit3A_689 = arith.constant 0 : i32
    %jit3A_690 = arith.constant 23 : i32
    %convert_element_type3A_691 = arith.sitofp %jit3A_689 : i32 to f32
    %max3A_692 = vector.broadcast %convert_element_type3A_691 : f32 to vector<64x4xf32>
    %max3A_693 = arith.maximumf %max3A_692, %add3A_648 : vector<64x4xf32>
    %convert_element_type3A_694 = arith.sitofp %jit3A_690 : i32 to f32
    %min3A_695 = vector.broadcast %convert_element_type3A_694 : f32 to vector<64x4xf32>
    %min3A_696 = arith.minimumf %min3A_695, %max3A_693 : vector<64x4xf32>
    %convert_element_type3A_697 = arith.fptosi %min3A_696 : vector<64x4xf32> to vector<64x4xi32>
    %jit3A_698 = arith.constant 0 : i32
    %jit3A_699 = arith.constant 7 : i32
    %convert_element_type3A_700 = arith.sitofp %jit3A_698 : i32 to f32
    %max3A_701 = vector.broadcast %convert_element_type3A_700 : f32 to vector<64x4xf32>
    %max3A_702 = arith.maximumf %max3A_701, %add3A_651 : vector<64x4xf32>
    %convert_element_type3A_703 = arith.sitofp %jit3A_699 : i32 to f32
    %min3A_704 = vector.broadcast %convert_element_type3A_703 : f32 to vector<64x4xf32>
    %min3A_705 = arith.minimumf %min3A_704, %max3A_702 : vector<64x4xf32>
    %convert_element_type3A_706 = arith.fptosi %min3A_705 : vector<64x4xf32> to vector<64x4xi32>
    %mul3A_707 = arith.constant 24 : i32
    %mul3A_708 = vector.broadcast %mul3A_707 : i32 to vector<64x4xi32>
    %mul3A_709 = arith.muli %convert_element_type3A_706, %mul3A_708 : vector<64x4xi32>
    %add3A_710 = arith.addi %mul3A_709, %convert_element_type3A_697 : vector<64x4xi32>
    %mul3A_711 = arith.constant 24 : i32
    %mul3A_712 = vector.broadcast %mul3A_711 : i32 to vector<64x4xi32>
    %mul3A_713 = arith.muli %add3A_710, %mul3A_712 : vector<64x4xi32>
    %add3A_714 = arith.addi %mul3A_713, %convert_element_type3A_688 : vector<64x4xi32>
    %add3A_715 = vector.broadcast %mul3A_238 : i32 to vector<64x4xi32>
    %add3A_716 = arith.addi %add3A_714, %add3A_715 : vector<64x4xi32>
    %convert_element_type3A_717 = arith.extui %and3A_679 : vector<64x4xi1> to vector<64x4xi32>
    %convert_element_type3A_718 = arith.sitofp %convert_element_type3A_717 : vector<64x4xi32> to vector<64x4xf32>
    %mul3A_719 = arith.mulf %mul3A_656, %convert_element_type3A_718 : vector<64x4xf32>
    %mul3A_720 = arith.mulf %mul3A_719, %div3A_123 : vector<64x4xf32>
    %convert_element_type3A_721 = arith.sitofp %add3A_716 : vector<64x4xi32> to vector<64x4xf32>
    %add3A_722 = arith.constant 0.000000e+00 : f32
    %add3A_723 = vector.broadcast %add3A_722 : f32 to vector<64x4xf32>
    %add3A_724 = arith.addf %floor3A, %add3A_723 : vector<64x4xf32>
    %add3A_725 = arith.constant 1.000000e+00 : f32
    %add3A_726 = vector.broadcast %add3A_725 : f32 to vector<64x4xf32>
    %add3A_727 = arith.addf %floor3A_232, %add3A_726 : vector<64x4xf32>
    %add3A_728 = arith.constant 1.000000e+00 : f32
    %add3A_729 = vector.broadcast %add3A_728 : f32 to vector<64x4xf32>
    %add3A_730 = arith.addf %floor3A_233, %add3A_729 : vector<64x4xf32>
    %sub3A_731 = arith.constant 1.000000e+00 : f32
    %sub3A_732 = vector.broadcast %sub3A_731 : f32 to vector<64x4xf32>
    %sub3A_733 = arith.subf %sub3A_732, %sub3A_234 : vector<64x4xf32>
    %mul3A_734 = arith.mulf %sub3A_733, %sub3A_235 : vector<64x4xf32>
    %mul3A_735 = arith.mulf %mul3A_734, %sub3A_236 : vector<64x4xf32>
    %ge3A_736 = arith.constant 0.000000e+00 : f32
    %ge3A_737 = vector.broadcast %ge3A_736 : f32 to vector<64x4xf32>
    %ge3A_738 = arith.cmpf oge, %add3A_724, %ge3A_737 : vector<64x4xf32>
    %le3A_739 = arith.constant 2.300000e+01 : f32
    %le3A_740 = vector.broadcast %le3A_739 : f32 to vector<64x4xf32>
    %le3A_741 = arith.cmpf ole, %add3A_724, %le3A_740 : vector<64x4xf32>
    %and3A_742 = arith.andi %ge3A_738, %le3A_741 : vector<64x4xi1>
    %ge3A_743 = arith.constant 0.000000e+00 : f32
    %ge3A_744 = vector.broadcast %ge3A_743 : f32 to vector<64x4xf32>
    %ge3A_745 = arith.cmpf oge, %add3A_727, %ge3A_744 : vector<64x4xf32>
    %and3A_746 = arith.andi %and3A_742, %ge3A_745 : vector<64x4xi1>
    %le3A_747 = arith.constant 2.300000e+01 : f32
    %le3A_748 = vector.broadcast %le3A_747 : f32 to vector<64x4xf32>
    %le3A_749 = arith.cmpf ole, %add3A_727, %le3A_748 : vector<64x4xf32>
    %and3A_750 = arith.andi %and3A_746, %le3A_749 : vector<64x4xi1>
    %ge3A_751 = arith.constant 0.000000e+00 : f32
    %ge3A_752 = vector.broadcast %ge3A_751 : f32 to vector<64x4xf32>
    %ge3A_753 = arith.cmpf oge, %add3A_730, %ge3A_752 : vector<64x4xf32>
    %and3A_754 = arith.andi %and3A_750, %ge3A_753 : vector<64x4xi1>
    %le3A_755 = arith.constant 7.000000e+00 : f32
    %le3A_756 = vector.broadcast %le3A_755 : f32 to vector<64x4xf32>
    %le3A_757 = arith.cmpf ole, %add3A_730, %le3A_756 : vector<64x4xf32>
    %and3A_758 = arith.andi %and3A_754, %le3A_757 : vector<64x4xi1>
    %jit3A_759 = arith.constant 0 : i32
    %jit3A_760 = arith.constant 23 : i32
    %convert_element_type3A_761 = arith.sitofp %jit3A_759 : i32 to f32
    %max3A_762 = vector.broadcast %convert_element_type3A_761 : f32 to vector<64x4xf32>
    %max3A_763 = arith.maximumf %max3A_762, %add3A_724 : vector<64x4xf32>
    %convert_element_type3A_764 = arith.sitofp %jit3A_760 : i32 to f32
    %min3A_765 = vector.broadcast %convert_element_type3A_764 : f32 to vector<64x4xf32>
    %min3A_766 = arith.minimumf %min3A_765, %max3A_763 : vector<64x4xf32>
    %convert_element_type3A_767 = arith.fptosi %min3A_766 : vector<64x4xf32> to vector<64x4xi32>
    %jit3A_768 = arith.constant 0 : i32
    %jit3A_769 = arith.constant 23 : i32
    %convert_element_type3A_770 = arith.sitofp %jit3A_768 : i32 to f32
    %max3A_771 = vector.broadcast %convert_element_type3A_770 : f32 to vector<64x4xf32>
    %max3A_772 = arith.maximumf %max3A_771, %add3A_727 : vector<64x4xf32>
    %convert_element_type3A_773 = arith.sitofp %jit3A_769 : i32 to f32
    %min3A_774 = vector.broadcast %convert_element_type3A_773 : f32 to vector<64x4xf32>
    %min3A_775 = arith.minimumf %min3A_774, %max3A_772 : vector<64x4xf32>
    %convert_element_type3A_776 = arith.fptosi %min3A_775 : vector<64x4xf32> to vector<64x4xi32>
    %jit3A_777 = arith.constant 0 : i32
    %jit3A_778 = arith.constant 7 : i32
    %convert_element_type3A_779 = arith.sitofp %jit3A_777 : i32 to f32
    %max3A_780 = vector.broadcast %convert_element_type3A_779 : f32 to vector<64x4xf32>
    %max3A_781 = arith.maximumf %max3A_780, %add3A_730 : vector<64x4xf32>
    %convert_element_type3A_782 = arith.sitofp %jit3A_778 : i32 to f32
    %min3A_783 = vector.broadcast %convert_element_type3A_782 : f32 to vector<64x4xf32>
    %min3A_784 = arith.minimumf %min3A_783, %max3A_781 : vector<64x4xf32>
    %convert_element_type3A_785 = arith.fptosi %min3A_784 : vector<64x4xf32> to vector<64x4xi32>
    %mul3A_786 = arith.constant 24 : i32
    %mul3A_787 = vector.broadcast %mul3A_786 : i32 to vector<64x4xi32>
    %mul3A_788 = arith.muli %convert_element_type3A_785, %mul3A_787 : vector<64x4xi32>
    %add3A_789 = arith.addi %mul3A_788, %convert_element_type3A_776 : vector<64x4xi32>
    %mul3A_790 = arith.constant 24 : i32
    %mul3A_791 = vector.broadcast %mul3A_790 : i32 to vector<64x4xi32>
    %mul3A_792 = arith.muli %add3A_789, %mul3A_791 : vector<64x4xi32>
    %add3A_793 = arith.addi %mul3A_792, %convert_element_type3A_767 : vector<64x4xi32>
    %add3A_794 = vector.broadcast %mul3A_238 : i32 to vector<64x4xi32>
    %add3A_795 = arith.addi %add3A_793, %add3A_794 : vector<64x4xi32>
    %convert_element_type3A_796 = arith.extui %and3A_758 : vector<64x4xi1> to vector<64x4xi32>
    %convert_element_type3A_797 = arith.sitofp %convert_element_type3A_796 : vector<64x4xi32> to vector<64x4xf32>
    %mul3A_798 = arith.mulf %mul3A_735, %convert_element_type3A_797 : vector<64x4xf32>
    %mul3A_799 = arith.mulf %mul3A_798, %div3A_123 : vector<64x4xf32>
    %convert_element_type3A_800 = arith.sitofp %add3A_795 : vector<64x4xi32> to vector<64x4xf32>
    %add3A_801 = arith.constant 1.000000e+00 : f32
    %add3A_802 = vector.broadcast %add3A_801 : f32 to vector<64x4xf32>
    %add3A_803 = arith.addf %floor3A, %add3A_802 : vector<64x4xf32>
    %add3A_804 = arith.constant 1.000000e+00 : f32
    %add3A_805 = vector.broadcast %add3A_804 : f32 to vector<64x4xf32>
    %add3A_806 = arith.addf %floor3A_232, %add3A_805 : vector<64x4xf32>
    %add3A_807 = arith.constant 1.000000e+00 : f32
    %add3A_808 = vector.broadcast %add3A_807 : f32 to vector<64x4xf32>
    %add3A_809 = arith.addf %floor3A_233, %add3A_808 : vector<64x4xf32>
    %mul3A_810 = arith.mulf %sub3A_234, %sub3A_235 : vector<64x4xf32>
    %mul3A_811 = arith.mulf %mul3A_810, %sub3A_236 : vector<64x4xf32>
    %ge3A_812 = arith.constant 0.000000e+00 : f32
    %ge3A_813 = vector.broadcast %ge3A_812 : f32 to vector<64x4xf32>
    %ge3A_814 = arith.cmpf oge, %add3A_803, %ge3A_813 : vector<64x4xf32>
    %le3A_815 = arith.constant 2.300000e+01 : f32
    %le3A_816 = vector.broadcast %le3A_815 : f32 to vector<64x4xf32>
    %le3A_817 = arith.cmpf ole, %add3A_803, %le3A_816 : vector<64x4xf32>
    %and3A_818 = arith.andi %ge3A_814, %le3A_817 : vector<64x4xi1>
    %ge3A_819 = arith.constant 0.000000e+00 : f32
    %ge3A_820 = vector.broadcast %ge3A_819 : f32 to vector<64x4xf32>
    %ge3A_821 = arith.cmpf oge, %add3A_806, %ge3A_820 : vector<64x4xf32>
    %and3A_822 = arith.andi %and3A_818, %ge3A_821 : vector<64x4xi1>
    %le3A_823 = arith.constant 2.300000e+01 : f32
    %le3A_824 = vector.broadcast %le3A_823 : f32 to vector<64x4xf32>
    %le3A_825 = arith.cmpf ole, %add3A_806, %le3A_824 : vector<64x4xf32>
    %and3A_826 = arith.andi %and3A_822, %le3A_825 : vector<64x4xi1>
    %ge3A_827 = arith.constant 0.000000e+00 : f32
    %ge3A_828 = vector.broadcast %ge3A_827 : f32 to vector<64x4xf32>
    %ge3A_829 = arith.cmpf oge, %add3A_809, %ge3A_828 : vector<64x4xf32>
    %and3A_830 = arith.andi %and3A_826, %ge3A_829 : vector<64x4xi1>
    %le3A_831 = arith.constant 7.000000e+00 : f32
    %le3A_832 = vector.broadcast %le3A_831 : f32 to vector<64x4xf32>
    %le3A_833 = arith.cmpf ole, %add3A_809, %le3A_832 : vector<64x4xf32>
    %and3A_834 = arith.andi %and3A_830, %le3A_833 : vector<64x4xi1>
    %jit3A_835 = arith.constant 0 : i32
    %jit3A_836 = arith.constant 23 : i32
    %convert_element_type3A_837 = arith.sitofp %jit3A_835 : i32 to f32
    %max3A_838 = vector.broadcast %convert_element_type3A_837 : f32 to vector<64x4xf32>
    %max3A_839 = arith.maximumf %max3A_838, %add3A_803 : vector<64x4xf32>
    %convert_element_type3A_840 = arith.sitofp %jit3A_836 : i32 to f32
    %min3A_841 = vector.broadcast %convert_element_type3A_840 : f32 to vector<64x4xf32>
    %min3A_842 = arith.minimumf %min3A_841, %max3A_839 : vector<64x4xf32>
    %convert_element_type3A_843 = arith.fptosi %min3A_842 : vector<64x4xf32> to vector<64x4xi32>
    %jit3A_844 = arith.constant 0 : i32
    %jit3A_845 = arith.constant 23 : i32
    %convert_element_type3A_846 = arith.sitofp %jit3A_844 : i32 to f32
    %max3A_847 = vector.broadcast %convert_element_type3A_846 : f32 to vector<64x4xf32>
    %max3A_848 = arith.maximumf %max3A_847, %add3A_806 : vector<64x4xf32>
    %convert_element_type3A_849 = arith.sitofp %jit3A_845 : i32 to f32
    %min3A_850 = vector.broadcast %convert_element_type3A_849 : f32 to vector<64x4xf32>
    %min3A_851 = arith.minimumf %min3A_850, %max3A_848 : vector<64x4xf32>
    %convert_element_type3A_852 = arith.fptosi %min3A_851 : vector<64x4xf32> to vector<64x4xi32>
    %jit3A_853 = arith.constant 0 : i32
    %jit3A_854 = arith.constant 7 : i32
    %convert_element_type3A_855 = arith.sitofp %jit3A_853 : i32 to f32
    %max3A_856 = vector.broadcast %convert_element_type3A_855 : f32 to vector<64x4xf32>
    %max3A_857 = arith.maximumf %max3A_856, %add3A_809 : vector<64x4xf32>
    %convert_element_type3A_858 = arith.sitofp %jit3A_854 : i32 to f32
    %min3A_859 = vector.broadcast %convert_element_type3A_858 : f32 to vector<64x4xf32>
    %min3A_860 = arith.minimumf %min3A_859, %max3A_857 : vector<64x4xf32>
    %convert_element_type3A_861 = arith.fptosi %min3A_860 : vector<64x4xf32> to vector<64x4xi32>
    %mul3A_862 = arith.constant 24 : i32
    %mul3A_863 = vector.broadcast %mul3A_862 : i32 to vector<64x4xi32>
    %mul3A_864 = arith.muli %convert_element_type3A_861, %mul3A_863 : vector<64x4xi32>
    %add3A_865 = arith.addi %mul3A_864, %convert_element_type3A_852 : vector<64x4xi32>
    %mul3A_866 = arith.constant 24 : i32
    %mul3A_867 = vector.broadcast %mul3A_866 : i32 to vector<64x4xi32>
    %mul3A_868 = arith.muli %add3A_865, %mul3A_867 : vector<64x4xi32>
    %add3A_869 = arith.addi %mul3A_868, %convert_element_type3A_843 : vector<64x4xi32>
    %add3A_870 = vector.broadcast %mul3A_238 : i32 to vector<64x4xi32>
    %add3A_871 = arith.addi %add3A_869, %add3A_870 : vector<64x4xi32>
    %convert_element_type3A_872 = arith.extui %and3A_834 : vector<64x4xi1> to vector<64x4xi32>
    %convert_element_type3A_873 = arith.sitofp %convert_element_type3A_872 : vector<64x4xi32> to vector<64x4xf32>
    %mul3A_874 = arith.mulf %mul3A_811, %convert_element_type3A_873 : vector<64x4xf32>
    %mul3A_875 = arith.mulf %mul3A_874, %div3A_123 : vector<64x4xf32>
    %convert_element_type3A_876 = arith.sitofp %add3A_871 : vector<64x4xi32> to vector<64x4xf32>
    %concatenate3A_877 = tpu.concatenate %mul3A_316, %mul3A_398, %mul3A_480, %mul3A_559, %mul3A_641, %mul3A_720, %mul3A_799, %mul3A_875 in 1 : vector<64x4xf32>, vector<64x4xf32>, vector<64x4xf32>, vector<64x4xf32>, vector<64x4xf32>, vector<64x4xf32>, vector<64x4xf32>, vector<64x4xf32> -> vector<64x32xf32>
    %concatenate3A_878 = tpu.concatenate %convert_element_type3A_317, %convert_element_type3A_399, %convert_element_type3A_481, %convert_element_type3A_560, %convert_element_type3A_642, %convert_element_type3A_721, %convert_element_type3A_800, %convert_element_type3A_876 in 1 : vector<64x4xf32>, vector<64x4xf32>, vector<64x4xf32>, vector<64x4xf32>, vector<64x4xf32>, vector<64x4xf32>, vector<64x4xf32>, vector<64x4xf32> -> vector<64x32xf32>
    %slice3A_879 = vector.extract_strided_slice %get3A_138 {offsets = [0, 0], sizes = [64, 3], strides = [1, 1]} : vector<64x128xf32> to vector<64x3xf32>
    %add3A_880 = arith.addf %slice3A_879, %slice3A_111 : vector<64x3xf32>
    %neg3A_881 = arith.constant 0.000000e+00 : f32
    %neg3A_882 = vector.broadcast %neg3A_881 : f32 to vector<64x3xf32>
    %neg3A_883 = arith.subf %neg3A_882, %add3A_880 : vector<64x3xf32>
    %exp3A_884 = math.exp %neg3A_883 : vector<64x3xf32>
    %add3A_885 = arith.constant 1.000000e+00 : f32
    %add3A_886 = vector.broadcast %add3A_885 : f32 to vector<64x3xf32>
    %add3A_887 = arith.addf %add3A_886, %exp3A_884 : vector<64x3xf32>
    %div3A_888 = arith.constant 1.000000e+00 : f32
    %div3A_889 = vector.broadcast %div3A_888 : f32 to vector<64x3xf32>
    %div3A_890 = arith.divf %div3A_889, %add3A_887 : vector<64x3xf32>
    %slice3A_891 = vector.extract_strided_slice %div3A_890 {offsets = [0, 0], sizes = [64, 1], strides = [1, 1]} : vector<64x3xf32> to vector<64x1xf32>
    %mul3A_892 = arith.constant 7.000000e+00 : f32
    %mul3A_893 = vector.broadcast %mul3A_892 : f32 to vector<64x1xf32>
    %mul3A_894 = arith.mulf %slice3A_891, %mul3A_893 : vector<64x1xf32>
    %round3A = math.roundeven %mul3A_894 : vector<64x1xf32>
    %slice3A_895 = vector.extract_strided_slice %div3A_890 {offsets = [0, 1], sizes = [64, 1], strides = [1, 1]} : vector<64x3xf32> to vector<64x1xf32>
    %mul3A_896 = arith.constant 2.300000e+01 : f32
    %mul3A_897 = vector.broadcast %mul3A_896 : f32 to vector<64x1xf32>
    %mul3A_898 = arith.mulf %slice3A_895, %mul3A_897 : vector<64x1xf32>
    %round3A_899 = math.roundeven %mul3A_898 : vector<64x1xf32>
    %slice3A_900 = vector.extract_strided_slice %div3A_890 {offsets = [0, 2], sizes = [64, 1], strides = [1, 1]} : vector<64x3xf32> to vector<64x1xf32>
    %mul3A_901 = arith.constant 2.300000e+01 : f32
    %mul3A_902 = vector.broadcast %mul3A_901 : f32 to vector<64x1xf32>
    %mul3A_903 = arith.mulf %slice3A_900, %mul3A_902 : vector<64x1xf32>
    %round3A_904 = math.roundeven %mul3A_903 : vector<64x1xf32>
    %mul3A_905 = arith.constant 5.760000e+02 : f32
    %mul3A_906 = vector.broadcast %mul3A_905 : f32 to vector<64x1xf32>
    %mul3A_907 = arith.mulf %mul3A_906, %round3A : vector<64x1xf32>
    %mul3A_908 = arith.constant 2.400000e+01 : f32
    %mul3A_909 = vector.broadcast %mul3A_908 : f32 to vector<64x1xf32>
    %mul3A_910 = arith.mulf %mul3A_909, %round3A_899 : vector<64x1xf32>
    %add3A_911 = arith.addf %mul3A_907, %mul3A_910 : vector<64x1xf32>
    %add3A_912 = arith.addf %add3A_911, %round3A_904 : vector<64x1xf32>
    %broadcast_in_dim3A_913 = arith.constant 0.000000e+00 : f32
    %broadcast_in_dim3A_914 = vector.broadcast %broadcast_in_dim3A_913 : f32 to vector<64x190xf32>
    %concatenate3A_915 = tpu.concatenate %concatenate3A, %concatenate3A_877, %concatenate3A_878, %broadcast_in_dim3A_135, %add3A_912, %broadcast_in_dim3A_914 in 1 : vector<64x256xf32>, vector<64x32xf32>, vector<64x32xf32>, vector<64x1xf32>, vector<64x1xf32>, vector<64x190xf32> -> vector<64x512xf32>
    %swap3A = arith.constant 0 : index
    %swap3A_916 = arith.constant 0 : index
    %swap3A_917 = arith.constant 0 : index
    %swap3A_918 = vector.load %arg10[%swap3A, %swap3A_916, %swap3A_917] : memref<1x64x512xf32, #tpu.memory_space<vmem>>, vector<1x64x512xf32>
    %swap3A_919 = vector.shape_cast %swap3A_918 : vector<1x64x512xf32> to vector<64x512xf32>
    %swap3A_920 = vector.shape_cast %concatenate3A_915 : vector<64x512xf32> to vector<1x64x512xf32>
    tpu.vector_store %arg10[%swap3A, %swap3A_916, %swap3A_917], %swap3A_920 {strides = array<i32>} : memref<1x64x512xf32, #tpu.memory_space<vmem>>, vector<1x64x512xf32>,
    return
  }
  func.func @transform_0(%arg0: i32) -> (i32, i32, i32) {
    %c0_i32 = arith.constant 0 : i32
    %c0_i32_0 = arith.constant 0 : i32
    %c0_i32_1 = arith.constant 0 : i32
    return %arg0, %c0_i32, %c0_i32_0 : i32, i32, i32
  }
  func.func @transform_1(%arg0: i32) -> (i32, i32, i32) {
    %c0_i32 = arith.constant 0 : i32
    %c0_i32_0 = arith.constant 0 : i32
    %c0_i32_1 = arith.constant 0 : i32
    return %arg0, %c0_i32, %c0_i32_0 : i32, i32, i32
  }
  func.func @transform_2(%arg0: i32) -> (i32, i32) {
    %c0_i32 = arith.constant 0 : i32
    %c0_i32_0 = arith.constant 0 : i32
    %c0_i32_1 = arith.constant 0 : i32
    return %c0_i32, %c0_i32_0 : i32, i32
  }
  func.func @transform_3(%arg0: i32) -> (i32, i32) {
    %c0_i32 = arith.constant 0 : i32
    %c0_i32_0 = arith.constant 0 : i32
    %c0_i32_1 = arith.constant 0 : i32
    return %c0_i32, %c0_i32_0 : i32, i32
  }
  func.func @transform_4(%arg0: i32) -> (i32, i32) {
    %c0_i32 = arith.constant 0 : i32
    %c0_i32_0 = arith.constant 0 : i32
    %c0_i32_1 = arith.constant 0 : i32
    return %c0_i32, %c0_i32_0 : i32, i32
  }
  func.func @transform_5(%arg0: i32) -> (i32, i32) {
    %c0_i32 = arith.constant 0 : i32
    %c0_i32_0 = arith.constant 0 : i32
    %c0_i32_1 = arith.constant 0 : i32
    return %c0_i32, %c0_i32_0 : i32, i32
  }
  func.func @transform_6(%arg0: i32) -> (i32, i32) {
    %c0_i32 = arith.constant 0 : i32
    %c0_i32_0 = arith.constant 0 : i32
    %c0_i32_1 = arith.constant 0 : i32
    return %c0_i32, %c0_i32_0 : i32, i32
  }
  func.func @transform_7(%arg0: i32) -> (i32, i32) {
    %c0_i32 = arith.constant 0 : i32
    %c0_i32_0 = arith.constant 0 : i32
    %c0_i32_1 = arith.constant 0 : i32
    return %c0_i32, %c0_i32_0 : i32, i32
  }
  func.func @transform_8(%arg0: i32) -> (i32, i32) {
    %c0_i32 = arith.constant 0 : i32
    %c0_i32_0 = arith.constant 0 : i32
    %c0_i32_1 = arith.constant 0 : i32
    return %c0_i32, %c0_i32_0 : i32, i32
  }
  func.func @transform_9(%arg0: i32) -> (i32, i32, i32) {
    %c0_i32 = arith.constant 0 : i32
    %c0_i32_0 = arith.constant 0 : i32
    %c0_i32_1 = arith.constant 0 : i32
    return %arg0, %c0_i32, %c0_i32_0 : i32, i32, i32
  }
}

module attributes {stable_mosaic.version = 14 : i64} {
  func.func @_stage_c(%arg0: i32, %arg1: memref<1x2048x256xf32, #tpu.memory_space<vmem>>, %arg2: memref<1x64x512xf32, #tpu.memory_space<vmem>>, %arg3: memref<1x256xf32, #tpu.memory_space<vmem>>, %arg4: memref<1x256xf32, #tpu.memory_space<vmem>>, %arg5: memref<1x4608x256xf32, #tpu.memory_space<vmem>>) attributes {dimension_semantics = [#tpu.dimension_semantics<arbitrary>], iteration_bounds = array<i64: 8>, scalar_prefetch = 0 : i64, scratch_operands = 0 : i64, tpu.core_type = #tpu.core_type<tc>, window_params = [{transform_indices = @transform_0, window_bounds = array<i64: 1, 2048, 256>}, {transform_indices = @transform_1, window_bounds = array<i64: 1, 64, 512>}, {pipeline_mode = #tpu.pipeline_mode<synchronous>, transform_indices = @transform_2, window_bounds = array<i64: 1, 256>}, {pipeline_mode = #tpu.pipeline_mode<synchronous>, transform_indices = @transform_3, window_bounds = array<i64: 1, 256>}, {transform_indices = @transform_4, window_bounds = array<i64: 1, 4608, 256>}]} {
    %get3A = arith.constant 0 : index
    %get3A_0 = arith.constant 0 : index
    %get3A_1 = arith.constant 0 : index
    %get3A_2 = vector.load %arg2[%get3A, %get3A_0, %get3A_1] : memref<1x64x512xf32, #tpu.memory_space<vmem>>, vector<1x64x512xf32>
    %get3A_3 = vector.shape_cast %get3A_2 : vector<1x64x512xf32> to vector<64x512xf32>
    %slice3A = vector.extract_strided_slice %get3A_3 {offsets = [0, 0], sizes = [64, 256], strides = [1, 1]} : vector<64x512xf32> to vector<64x256xf32>
    %get3A_4 = arith.constant 0 : index
    %get3A_5 = arith.constant 0 : index
    %get3A_6 = arith.constant 0 : index
    %get3A_7 = vector.load %arg1[%get3A_4, %get3A_5, %get3A_6] : memref<1x2048x256xf32, #tpu.memory_space<vmem>>, vector<1x64x256xf32>
    %get3A_8 = vector.shape_cast %get3A_7 : vector<1x64x256xf32> to vector<64x256xf32>
    %slice3A_9 = vector.extract_strided_slice %get3A_3 {offsets = [0, 256], sizes = [64, 1], strides = [1, 1]} : vector<64x512xf32> to vector<64x1xf32>
    %mul3A = vector.broadcast %slice3A_9 : vector<64x1xf32> to vector<64x256xf32>
    %mul3A_10 = arith.mulf %get3A_8, %mul3A : vector<64x256xf32>
    %add3A = arith.addf %slice3A, %mul3A_10 : vector<64x256xf32>
    %get3A_11 = arith.constant 0 : index
    %get3A_12 = arith.constant 64 : index
    %get3A_13 = arith.constant 0 : index
    %get3A_14 = vector.load %arg1[%get3A_11, %get3A_12, %get3A_13] : memref<1x2048x256xf32, #tpu.memory_space<vmem>>, vector<1x64x256xf32>
    %get3A_15 = vector.shape_cast %get3A_14 : vector<1x64x256xf32> to vector<64x256xf32>
    %slice3A_16 = vector.extract_strided_slice %get3A_3 {offsets = [0, 257], sizes = [64, 1], strides = [1, 1]} : vector<64x512xf32> to vector<64x1xf32>
    %mul3A_17 = vector.broadcast %slice3A_16 : vector<64x1xf32> to vector<64x256xf32>
    %mul3A_18 = arith.mulf %get3A_15, %mul3A_17 : vector<64x256xf32>
    %add3A_19 = arith.addf %add3A, %mul3A_18 : vector<64x256xf32>
    %get3A_20 = arith.constant 0 : index
    %get3A_21 = arith.constant 128 : index
    %get3A_22 = arith.constant 0 : index
    %get3A_23 = vector.load %arg1[%get3A_20, %get3A_21, %get3A_22] : memref<1x2048x256xf32, #tpu.memory_space<vmem>>, vector<1x64x256xf32>
    %get3A_24 = vector.shape_cast %get3A_23 : vector<1x64x256xf32> to vector<64x256xf32>
    %slice3A_25 = vector.extract_strided_slice %get3A_3 {offsets = [0, 258], sizes = [64, 1], strides = [1, 1]} : vector<64x512xf32> to vector<64x1xf32>
    %mul3A_26 = vector.broadcast %slice3A_25 : vector<64x1xf32> to vector<64x256xf32>
    %mul3A_27 = arith.mulf %get3A_24, %mul3A_26 : vector<64x256xf32>
    %add3A_28 = arith.addf %add3A_19, %mul3A_27 : vector<64x256xf32>
    %get3A_29 = arith.constant 0 : index
    %get3A_30 = arith.constant 192 : index
    %get3A_31 = arith.constant 0 : index
    %get3A_32 = vector.load %arg1[%get3A_29, %get3A_30, %get3A_31] : memref<1x2048x256xf32, #tpu.memory_space<vmem>>, vector<1x64x256xf32>
    %get3A_33 = vector.shape_cast %get3A_32 : vector<1x64x256xf32> to vector<64x256xf32>
    %slice3A_34 = vector.extract_strided_slice %get3A_3 {offsets = [0, 259], sizes = [64, 1], strides = [1, 1]} : vector<64x512xf32> to vector<64x1xf32>
    %mul3A_35 = vector.broadcast %slice3A_34 : vector<64x1xf32> to vector<64x256xf32>
    %mul3A_36 = arith.mulf %get3A_33, %mul3A_35 : vector<64x256xf32>
    %add3A_37 = arith.addf %add3A_28, %mul3A_36 : vector<64x256xf32>
    %get3A_38 = arith.constant 0 : index
    %get3A_39 = arith.constant 256 : index
    %get3A_40 = arith.constant 0 : index
    %get3A_41 = vector.load %arg1[%get3A_38, %get3A_39, %get3A_40] : memref<1x2048x256xf32, #tpu.memory_space<vmem>>, vector<1x64x256xf32>
    %get3A_42 = vector.shape_cast %get3A_41 : vector<1x64x256xf32> to vector<64x256xf32>
    %slice3A_43 = vector.extract_strided_slice %get3A_3 {offsets = [0, 260], sizes = [64, 1], strides = [1, 1]} : vector<64x512xf32> to vector<64x1xf32>
    %mul3A_44 = vector.broadcast %slice3A_43 : vector<64x1xf32> to vector<64x256xf32>
    %mul3A_45 = arith.mulf %get3A_42, %mul3A_44 : vector<64x256xf32>
    %add3A_46 = arith.addf %add3A_37, %mul3A_45 : vector<64x256xf32>
    %get3A_47 = arith.constant 0 : index
    %get3A_48 = arith.constant 320 : index
    %get3A_49 = arith.constant 0 : index
    %get3A_50 = vector.load %arg1[%get3A_47, %get3A_48, %get3A_49] : memref<1x2048x256xf32, #tpu.memory_space<vmem>>, vector<1x64x256xf32>
    %get3A_51 = vector.shape_cast %get3A_50 : vector<1x64x256xf32> to vector<64x256xf32>
    %slice3A_52 = vector.extract_strided_slice %get3A_3 {offsets = [0, 261], sizes = [64, 1], strides = [1, 1]} : vector<64x512xf32> to vector<64x1xf32>
    %mul3A_53 = vector.broadcast %slice3A_52 : vector<64x1xf32> to vector<64x256xf32>
    %mul3A_54 = arith.mulf %get3A_51, %mul3A_53 : vector<64x256xf32>
    %add3A_55 = arith.addf %add3A_46, %mul3A_54 : vector<64x256xf32>
    %get3A_56 = arith.constant 0 : index
    %get3A_57 = arith.constant 384 : index
    %get3A_58 = arith.constant 0 : index
    %get3A_59 = vector.load %arg1[%get3A_56, %get3A_57, %get3A_58] : memref<1x2048x256xf32, #tpu.memory_space<vmem>>, vector<1x64x256xf32>
    %get3A_60 = vector.shape_cast %get3A_59 : vector<1x64x256xf32> to vector<64x256xf32>
    %slice3A_61 = vector.extract_strided_slice %get3A_3 {offsets = [0, 262], sizes = [64, 1], strides = [1, 1]} : vector<64x512xf32> to vector<64x1xf32>
    %mul3A_62 = vector.broadcast %slice3A_61 : vector<64x1xf32> to vector<64x256xf32>
    %mul3A_63 = arith.mulf %get3A_60, %mul3A_62 : vector<64x256xf32>
    %add3A_64 = arith.addf %add3A_55, %mul3A_63 : vector<64x256xf32>
    %get3A_65 = arith.constant 0 : index
    %get3A_66 = arith.constant 448 : index
    %get3A_67 = arith.constant 0 : index
    %get3A_68 = vector.load %arg1[%get3A_65, %get3A_66, %get3A_67] : memref<1x2048x256xf32, #tpu.memory_space<vmem>>, vector<1x64x256xf32>
    %get3A_69 = vector.shape_cast %get3A_68 : vector<1x64x256xf32> to vector<64x256xf32>
    %slice3A_70 = vector.extract_strided_slice %get3A_3 {offsets = [0, 263], sizes = [64, 1], strides = [1, 1]} : vector<64x512xf32> to vector<64x1xf32>
    %mul3A_71 = vector.broadcast %slice3A_70 : vector<64x1xf32> to vector<64x256xf32>
    %mul3A_72 = arith.mulf %get3A_69, %mul3A_71 : vector<64x256xf32>
    %add3A_73 = arith.addf %add3A_64, %mul3A_72 : vector<64x256xf32>
    %get3A_74 = arith.constant 0 : index
    %get3A_75 = arith.constant 512 : index
    %get3A_76 = arith.constant 0 : index
    %get3A_77 = vector.load %arg1[%get3A_74, %get3A_75, %get3A_76] : memref<1x2048x256xf32, #tpu.memory_space<vmem>>, vector<1x64x256xf32>
    %get3A_78 = vector.shape_cast %get3A_77 : vector<1x64x256xf32> to vector<64x256xf32>
    %slice3A_79 = vector.extract_strided_slice %get3A_3 {offsets = [0, 264], sizes = [64, 1], strides = [1, 1]} : vector<64x512xf32> to vector<64x1xf32>
    %mul3A_80 = vector.broadcast %slice3A_79 : vector<64x1xf32> to vector<64x256xf32>
    %mul3A_81 = arith.mulf %get3A_78, %mul3A_80 : vector<64x256xf32>
    %add3A_82 = arith.addf %add3A_73, %mul3A_81 : vector<64x256xf32>
    %get3A_83 = arith.constant 0 : index
    %get3A_84 = arith.constant 576 : index
    %get3A_85 = arith.constant 0 : index
    %get3A_86 = vector.load %arg1[%get3A_83, %get3A_84, %get3A_85] : memref<1x2048x256xf32, #tpu.memory_space<vmem>>, vector<1x64x256xf32>
    %get3A_87 = vector.shape_cast %get3A_86 : vector<1x64x256xf32> to vector<64x256xf32>
    %slice3A_88 = vector.extract_strided_slice %get3A_3 {offsets = [0, 265], sizes = [64, 1], strides = [1, 1]} : vector<64x512xf32> to vector<64x1xf32>
    %mul3A_89 = vector.broadcast %slice3A_88 : vector<64x1xf32> to vector<64x256xf32>
    %mul3A_90 = arith.mulf %get3A_87, %mul3A_89 : vector<64x256xf32>
    %add3A_91 = arith.addf %add3A_82, %mul3A_90 : vector<64x256xf32>
    %get3A_92 = arith.constant 0 : index
    %get3A_93 = arith.constant 640 : index
    %get3A_94 = arith.constant 0 : index
    %get3A_95 = vector.load %arg1[%get3A_92, %get3A_93, %get3A_94] : memref<1x2048x256xf32, #tpu.memory_space<vmem>>, vector<1x64x256xf32>
    %get3A_96 = vector.shape_cast %get3A_95 : vector<1x64x256xf32> to vector<64x256xf32>
    %slice3A_97 = vector.extract_strided_slice %get3A_3 {offsets = [0, 266], sizes = [64, 1], strides = [1, 1]} : vector<64x512xf32> to vector<64x1xf32>
    %mul3A_98 = vector.broadcast %slice3A_97 : vector<64x1xf32> to vector<64x256xf32>
    %mul3A_99 = arith.mulf %get3A_96, %mul3A_98 : vector<64x256xf32>
    %add3A_100 = arith.addf %add3A_91, %mul3A_99 : vector<64x256xf32>
    %get3A_101 = arith.constant 0 : index
    %get3A_102 = arith.constant 704 : index
    %get3A_103 = arith.constant 0 : index
    %get3A_104 = vector.load %arg1[%get3A_101, %get3A_102, %get3A_103] : memref<1x2048x256xf32, #tpu.memory_space<vmem>>, vector<1x64x256xf32>
    %get3A_105 = vector.shape_cast %get3A_104 : vector<1x64x256xf32> to vector<64x256xf32>
    %slice3A_106 = vector.extract_strided_slice %get3A_3 {offsets = [0, 267], sizes = [64, 1], strides = [1, 1]} : vector<64x512xf32> to vector<64x1xf32>
    %mul3A_107 = vector.broadcast %slice3A_106 : vector<64x1xf32> to vector<64x256xf32>
    %mul3A_108 = arith.mulf %get3A_105, %mul3A_107 : vector<64x256xf32>
    %add3A_109 = arith.addf %add3A_100, %mul3A_108 : vector<64x256xf32>
    %get3A_110 = arith.constant 0 : index
    %get3A_111 = arith.constant 768 : index
    %get3A_112 = arith.constant 0 : index
    %get3A_113 = vector.load %arg1[%get3A_110, %get3A_111, %get3A_112] : memref<1x2048x256xf32, #tpu.memory_space<vmem>>, vector<1x64x256xf32>
    %get3A_114 = vector.shape_cast %get3A_113 : vector<1x64x256xf32> to vector<64x256xf32>
    %slice3A_115 = vector.extract_strided_slice %get3A_3 {offsets = [0, 268], sizes = [64, 1], strides = [1, 1]} : vector<64x512xf32> to vector<64x1xf32>
    %mul3A_116 = vector.broadcast %slice3A_115 : vector<64x1xf32> to vector<64x256xf32>
    %mul3A_117 = arith.mulf %get3A_114, %mul3A_116 : vector<64x256xf32>
    %add3A_118 = arith.addf %add3A_109, %mul3A_117 : vector<64x256xf32>
    %get3A_119 = arith.constant 0 : index
    %get3A_120 = arith.constant 832 : index
    %get3A_121 = arith.constant 0 : index
    %get3A_122 = vector.load %arg1[%get3A_119, %get3A_120, %get3A_121] : memref<1x2048x256xf32, #tpu.memory_space<vmem>>, vector<1x64x256xf32>
    %get3A_123 = vector.shape_cast %get3A_122 : vector<1x64x256xf32> to vector<64x256xf32>
    %slice3A_124 = vector.extract_strided_slice %get3A_3 {offsets = [0, 269], sizes = [64, 1], strides = [1, 1]} : vector<64x512xf32> to vector<64x1xf32>
    %mul3A_125 = vector.broadcast %slice3A_124 : vector<64x1xf32> to vector<64x256xf32>
    %mul3A_126 = arith.mulf %get3A_123, %mul3A_125 : vector<64x256xf32>
    %add3A_127 = arith.addf %add3A_118, %mul3A_126 : vector<64x256xf32>
    %get3A_128 = arith.constant 0 : index
    %get3A_129 = arith.constant 896 : index
    %get3A_130 = arith.constant 0 : index
    %get3A_131 = vector.load %arg1[%get3A_128, %get3A_129, %get3A_130] : memref<1x2048x256xf32, #tpu.memory_space<vmem>>, vector<1x64x256xf32>
    %get3A_132 = vector.shape_cast %get3A_131 : vector<1x64x256xf32> to vector<64x256xf32>
    %slice3A_133 = vector.extract_strided_slice %get3A_3 {offsets = [0, 270], sizes = [64, 1], strides = [1, 1]} : vector<64x512xf32> to vector<64x1xf32>
    %mul3A_134 = vector.broadcast %slice3A_133 : vector<64x1xf32> to vector<64x256xf32>
    %mul3A_135 = arith.mulf %get3A_132, %mul3A_134 : vector<64x256xf32>
    %add3A_136 = arith.addf %add3A_127, %mul3A_135 : vector<64x256xf32>
    %get3A_137 = arith.constant 0 : index
    %get3A_138 = arith.constant 960 : index
    %get3A_139 = arith.constant 0 : index
    %get3A_140 = vector.load %arg1[%get3A_137, %get3A_138, %get3A_139] : memref<1x2048x256xf32, #tpu.memory_space<vmem>>, vector<1x64x256xf32>
    %get3A_141 = vector.shape_cast %get3A_140 : vector<1x64x256xf32> to vector<64x256xf32>
    %slice3A_142 = vector.extract_strided_slice %get3A_3 {offsets = [0, 271], sizes = [64, 1], strides = [1, 1]} : vector<64x512xf32> to vector<64x1xf32>
    %mul3A_143 = vector.broadcast %slice3A_142 : vector<64x1xf32> to vector<64x256xf32>
    %mul3A_144 = arith.mulf %get3A_141, %mul3A_143 : vector<64x256xf32>
    %add3A_145 = arith.addf %add3A_136, %mul3A_144 : vector<64x256xf32>
    %get3A_146 = arith.constant 0 : index
    %get3A_147 = arith.constant 1024 : index
    %get3A_148 = arith.constant 0 : index
    %get3A_149 = vector.load %arg1[%get3A_146, %get3A_147, %get3A_148] : memref<1x2048x256xf32, #tpu.memory_space<vmem>>, vector<1x64x256xf32>
    %get3A_150 = vector.shape_cast %get3A_149 : vector<1x64x256xf32> to vector<64x256xf32>
    %slice3A_151 = vector.extract_strided_slice %get3A_3 {offsets = [0, 272], sizes = [64, 1], strides = [1, 1]} : vector<64x512xf32> to vector<64x1xf32>
    %mul3A_152 = vector.broadcast %slice3A_151 : vector<64x1xf32> to vector<64x256xf32>
    %mul3A_153 = arith.mulf %get3A_150, %mul3A_152 : vector<64x256xf32>
    %add3A_154 = arith.addf %add3A_145, %mul3A_153 : vector<64x256xf32>
    %get3A_155 = arith.constant 0 : index
    %get3A_156 = arith.constant 1088 : index
    %get3A_157 = arith.constant 0 : index
    %get3A_158 = vector.load %arg1[%get3A_155, %get3A_156, %get3A_157] : memref<1x2048x256xf32, #tpu.memory_space<vmem>>, vector<1x64x256xf32>
    %get3A_159 = vector.shape_cast %get3A_158 : vector<1x64x256xf32> to vector<64x256xf32>
    %slice3A_160 = vector.extract_strided_slice %get3A_3 {offsets = [0, 273], sizes = [64, 1], strides = [1, 1]} : vector<64x512xf32> to vector<64x1xf32>
    %mul3A_161 = vector.broadcast %slice3A_160 : vector<64x1xf32> to vector<64x256xf32>
    %mul3A_162 = arith.mulf %get3A_159, %mul3A_161 : vector<64x256xf32>
    %add3A_163 = arith.addf %add3A_154, %mul3A_162 : vector<64x256xf32>
    %get3A_164 = arith.constant 0 : index
    %get3A_165 = arith.constant 1152 : index
    %get3A_166 = arith.constant 0 : index
    %get3A_167 = vector.load %arg1[%get3A_164, %get3A_165, %get3A_166] : memref<1x2048x256xf32, #tpu.memory_space<vmem>>, vector<1x64x256xf32>
    %get3A_168 = vector.shape_cast %get3A_167 : vector<1x64x256xf32> to vector<64x256xf32>
    %slice3A_169 = vector.extract_strided_slice %get3A_3 {offsets = [0, 274], sizes = [64, 1], strides = [1, 1]} : vector<64x512xf32> to vector<64x1xf32>
    %mul3A_170 = vector.broadcast %slice3A_169 : vector<64x1xf32> to vector<64x256xf32>
    %mul3A_171 = arith.mulf %get3A_168, %mul3A_170 : vector<64x256xf32>
    %add3A_172 = arith.addf %add3A_163, %mul3A_171 : vector<64x256xf32>
    %get3A_173 = arith.constant 0 : index
    %get3A_174 = arith.constant 1216 : index
    %get3A_175 = arith.constant 0 : index
    %get3A_176 = vector.load %arg1[%get3A_173, %get3A_174, %get3A_175] : memref<1x2048x256xf32, #tpu.memory_space<vmem>>, vector<1x64x256xf32>
    %get3A_177 = vector.shape_cast %get3A_176 : vector<1x64x256xf32> to vector<64x256xf32>
    %slice3A_178 = vector.extract_strided_slice %get3A_3 {offsets = [0, 275], sizes = [64, 1], strides = [1, 1]} : vector<64x512xf32> to vector<64x1xf32>
    %mul3A_179 = vector.broadcast %slice3A_178 : vector<64x1xf32> to vector<64x256xf32>
    %mul3A_180 = arith.mulf %get3A_177, %mul3A_179 : vector<64x256xf32>
    %add3A_181 = arith.addf %add3A_172, %mul3A_180 : vector<64x256xf32>
    %get3A_182 = arith.constant 0 : index
    %get3A_183 = arith.constant 1280 : index
    %get3A_184 = arith.constant 0 : index
    %get3A_185 = vector.load %arg1[%get3A_182, %get3A_183, %get3A_184] : memref<1x2048x256xf32, #tpu.memory_space<vmem>>, vector<1x64x256xf32>
    %get3A_186 = vector.shape_cast %get3A_185 : vector<1x64x256xf32> to vector<64x256xf32>
    %slice3A_187 = vector.extract_strided_slice %get3A_3 {offsets = [0, 276], sizes = [64, 1], strides = [1, 1]} : vector<64x512xf32> to vector<64x1xf32>
    %mul3A_188 = vector.broadcast %slice3A_187 : vector<64x1xf32> to vector<64x256xf32>
    %mul3A_189 = arith.mulf %get3A_186, %mul3A_188 : vector<64x256xf32>
    %add3A_190 = arith.addf %add3A_181, %mul3A_189 : vector<64x256xf32>
    %get3A_191 = arith.constant 0 : index
    %get3A_192 = arith.constant 1344 : index
    %get3A_193 = arith.constant 0 : index
    %get3A_194 = vector.load %arg1[%get3A_191, %get3A_192, %get3A_193] : memref<1x2048x256xf32, #tpu.memory_space<vmem>>, vector<1x64x256xf32>
    %get3A_195 = vector.shape_cast %get3A_194 : vector<1x64x256xf32> to vector<64x256xf32>
    %slice3A_196 = vector.extract_strided_slice %get3A_3 {offsets = [0, 277], sizes = [64, 1], strides = [1, 1]} : vector<64x512xf32> to vector<64x1xf32>
    %mul3A_197 = vector.broadcast %slice3A_196 : vector<64x1xf32> to vector<64x256xf32>
    %mul3A_198 = arith.mulf %get3A_195, %mul3A_197 : vector<64x256xf32>
    %add3A_199 = arith.addf %add3A_190, %mul3A_198 : vector<64x256xf32>
    %get3A_200 = arith.constant 0 : index
    %get3A_201 = arith.constant 1408 : index
    %get3A_202 = arith.constant 0 : index
    %get3A_203 = vector.load %arg1[%get3A_200, %get3A_201, %get3A_202] : memref<1x2048x256xf32, #tpu.memory_space<vmem>>, vector<1x64x256xf32>
    %get3A_204 = vector.shape_cast %get3A_203 : vector<1x64x256xf32> to vector<64x256xf32>
    %slice3A_205 = vector.extract_strided_slice %get3A_3 {offsets = [0, 278], sizes = [64, 1], strides = [1, 1]} : vector<64x512xf32> to vector<64x1xf32>
    %mul3A_206 = vector.broadcast %slice3A_205 : vector<64x1xf32> to vector<64x256xf32>
    %mul3A_207 = arith.mulf %get3A_204, %mul3A_206 : vector<64x256xf32>
    %add3A_208 = arith.addf %add3A_199, %mul3A_207 : vector<64x256xf32>
    %get3A_209 = arith.constant 0 : index
    %get3A_210 = arith.constant 1472 : index
    %get3A_211 = arith.constant 0 : index
    %get3A_212 = vector.load %arg1[%get3A_209, %get3A_210, %get3A_211] : memref<1x2048x256xf32, #tpu.memory_space<vmem>>, vector<1x64x256xf32>
    %get3A_213 = vector.shape_cast %get3A_212 : vector<1x64x256xf32> to vector<64x256xf32>
    %slice3A_214 = vector.extract_strided_slice %get3A_3 {offsets = [0, 279], sizes = [64, 1], strides = [1, 1]} : vector<64x512xf32> to vector<64x1xf32>
    %mul3A_215 = vector.broadcast %slice3A_214 : vector<64x1xf32> to vector<64x256xf32>
    %mul3A_216 = arith.mulf %get3A_213, %mul3A_215 : vector<64x256xf32>
    %add3A_217 = arith.addf %add3A_208, %mul3A_216 : vector<64x256xf32>
    %get3A_218 = arith.constant 0 : index
    %get3A_219 = arith.constant 1536 : index
    %get3A_220 = arith.constant 0 : index
    %get3A_221 = vector.load %arg1[%get3A_218, %get3A_219, %get3A_220] : memref<1x2048x256xf32, #tpu.memory_space<vmem>>, vector<1x64x256xf32>
    %get3A_222 = vector.shape_cast %get3A_221 : vector<1x64x256xf32> to vector<64x256xf32>
    %slice3A_223 = vector.extract_strided_slice %get3A_3 {offsets = [0, 280], sizes = [64, 1], strides = [1, 1]} : vector<64x512xf32> to vector<64x1xf32>
    %mul3A_224 = vector.broadcast %slice3A_223 : vector<64x1xf32> to vector<64x256xf32>
    %mul3A_225 = arith.mulf %get3A_222, %mul3A_224 : vector<64x256xf32>
    %add3A_226 = arith.addf %add3A_217, %mul3A_225 : vector<64x256xf32>
    %get3A_227 = arith.constant 0 : index
    %get3A_228 = arith.constant 1600 : index
    %get3A_229 = arith.constant 0 : index
    %get3A_230 = vector.load %arg1[%get3A_227, %get3A_228, %get3A_229] : memref<1x2048x256xf32, #tpu.memory_space<vmem>>, vector<1x64x256xf32>
    %get3A_231 = vector.shape_cast %get3A_230 : vector<1x64x256xf32> to vector<64x256xf32>
    %slice3A_232 = vector.extract_strided_slice %get3A_3 {offsets = [0, 281], sizes = [64, 1], strides = [1, 1]} : vector<64x512xf32> to vector<64x1xf32>
    %mul3A_233 = vector.broadcast %slice3A_232 : vector<64x1xf32> to vector<64x256xf32>
    %mul3A_234 = arith.mulf %get3A_231, %mul3A_233 : vector<64x256xf32>
    %add3A_235 = arith.addf %add3A_226, %mul3A_234 : vector<64x256xf32>
    %get3A_236 = arith.constant 0 : index
    %get3A_237 = arith.constant 1664 : index
    %get3A_238 = arith.constant 0 : index
    %get3A_239 = vector.load %arg1[%get3A_236, %get3A_237, %get3A_238] : memref<1x2048x256xf32, #tpu.memory_space<vmem>>, vector<1x64x256xf32>
    %get3A_240 = vector.shape_cast %get3A_239 : vector<1x64x256xf32> to vector<64x256xf32>
    %slice3A_241 = vector.extract_strided_slice %get3A_3 {offsets = [0, 282], sizes = [64, 1], strides = [1, 1]} : vector<64x512xf32> to vector<64x1xf32>
    %mul3A_242 = vector.broadcast %slice3A_241 : vector<64x1xf32> to vector<64x256xf32>
    %mul3A_243 = arith.mulf %get3A_240, %mul3A_242 : vector<64x256xf32>
    %add3A_244 = arith.addf %add3A_235, %mul3A_243 : vector<64x256xf32>
    %get3A_245 = arith.constant 0 : index
    %get3A_246 = arith.constant 1728 : index
    %get3A_247 = arith.constant 0 : index
    %get3A_248 = vector.load %arg1[%get3A_245, %get3A_246, %get3A_247] : memref<1x2048x256xf32, #tpu.memory_space<vmem>>, vector<1x64x256xf32>
    %get3A_249 = vector.shape_cast %get3A_248 : vector<1x64x256xf32> to vector<64x256xf32>
    %slice3A_250 = vector.extract_strided_slice %get3A_3 {offsets = [0, 283], sizes = [64, 1], strides = [1, 1]} : vector<64x512xf32> to vector<64x1xf32>
    %mul3A_251 = vector.broadcast %slice3A_250 : vector<64x1xf32> to vector<64x256xf32>
    %mul3A_252 = arith.mulf %get3A_249, %mul3A_251 : vector<64x256xf32>
    %add3A_253 = arith.addf %add3A_244, %mul3A_252 : vector<64x256xf32>
    %get3A_254 = arith.constant 0 : index
    %get3A_255 = arith.constant 1792 : index
    %get3A_256 = arith.constant 0 : index
    %get3A_257 = vector.load %arg1[%get3A_254, %get3A_255, %get3A_256] : memref<1x2048x256xf32, #tpu.memory_space<vmem>>, vector<1x64x256xf32>
    %get3A_258 = vector.shape_cast %get3A_257 : vector<1x64x256xf32> to vector<64x256xf32>
    %slice3A_259 = vector.extract_strided_slice %get3A_3 {offsets = [0, 284], sizes = [64, 1], strides = [1, 1]} : vector<64x512xf32> to vector<64x1xf32>
    %mul3A_260 = vector.broadcast %slice3A_259 : vector<64x1xf32> to vector<64x256xf32>
    %mul3A_261 = arith.mulf %get3A_258, %mul3A_260 : vector<64x256xf32>
    %add3A_262 = arith.addf %add3A_253, %mul3A_261 : vector<64x256xf32>
    %get3A_263 = arith.constant 0 : index
    %get3A_264 = arith.constant 1856 : index
    %get3A_265 = arith.constant 0 : index
    %get3A_266 = vector.load %arg1[%get3A_263, %get3A_264, %get3A_265] : memref<1x2048x256xf32, #tpu.memory_space<vmem>>, vector<1x64x256xf32>
    %get3A_267 = vector.shape_cast %get3A_266 : vector<1x64x256xf32> to vector<64x256xf32>
    %slice3A_268 = vector.extract_strided_slice %get3A_3 {offsets = [0, 285], sizes = [64, 1], strides = [1, 1]} : vector<64x512xf32> to vector<64x1xf32>
    %mul3A_269 = vector.broadcast %slice3A_268 : vector<64x1xf32> to vector<64x256xf32>
    %mul3A_270 = arith.mulf %get3A_267, %mul3A_269 : vector<64x256xf32>
    %add3A_271 = arith.addf %add3A_262, %mul3A_270 : vector<64x256xf32>
    %get3A_272 = arith.constant 0 : index
    %get3A_273 = arith.constant 1920 : index
    %get3A_274 = arith.constant 0 : index
    %get3A_275 = vector.load %arg1[%get3A_272, %get3A_273, %get3A_274] : memref<1x2048x256xf32, #tpu.memory_space<vmem>>, vector<1x64x256xf32>
    %get3A_276 = vector.shape_cast %get3A_275 : vector<1x64x256xf32> to vector<64x256xf32>
    %slice3A_277 = vector.extract_strided_slice %get3A_3 {offsets = [0, 286], sizes = [64, 1], strides = [1, 1]} : vector<64x512xf32> to vector<64x1xf32>
    %mul3A_278 = vector.broadcast %slice3A_277 : vector<64x1xf32> to vector<64x256xf32>
    %mul3A_279 = arith.mulf %get3A_276, %mul3A_278 : vector<64x256xf32>
    %add3A_280 = arith.addf %add3A_271, %mul3A_279 : vector<64x256xf32>
    %get3A_281 = arith.constant 0 : index
    %get3A_282 = arith.constant 1984 : index
    %get3A_283 = arith.constant 0 : index
    %get3A_284 = vector.load %arg1[%get3A_281, %get3A_282, %get3A_283] : memref<1x2048x256xf32, #tpu.memory_space<vmem>>, vector<1x64x256xf32>
    %get3A_285 = vector.shape_cast %get3A_284 : vector<1x64x256xf32> to vector<64x256xf32>
    %slice3A_286 = vector.extract_strided_slice %get3A_3 {offsets = [0, 287], sizes = [64, 1], strides = [1, 1]} : vector<64x512xf32> to vector<64x1xf32>
    %mul3A_287 = vector.broadcast %slice3A_286 : vector<64x1xf32> to vector<64x256xf32>
    %mul3A_288 = arith.mulf %get3A_285, %mul3A_287 : vector<64x256xf32>
    %add3A_289 = arith.addf %add3A_280, %mul3A_288 : vector<64x256xf32>
    %slice3A_290 = vector.extract_strided_slice %get3A_3 {offsets = [0, 320], sizes = [64, 1], strides = [1, 1]} : vector<64x512xf32> to vector<64x1xf32>
    %mul3A_291 = vector.broadcast %slice3A_290 : vector<64x1xf32> to vector<64x256xf32>
    %mul3A_292 = arith.mulf %add3A_289, %mul3A_291 : vector<64x256xf32>
    %reduce_sum3A = arith.constant dense<0.000000e+00> : vector<64xf32>
    %reduce_sum3A_293 = vector.multi_reduction <add>, %mul3A_292, %reduce_sum3A [1] : vector<64x256xf32> to vector<64xf32>
    %broadcast_in_dim3A = vector.shape_cast %reduce_sum3A_293 : vector<64xf32> to vector<64x1xf32>
    %div3A = arith.constant 2.560000e+02 : f32
    %div3A_294 = vector.broadcast %div3A : f32 to vector<64x1xf32>
    %div3A_295 = arith.divf %broadcast_in_dim3A, %div3A_294 : vector<64x1xf32>
    %sub3A = vector.broadcast %div3A_295 : vector<64x1xf32> to vector<64x256xf32>
    %sub3A_296 = arith.subf %mul3A_292, %sub3A : vector<64x256xf32>
    %integer_pow3A = arith.mulf %sub3A_296, %sub3A_296 : vector<64x256xf32>
    %reduce_sum3A_297 = arith.constant dense<0.000000e+00> : vector<64xf32>
    %reduce_sum3A_298 = vector.multi_reduction <add>, %integer_pow3A, %reduce_sum3A_297 [1] : vector<64x256xf32> to vector<64xf32>
    %broadcast_in_dim3A_299 = vector.shape_cast %reduce_sum3A_298 : vector<64xf32> to vector<64x1xf32>
    %div3A_300 = arith.constant 2.560000e+02 : f32
    %div3A_301 = vector.broadcast %div3A_300 : f32 to vector<64x1xf32>
    %div3A_302 = arith.divf %broadcast_in_dim3A_299, %div3A_301 : vector<64x1xf32>
    %sub3A_303 = vector.broadcast %div3A_295 : vector<64x1xf32> to vector<64x256xf32>
    %sub3A_304 = arith.subf %mul3A_292, %sub3A_303 : vector<64x256xf32>
    %add3A_305 = arith.constant 9.99999974E-6 : f32
    %add3A_306 = vector.broadcast %add3A_305 : f32 to vector<64x1xf32>
    %add3A_307 = arith.addf %div3A_302, %add3A_306 : vector<64x1xf32>
    %rsqrt3A = math.rsqrt %add3A_307 : vector<64x1xf32>
    %mul3A_308 = vector.broadcast %rsqrt3A : vector<64x1xf32> to vector<64x256xf32>
    %mul3A_309 = arith.mulf %sub3A_304, %mul3A_308 : vector<64x256xf32>
    %get3A_310 = arith.constant 0 : index
    %get3A_311 = arith.constant 0 : index
    %get3A_312 = vector.load %arg3[%get3A_310, %get3A_311] : memref<1x256xf32, #tpu.memory_space<vmem>>, vector<1x256xf32>
    %mul3A_313 = vector.broadcast %get3A_312 : vector<1x256xf32> to vector<64x256xf32>
    %mul3A_314 = arith.mulf %mul3A_309, %mul3A_313 : vector<64x256xf32>
    %get3A_315 = arith.constant 0 : index
    %get3A_316 = arith.constant 0 : index
    %get3A_317 = vector.load %arg4[%get3A_315, %get3A_316] : memref<1x256xf32, #tpu.memory_space<vmem>>, vector<1x256xf32>
    %add3A_318 = vector.broadcast %get3A_317 : vector<1x256xf32> to vector<64x256xf32>
    %add3A_319 = arith.addf %mul3A_314, %add3A_318 : vector<64x256xf32>
    %get3A_320 = arith.constant 0 : index
    %get3A_321 = arith.constant 0 : index
    %get3A_322 = vector.load %arg4[%get3A_320, %get3A_321] : memref<1x256xf32, #tpu.memory_space<vmem>>, vector<1x256xf32>
    %broadcast_in_dim3A_323 = vector.shape_cast %get3A_322 : vector<1x256xf32> to vector<1x256xf32>
    %broadcast_in_dim3A_324 = vector.broadcast %broadcast_in_dim3A_323 : vector<1x256xf32> to vector<4608x256xf32>
    %swap3A = arith.constant 0 : index
    %swap3A_325 = arith.constant 0 : index
    %swap3A_326 = arith.constant 0 : index
    %swap3A_327 = vector.load %arg5[%swap3A, %swap3A_325, %swap3A_326] : memref<1x4608x256xf32, #tpu.memory_space<vmem>>, vector<1x4608x256xf32>
    %swap3A_328 = vector.shape_cast %swap3A_327 : vector<1x4608x256xf32> to vector<4608x256xf32>
    %swap3A_329 = vector.shape_cast %broadcast_in_dim3A_324 : vector<4608x256xf32> to vector<1x4608x256xf32>
    tpu.vector_store %arg5[%swap3A, %swap3A_325, %swap3A_326], %swap3A_329 {strides = array<i32>} : memref<1x4608x256xf32, #tpu.memory_space<vmem>>, vector<1x4608x256xf32>,
    %slice3A_330 = vector.extract_strided_slice %add3A_319 {offsets = [0, 0], sizes = [1, 256], strides = [1, 1]} : vector<64x256xf32> to vector<1x256xf32>
    %swap3A_331 = arith.constant 0 : index
    %swap3A_332 = arith.constant 651 : index
    %swap3A_333 = arith.constant 0 : index
    %swap3A_334 = vector.load %arg5[%swap3A_331, %swap3A_332, %swap3A_333] : memref<1x4608x256xf32, #tpu.memory_space<vmem>>, vector<1x1x256xf32>
    %swap3A_335 = vector.shape_cast %swap3A_334 : vector<1x1x256xf32> to vector<1x256xf32>
    %swap3A_336 = vector.shape_cast %slice3A_330 : vector<1x256xf32> to vector<1x1x256xf32>
    tpu.vector_store %arg5[%swap3A_331, %swap3A_332, %swap3A_333], %swap3A_336 {strides = array<i32>} : memref<1x4608x256xf32, #tpu.memory_space<vmem>>, vector<1x1x256xf32>,
    %slice3A_337 = vector.extract_strided_slice %add3A_319 {offsets = [1, 0], sizes = [1, 256], strides = [1, 1]} : vector<64x256xf32> to vector<1x256xf32>
    %swap3A_338 = arith.constant 0 : index
    %swap3A_339 = arith.constant 657 : index
    %swap3A_340 = arith.constant 0 : index
    %swap3A_341 = vector.load %arg5[%swap3A_338, %swap3A_339, %swap3A_340] : memref<1x4608x256xf32, #tpu.memory_space<vmem>>, vector<1x1x256xf32>
    %swap3A_342 = vector.shape_cast %swap3A_341 : vector<1x1x256xf32> to vector<1x256xf32>
    %swap3A_343 = vector.shape_cast %slice3A_337 : vector<1x256xf32> to vector<1x1x256xf32>
    tpu.vector_store %arg5[%swap3A_338, %swap3A_339, %swap3A_340], %swap3A_343 {strides = array<i32>} : memref<1x4608x256xf32, #tpu.memory_space<vmem>>, vector<1x1x256xf32>,
    %slice3A_344 = vector.extract_strided_slice %add3A_319 {offsets = [2, 0], sizes = [1, 256], strides = [1, 1]} : vector<64x256xf32> to vector<1x256xf32>
    %swap3A_345 = arith.constant 0 : index
    %swap3A_346 = arith.constant 662 : index
    %swap3A_347 = arith.constant 0 : index
    %swap3A_348 = vector.load %arg5[%swap3A_345, %swap3A_346, %swap3A_347] : memref<1x4608x256xf32, #tpu.memory_space<vmem>>, vector<1x1x256xf32>
    %swap3A_349 = vector.shape_cast %swap3A_348 : vector<1x1x256xf32> to vector<1x256xf32>
    %swap3A_350 = vector.shape_cast %slice3A_344 : vector<1x256xf32> to vector<1x1x256xf32>
    tpu.vector_store %arg5[%swap3A_345, %swap3A_346, %swap3A_347], %swap3A_350 {strides = array<i32>} : memref<1x4608x256xf32, #tpu.memory_space<vmem>>, vector<1x1x256xf32>,
    %slice3A_351 = vector.extract_strided_slice %add3A_319 {offsets = [3, 0], sizes = [1, 256], strides = [1, 1]} : vector<64x256xf32> to vector<1x256xf32>
    %swap3A_352 = arith.constant 0 : index
    %swap3A_353 = arith.constant 668 : index
    %swap3A_354 = arith.constant 0 : index
    %swap3A_355 = vector.load %arg5[%swap3A_352, %swap3A_353, %swap3A_354] : memref<1x4608x256xf32, #tpu.memory_space<vmem>>, vector<1x1x256xf32>
    %swap3A_356 = vector.shape_cast %swap3A_355 : vector<1x1x256xf32> to vector<1x256xf32>
    %swap3A_357 = vector.shape_cast %slice3A_351 : vector<1x256xf32> to vector<1x1x256xf32>
    tpu.vector_store %arg5[%swap3A_352, %swap3A_353, %swap3A_354], %swap3A_357 {strides = array<i32>} : memref<1x4608x256xf32, #tpu.memory_space<vmem>>, vector<1x1x256xf32>,
    %slice3A_358 = vector.extract_strided_slice %add3A_319 {offsets = [4, 0], sizes = [1, 256], strides = [1, 1]} : vector<64x256xf32> to vector<1x256xf32>
    %swap3A_359 = arith.constant 0 : index
    %swap3A_360 = arith.constant 795 : index
    %swap3A_361 = arith.constant 0 : index
    %swap3A_362 = vector.load %arg5[%swap3A_359, %swap3A_360, %swap3A_361] : memref<1x4608x256xf32, #tpu.memory_space<vmem>>, vector<1x1x256xf32>
    %swap3A_363 = vector.shape_cast %swap3A_362 : vector<1x1x256xf32> to vector<1x256xf32>
    %swap3A_364 = vector.shape_cast %slice3A_358 : vector<1x256xf32> to vector<1x1x256xf32>
    tpu.vector_store %arg5[%swap3A_359, %swap3A_360, %swap3A_361], %swap3A_364 {strides = array<i32>} : memref<1x4608x256xf32, #tpu.memory_space<vmem>>, vector<1x1x256xf32>,
    %slice3A_365 = vector.extract_strided_slice %add3A_319 {offsets = [5, 0], sizes = [1, 256], strides = [1, 1]} : vector<64x256xf32> to vector<1x256xf32>
    %swap3A_366 = arith.constant 0 : index
    %swap3A_367 = arith.constant 801 : index
    %swap3A_368 = arith.constant 0 : index
    %swap3A_369 = vector.load %arg5[%swap3A_366, %swap3A_367, %swap3A_368] : memref<1x4608x256xf32, #tpu.memory_space<vmem>>, vector<1x1x256xf32>
    %swap3A_370 = vector.shape_cast %swap3A_369 : vector<1x1x256xf32> to vector<1x256xf32>
    %swap3A_371 = vector.shape_cast %slice3A_365 : vector<1x256xf32> to vector<1x1x256xf32>
    tpu.vector_store %arg5[%swap3A_366, %swap3A_367, %swap3A_368], %swap3A_371 {strides = array<i32>} : memref<1x4608x256xf32, #tpu.memory_space<vmem>>, vector<1x1x256xf32>,
    %slice3A_372 = vector.extract_strided_slice %add3A_319 {offsets = [6, 0], sizes = [1, 256], strides = [1, 1]} : vector<64x256xf32> to vector<1x256xf32>
    %swap3A_373 = arith.constant 0 : index
    %swap3A_374 = arith.constant 806 : index
    %swap3A_375 = arith.constant 0 : index
    %swap3A_376 = vector.load %arg5[%swap3A_373, %swap3A_374, %swap3A_375] : memref<1x4608x256xf32, #tpu.memory_space<vmem>>, vector<1x1x256xf32>
    %swap3A_377 = vector.shape_cast %swap3A_376 : vector<1x1x256xf32> to vector<1x256xf32>
    %swap3A_378 = vector.shape_cast %slice3A_372 : vector<1x256xf32> to vector<1x1x256xf32>
    tpu.vector_store %arg5[%swap3A_373, %swap3A_374, %swap3A_375], %swap3A_378 {strides = array<i32>} : memref<1x4608x256xf32, #tpu.memory_space<vmem>>, vector<1x1x256xf32>,
    %slice3A_379 = vector.extract_strided_slice %add3A_319 {offsets = [7, 0], sizes = [1, 256], strides = [1, 1]} : vector<64x256xf32> to vector<1x256xf32>
    %swap3A_380 = arith.constant 0 : index
    %swap3A_381 = arith.constant 812 : index
    %swap3A_382 = arith.constant 0 : index
    %swap3A_383 = vector.load %arg5[%swap3A_380, %swap3A_381, %swap3A_382] : memref<1x4608x256xf32, #tpu.memory_space<vmem>>, vector<1x1x256xf32>
    %swap3A_384 = vector.shape_cast %swap3A_383 : vector<1x1x256xf32> to vector<1x256xf32>
    %swap3A_385 = vector.shape_cast %slice3A_379 : vector<1x256xf32> to vector<1x1x256xf32>
    tpu.vector_store %arg5[%swap3A_380, %swap3A_381, %swap3A_382], %swap3A_385 {strides = array<i32>} : memref<1x4608x256xf32, #tpu.memory_space<vmem>>, vector<1x1x256xf32>,
    %slice3A_386 = vector.extract_strided_slice %add3A_319 {offsets = [8, 0], sizes = [1, 256], strides = [1, 1]} : vector<64x256xf32> to vector<1x256xf32>
    %swap3A_387 = arith.constant 0 : index
    %swap3A_388 = arith.constant 915 : index
    %swap3A_389 = arith.constant 0 : index
    %swap3A_390 = vector.load %arg5[%swap3A_387, %swap3A_388, %swap3A_389] : memref<1x4608x256xf32, #tpu.memory_space<vmem>>, vector<1x1x256xf32>
    %swap3A_391 = vector.shape_cast %swap3A_390 : vector<1x1x256xf32> to vector<1x256xf32>
    %swap3A_392 = vector.shape_cast %slice3A_386 : vector<1x256xf32> to vector<1x1x256xf32>
    tpu.vector_store %arg5[%swap3A_387, %swap3A_388, %swap3A_389], %swap3A_392 {strides = array<i32>} : memref<1x4608x256xf32, #tpu.memory_space<vmem>>, vector<1x1x256xf32>,
    %slice3A_393 = vector.extract_strided_slice %add3A_319 {offsets = [9, 0], sizes = [1, 256], strides = [1, 1]} : vector<64x256xf32> to vector<1x256xf32>
    %swap3A_394 = arith.constant 0 : index
    %swap3A_395 = arith.constant 921 : index
    %swap3A_396 = arith.constant 0 : index
    %swap3A_397 = vector.load %arg5[%swap3A_394, %swap3A_395, %swap3A_396] : memref<1x4608x256xf32, #tpu.memory_space<vmem>>, vector<1x1x256xf32>
    %swap3A_398 = vector.shape_cast %swap3A_397 : vector<1x1x256xf32> to vector<1x256xf32>
    %swap3A_399 = vector.shape_cast %slice3A_393 : vector<1x256xf32> to vector<1x1x256xf32>
    tpu.vector_store %arg5[%swap3A_394, %swap3A_395, %swap3A_396], %swap3A_399 {strides = array<i32>} : memref<1x4608x256xf32, #tpu.memory_space<vmem>>, vector<1x1x256xf32>,
    %slice3A_400 = vector.extract_strided_slice %add3A_319 {offsets = [10, 0], sizes = [1, 256], strides = [1, 1]} : vector<64x256xf32> to vector<1x256xf32>
    %swap3A_401 = arith.constant 0 : index
    %swap3A_402 = arith.constant 926 : index
    %swap3A_403 = arith.constant 0 : index
    %swap3A_404 = vector.load %arg5[%swap3A_401, %swap3A_402, %swap3A_403] : memref<1x4608x256xf32, #tpu.memory_space<vmem>>, vector<1x1x256xf32>
    %swap3A_405 = vector.shape_cast %swap3A_404 : vector<1x1x256xf32> to vector<1x256xf32>
    %swap3A_406 = vector.shape_cast %slice3A_400 : vector<1x256xf32> to vector<1x1x256xf32>
    tpu.vector_store %arg5[%swap3A_401, %swap3A_402, %swap3A_403], %swap3A_406 {strides = array<i32>} : memref<1x4608x256xf32, #tpu.memory_space<vmem>>, vector<1x1x256xf32>,
    %slice3A_407 = vector.extract_strided_slice %add3A_319 {offsets = [11, 0], sizes = [1, 256], strides = [1, 1]} : vector<64x256xf32> to vector<1x256xf32>
    %swap3A_408 = arith.constant 0 : index
    %swap3A_409 = arith.constant 932 : index
    %swap3A_410 = arith.constant 0 : index
    %swap3A_411 = vector.load %arg5[%swap3A_408, %swap3A_409, %swap3A_410] : memref<1x4608x256xf32, #tpu.memory_space<vmem>>, vector<1x1x256xf32>
    %swap3A_412 = vector.shape_cast %swap3A_411 : vector<1x1x256xf32> to vector<1x256xf32>
    %swap3A_413 = vector.shape_cast %slice3A_407 : vector<1x256xf32> to vector<1x1x256xf32>
    tpu.vector_store %arg5[%swap3A_408, %swap3A_409, %swap3A_410], %swap3A_413 {strides = array<i32>} : memref<1x4608x256xf32, #tpu.memory_space<vmem>>, vector<1x1x256xf32>,
    %slice3A_414 = vector.extract_strided_slice %add3A_319 {offsets = [12, 0], sizes = [1, 256], strides = [1, 1]} : vector<64x256xf32> to vector<1x256xf32>
    %swap3A_415 = arith.constant 0 : index
    %swap3A_416 = arith.constant 1059 : index
    %swap3A_417 = arith.constant 0 : index
    %swap3A_418 = vector.load %arg5[%swap3A_415, %swap3A_416, %swap3A_417] : memref<1x4608x256xf32, #tpu.memory_space<vmem>>, vector<1x1x256xf32>
    %swap3A_419 = vector.shape_cast %swap3A_418 : vector<1x1x256xf32> to vector<1x256xf32>
    %swap3A_420 = vector.shape_cast %slice3A_414 : vector<1x256xf32> to vector<1x1x256xf32>
    tpu.vector_store %arg5[%swap3A_415, %swap3A_416, %swap3A_417], %swap3A_420 {strides = array<i32>} : memref<1x4608x256xf32, #tpu.memory_space<vmem>>, vector<1x1x256xf32>,
    %slice3A_421 = vector.extract_strided_slice %add3A_319 {offsets = [13, 0], sizes = [1, 256], strides = [1, 1]} : vector<64x256xf32> to vector<1x256xf32>
    %swap3A_422 = arith.constant 0 : index
    %swap3A_423 = arith.constant 1065 : index
    %swap3A_424 = arith.constant 0 : index
    %swap3A_425 = vector.load %arg5[%swap3A_422, %swap3A_423, %swap3A_424] : memref<1x4608x256xf32, #tpu.memory_space<vmem>>, vector<1x1x256xf32>
    %swap3A_426 = vector.shape_cast %swap3A_425 : vector<1x1x256xf32> to vector<1x256xf32>
    %swap3A_427 = vector.shape_cast %slice3A_421 : vector<1x256xf32> to vector<1x1x256xf32>
    tpu.vector_store %arg5[%swap3A_422, %swap3A_423, %swap3A_424], %swap3A_427 {strides = array<i32>} : memref<1x4608x256xf32, #tpu.memory_space<vmem>>, vector<1x1x256xf32>,
    %slice3A_428 = vector.extract_strided_slice %add3A_319 {offsets = [14, 0], sizes = [1, 256], strides = [1, 1]} : vector<64x256xf32> to vector<1x256xf32>
    %swap3A_429 = arith.constant 0 : index
    %swap3A_430 = arith.constant 1070 : index
    %swap3A_431 = arith.constant 0 : index
    %swap3A_432 = vector.load %arg5[%swap3A_429, %swap3A_430, %swap3A_431] : memref<1x4608x256xf32, #tpu.memory_space<vmem>>, vector<1x1x256xf32>
    %swap3A_433 = vector.shape_cast %swap3A_432 : vector<1x1x256xf32> to vector<1x256xf32>
    %swap3A_434 = vector.shape_cast %slice3A_428 : vector<1x256xf32> to vector<1x1x256xf32>
    tpu.vector_store %arg5[%swap3A_429, %swap3A_430, %swap3A_431], %swap3A_434 {strides = array<i32>} : memref<1x4608x256xf32, #tpu.memory_space<vmem>>, vector<1x1x256xf32>,
    %slice3A_435 = vector.extract_strided_slice %add3A_319 {offsets = [15, 0], sizes = [1, 256], strides = [1, 1]} : vector<64x256xf32> to vector<1x256xf32>
    %swap3A_436 = arith.constant 0 : index
    %swap3A_437 = arith.constant 1076 : index
    %swap3A_438 = arith.constant 0 : index
    %swap3A_439 = vector.load %arg5[%swap3A_436, %swap3A_437, %swap3A_438] : memref<1x4608x256xf32, #tpu.memory_space<vmem>>, vector<1x1x256xf32>
    %swap3A_440 = vector.shape_cast %swap3A_439 : vector<1x1x256xf32> to vector<1x256xf32>
    %swap3A_441 = vector.shape_cast %slice3A_435 : vector<1x256xf32> to vector<1x1x256xf32>
    tpu.vector_store %arg5[%swap3A_436, %swap3A_437, %swap3A_438], %swap3A_441 {strides = array<i32>} : memref<1x4608x256xf32, #tpu.memory_space<vmem>>, vector<1x1x256xf32>,
    %slice3A_442 = vector.extract_strided_slice %add3A_319 {offsets = [16, 0], sizes = [1, 256], strides = [1, 1]} : vector<64x256xf32> to vector<1x256xf32>
    %swap3A_443 = arith.constant 0 : index
    %swap3A_444 = arith.constant 1803 : index
    %swap3A_445 = arith.constant 0 : index
    %swap3A_446 = vector.load %arg5[%swap3A_443, %swap3A_444, %swap3A_445] : memref<1x4608x256xf32, #tpu.memory_space<vmem>>, vector<1x1x256xf32>
    %swap3A_447 = vector.shape_cast %swap3A_446 : vector<1x1x256xf32> to vector<1x256xf32>
    %swap3A_448 = vector.shape_cast %slice3A_442 : vector<1x256xf32> to vector<1x1x256xf32>
    tpu.vector_store %arg5[%swap3A_443, %swap3A_444, %swap3A_445], %swap3A_448 {strides = array<i32>} : memref<1x4608x256xf32, #tpu.memory_space<vmem>>, vector<1x1x256xf32>,
    %slice3A_449 = vector.extract_strided_slice %add3A_319 {offsets = [17, 0], sizes = [1, 256], strides = [1, 1]} : vector<64x256xf32> to vector<1x256xf32>
    %swap3A_450 = arith.constant 0 : index
    %swap3A_451 = arith.constant 1809 : index
    %swap3A_452 = arith.constant 0 : index
    %swap3A_453 = vector.load %arg5[%swap3A_450, %swap3A_451, %swap3A_452] : memref<1x4608x256xf32, #tpu.memory_space<vmem>>, vector<1x1x256xf32>
    %swap3A_454 = vector.shape_cast %swap3A_453 : vector<1x1x256xf32> to vector<1x256xf32>
    %swap3A_455 = vector.shape_cast %slice3A_449 : vector<1x256xf32> to vector<1x1x256xf32>
    tpu.vector_store %arg5[%swap3A_450, %swap3A_451, %swap3A_452], %swap3A_455 {strides = array<i32>} : memref<1x4608x256xf32, #tpu.memory_space<vmem>>, vector<1x1x256xf32>,
    %slice3A_456 = vector.extract_strided_slice %add3A_319 {offsets = [18, 0], sizes = [1, 256], strides = [1, 1]} : vector<64x256xf32> to vector<1x256xf32>
    %swap3A_457 = arith.constant 0 : index
    %swap3A_458 = arith.constant 1814 : index
    %swap3A_459 = arith.constant 0 : index
    %swap3A_460 = vector.load %arg5[%swap3A_457, %swap3A_458, %swap3A_459] : memref<1x4608x256xf32, #tpu.memory_space<vmem>>, vector<1x1x256xf32>
    %swap3A_461 = vector.shape_cast %swap3A_460 : vector<1x1x256xf32> to vector<1x256xf32>
    %swap3A_462 = vector.shape_cast %slice3A_456 : vector<1x256xf32> to vector<1x1x256xf32>
    tpu.vector_store %arg5[%swap3A_457, %swap3A_458, %swap3A_459], %swap3A_462 {strides = array<i32>} : memref<1x4608x256xf32, #tpu.memory_space<vmem>>, vector<1x1x256xf32>,
    %slice3A_463 = vector.extract_strided_slice %add3A_319 {offsets = [19, 0], sizes = [1, 256], strides = [1, 1]} : vector<64x256xf32> to vector<1x256xf32>
    %swap3A_464 = arith.constant 0 : index
    %swap3A_465 = arith.constant 1820 : index
    %swap3A_466 = arith.constant 0 : index
    %swap3A_467 = vector.load %arg5[%swap3A_464, %swap3A_465, %swap3A_466] : memref<1x4608x256xf32, #tpu.memory_space<vmem>>, vector<1x1x256xf32>
    %swap3A_468 = vector.shape_cast %swap3A_467 : vector<1x1x256xf32> to vector<1x256xf32>
    %swap3A_469 = vector.shape_cast %slice3A_463 : vector<1x256xf32> to vector<1x1x256xf32>
    tpu.vector_store %arg5[%swap3A_464, %swap3A_465, %swap3A_466], %swap3A_469 {strides = array<i32>} : memref<1x4608x256xf32, #tpu.memory_space<vmem>>, vector<1x1x256xf32>,
    %slice3A_470 = vector.extract_strided_slice %add3A_319 {offsets = [20, 0], sizes = [1, 256], strides = [1, 1]} : vector<64x256xf32> to vector<1x256xf32>
    %swap3A_471 = arith.constant 0 : index
    %swap3A_472 = arith.constant 1947 : index
    %swap3A_473 = arith.constant 0 : index
    %swap3A_474 = vector.load %arg5[%swap3A_471, %swap3A_472, %swap3A_473] : memref<1x4608x256xf32, #tpu.memory_space<vmem>>, vector<1x1x256xf32>
    %swap3A_475 = vector.shape_cast %swap3A_474 : vector<1x1x256xf32> to vector<1x256xf32>
    %swap3A_476 = vector.shape_cast %slice3A_470 : vector<1x256xf32> to vector<1x1x256xf32>
    tpu.vector_store %arg5[%swap3A_471, %swap3A_472, %swap3A_473], %swap3A_476 {strides = array<i32>} : memref<1x4608x256xf32, #tpu.memory_space<vmem>>, vector<1x1x256xf32>,
    %slice3A_477 = vector.extract_strided_slice %add3A_319 {offsets = [21, 0], sizes = [1, 256], strides = [1, 1]} : vector<64x256xf32> to vector<1x256xf32>
    %swap3A_478 = arith.constant 0 : index
    %swap3A_479 = arith.constant 1953 : index
    %swap3A_480 = arith.constant 0 : index
    %swap3A_481 = vector.load %arg5[%swap3A_478, %swap3A_479, %swap3A_480] : memref<1x4608x256xf32, #tpu.memory_space<vmem>>, vector<1x1x256xf32>
    %swap3A_482 = vector.shape_cast %swap3A_481 : vector<1x1x256xf32> to vector<1x256xf32>
    %swap3A_483 = vector.shape_cast %slice3A_477 : vector<1x256xf32> to vector<1x1x256xf32>
    tpu.vector_store %arg5[%swap3A_478, %swap3A_479, %swap3A_480], %swap3A_483 {strides = array<i32>} : memref<1x4608x256xf32, #tpu.memory_space<vmem>>, vector<1x1x256xf32>,
    %slice3A_484 = vector.extract_strided_slice %add3A_319 {offsets = [22, 0], sizes = [1, 256], strides = [1, 1]} : vector<64x256xf32> to vector<1x256xf32>
    %swap3A_485 = arith.constant 0 : index
    %swap3A_486 = arith.constant 1958 : index
    %swap3A_487 = arith.constant 0 : index
    %swap3A_488 = vector.load %arg5[%swap3A_485, %swap3A_486, %swap3A_487] : memref<1x4608x256xf32, #tpu.memory_space<vmem>>, vector<1x1x256xf32>
    %swap3A_489 = vector.shape_cast %swap3A_488 : vector<1x1x256xf32> to vector<1x256xf32>
    %swap3A_490 = vector.shape_cast %slice3A_484 : vector<1x256xf32> to vector<1x1x256xf32>
    tpu.vector_store %arg5[%swap3A_485, %swap3A_486, %swap3A_487], %swap3A_490 {strides = array<i32>} : memref<1x4608x256xf32, #tpu.memory_space<vmem>>, vector<1x1x256xf32>,
    %slice3A_491 = vector.extract_strided_slice %add3A_319 {offsets = [23, 0], sizes = [1, 256], strides = [1, 1]} : vector<64x256xf32> to vector<1x256xf32>
    %swap3A_492 = arith.constant 0 : index
    %swap3A_493 = arith.constant 1964 : index
    %swap3A_494 = arith.constant 0 : index
    %swap3A_495 = vector.load %arg5[%swap3A_492, %swap3A_493, %swap3A_494] : memref<1x4608x256xf32, #tpu.memory_space<vmem>>, vector<1x1x256xf32>
    %swap3A_496 = vector.shape_cast %swap3A_495 : vector<1x1x256xf32> to vector<1x256xf32>
    %swap3A_497 = vector.shape_cast %slice3A_491 : vector<1x256xf32> to vector<1x1x256xf32>
    tpu.vector_store %arg5[%swap3A_492, %swap3A_493, %swap3A_494], %swap3A_497 {strides = array<i32>} : memref<1x4608x256xf32, #tpu.memory_space<vmem>>, vector<1x1x256xf32>,
    %slice3A_498 = vector.extract_strided_slice %add3A_319 {offsets = [24, 0], sizes = [1, 256], strides = [1, 1]} : vector<64x256xf32> to vector<1x256xf32>
    %swap3A_499 = arith.constant 0 : index
    %swap3A_500 = arith.constant 2067 : index
    %swap3A_501 = arith.constant 0 : index
    %swap3A_502 = vector.load %arg5[%swap3A_499, %swap3A_500, %swap3A_501] : memref<1x4608x256xf32, #tpu.memory_space<vmem>>, vector<1x1x256xf32>
    %swap3A_503 = vector.shape_cast %swap3A_502 : vector<1x1x256xf32> to vector<1x256xf32>
    %swap3A_504 = vector.shape_cast %slice3A_498 : vector<1x256xf32> to vector<1x1x256xf32>
    tpu.vector_store %arg5[%swap3A_499, %swap3A_500, %swap3A_501], %swap3A_504 {strides = array<i32>} : memref<1x4608x256xf32, #tpu.memory_space<vmem>>, vector<1x1x256xf32>,
    %slice3A_505 = vector.extract_strided_slice %add3A_319 {offsets = [25, 0], sizes = [1, 256], strides = [1, 1]} : vector<64x256xf32> to vector<1x256xf32>
    %swap3A_506 = arith.constant 0 : index
    %swap3A_507 = arith.constant 2073 : index
    %swap3A_508 = arith.constant 0 : index
    %swap3A_509 = vector.load %arg5[%swap3A_506, %swap3A_507, %swap3A_508] : memref<1x4608x256xf32, #tpu.memory_space<vmem>>, vector<1x1x256xf32>
    %swap3A_510 = vector.shape_cast %swap3A_509 : vector<1x1x256xf32> to vector<1x256xf32>
    %swap3A_511 = vector.shape_cast %slice3A_505 : vector<1x256xf32> to vector<1x1x256xf32>
    tpu.vector_store %arg5[%swap3A_506, %swap3A_507, %swap3A_508], %swap3A_511 {strides = array<i32>} : memref<1x4608x256xf32, #tpu.memory_space<vmem>>, vector<1x1x256xf32>,
    %slice3A_512 = vector.extract_strided_slice %add3A_319 {offsets = [26, 0], sizes = [1, 256], strides = [1, 1]} : vector<64x256xf32> to vector<1x256xf32>
    %swap3A_513 = arith.constant 0 : index
    %swap3A_514 = arith.constant 2078 : index
    %swap3A_515 = arith.constant 0 : index
    %swap3A_516 = vector.load %arg5[%swap3A_513, %swap3A_514, %swap3A_515] : memref<1x4608x256xf32, #tpu.memory_space<vmem>>, vector<1x1x256xf32>
    %swap3A_517 = vector.shape_cast %swap3A_516 : vector<1x1x256xf32> to vector<1x256xf32>
    %swap3A_518 = vector.shape_cast %slice3A_512 : vector<1x256xf32> to vector<1x1x256xf32>
    tpu.vector_store %arg5[%swap3A_513, %swap3A_514, %swap3A_515], %swap3A_518 {strides = array<i32>} : memref<1x4608x256xf32, #tpu.memory_space<vmem>>, vector<1x1x256xf32>,
    %slice3A_519 = vector.extract_strided_slice %add3A_319 {offsets = [27, 0], sizes = [1, 256], strides = [1, 1]} : vector<64x256xf32> to vector<1x256xf32>
    %swap3A_520 = arith.constant 0 : index
    %swap3A_521 = arith.constant 2084 : index
    %swap3A_522 = arith.constant 0 : index
    %swap3A_523 = vector.load %arg5[%swap3A_520, %swap3A_521, %swap3A_522] : memref<1x4608x256xf32, #tpu.memory_space<vmem>>, vector<1x1x256xf32>
    %swap3A_524 = vector.shape_cast %swap3A_523 : vector<1x1x256xf32> to vector<1x256xf32>
    %swap3A_525 = vector.shape_cast %slice3A_519 : vector<1x256xf32> to vector<1x1x256xf32>
    tpu.vector_store %arg5[%swap3A_520, %swap3A_521, %swap3A_522], %swap3A_525 {strides = array<i32>} : memref<1x4608x256xf32, #tpu.memory_space<vmem>>, vector<1x1x256xf32>,
    %slice3A_526 = vector.extract_strided_slice %add3A_319 {offsets = [28, 0], sizes = [1, 256], strides = [1, 1]} : vector<64x256xf32> to vector<1x256xf32>
    %swap3A_527 = arith.constant 0 : index
    %swap3A_528 = arith.constant 2211 : index
    %swap3A_529 = arith.constant 0 : index
    %swap3A_530 = vector.load %arg5[%swap3A_527, %swap3A_528, %swap3A_529] : memref<1x4608x256xf32, #tpu.memory_space<vmem>>, vector<1x1x256xf32>
    %swap3A_531 = vector.shape_cast %swap3A_530 : vector<1x1x256xf32> to vector<1x256xf32>
    %swap3A_532 = vector.shape_cast %slice3A_526 : vector<1x256xf32> to vector<1x1x256xf32>
    tpu.vector_store %arg5[%swap3A_527, %swap3A_528, %swap3A_529], %swap3A_532 {strides = array<i32>} : memref<1x4608x256xf32, #tpu.memory_space<vmem>>, vector<1x1x256xf32>,
    %slice3A_533 = vector.extract_strided_slice %add3A_319 {offsets = [29, 0], sizes = [1, 256], strides = [1, 1]} : vector<64x256xf32> to vector<1x256xf32>
    %swap3A_534 = arith.constant 0 : index
    %swap3A_535 = arith.constant 2217 : index
    %swap3A_536 = arith.constant 0 : index
    %swap3A_537 = vector.load %arg5[%swap3A_534, %swap3A_535, %swap3A_536] : memref<1x4608x256xf32, #tpu.memory_space<vmem>>, vector<1x1x256xf32>
    %swap3A_538 = vector.shape_cast %swap3A_537 : vector<1x1x256xf32> to vector<1x256xf32>
    %swap3A_539 = vector.shape_cast %slice3A_533 : vector<1x256xf32> to vector<1x1x256xf32>
    tpu.vector_store %arg5[%swap3A_534, %swap3A_535, %swap3A_536], %swap3A_539 {strides = array<i32>} : memref<1x4608x256xf32, #tpu.memory_space<vmem>>, vector<1x1x256xf32>,
    %slice3A_540 = vector.extract_strided_slice %add3A_319 {offsets = [30, 0], sizes = [1, 256], strides = [1, 1]} : vector<64x256xf32> to vector<1x256xf32>
    %swap3A_541 = arith.constant 0 : index
    %swap3A_542 = arith.constant 2222 : index
    %swap3A_543 = arith.constant 0 : index
    %swap3A_544 = vector.load %arg5[%swap3A_541, %swap3A_542, %swap3A_543] : memref<1x4608x256xf32, #tpu.memory_space<vmem>>, vector<1x1x256xf32>
    %swap3A_545 = vector.shape_cast %swap3A_544 : vector<1x1x256xf32> to vector<1x256xf32>
    %swap3A_546 = vector.shape_cast %slice3A_540 : vector<1x256xf32> to vector<1x1x256xf32>
    tpu.vector_store %arg5[%swap3A_541, %swap3A_542, %swap3A_543], %swap3A_546 {strides = array<i32>} : memref<1x4608x256xf32, #tpu.memory_space<vmem>>, vector<1x1x256xf32>,
    %slice3A_547 = vector.extract_strided_slice %add3A_319 {offsets = [31, 0], sizes = [1, 256], strides = [1, 1]} : vector<64x256xf32> to vector<1x256xf32>
    %swap3A_548 = arith.constant 0 : index
    %swap3A_549 = arith.constant 2228 : index
    %swap3A_550 = arith.constant 0 : index
    %swap3A_551 = vector.load %arg5[%swap3A_548, %swap3A_549, %swap3A_550] : memref<1x4608x256xf32, #tpu.memory_space<vmem>>, vector<1x1x256xf32>
    %swap3A_552 = vector.shape_cast %swap3A_551 : vector<1x1x256xf32> to vector<1x256xf32>
    %swap3A_553 = vector.shape_cast %slice3A_547 : vector<1x256xf32> to vector<1x1x256xf32>
    tpu.vector_store %arg5[%swap3A_548, %swap3A_549, %swap3A_550], %swap3A_553 {strides = array<i32>} : memref<1x4608x256xf32, #tpu.memory_space<vmem>>, vector<1x1x256xf32>,
    %slice3A_554 = vector.extract_strided_slice %add3A_319 {offsets = [32, 0], sizes = [1, 256], strides = [1, 1]} : vector<64x256xf32> to vector<1x256xf32>
    %swap3A_555 = arith.constant 0 : index
    %swap3A_556 = arith.constant 2379 : index
    %swap3A_557 = arith.constant 0 : index
    %swap3A_558 = vector.load %arg5[%swap3A_555, %swap3A_556, %swap3A_557] : memref<1x4608x256xf32, #tpu.memory_space<vmem>>, vector<1x1x256xf32>
    %swap3A_559 = vector.shape_cast %swap3A_558 : vector<1x1x256xf32> to vector<1x256xf32>
    %swap3A_560 = vector.shape_cast %slice3A_554 : vector<1x256xf32> to vector<1x1x256xf32>
    tpu.vector_store %arg5[%swap3A_555, %swap3A_556, %swap3A_557], %swap3A_560 {strides = array<i32>} : memref<1x4608x256xf32, #tpu.memory_space<vmem>>, vector<1x1x256xf32>,
    %slice3A_561 = vector.extract_strided_slice %add3A_319 {offsets = [33, 0], sizes = [1, 256], strides = [1, 1]} : vector<64x256xf32> to vector<1x256xf32>
    %swap3A_562 = arith.constant 0 : index
    %swap3A_563 = arith.constant 2385 : index
    %swap3A_564 = arith.constant 0 : index
    %swap3A_565 = vector.load %arg5[%swap3A_562, %swap3A_563, %swap3A_564] : memref<1x4608x256xf32, #tpu.memory_space<vmem>>, vector<1x1x256xf32>
    %swap3A_566 = vector.shape_cast %swap3A_565 : vector<1x1x256xf32> to vector<1x256xf32>
    %swap3A_567 = vector.shape_cast %slice3A_561 : vector<1x256xf32> to vector<1x1x256xf32>
    tpu.vector_store %arg5[%swap3A_562, %swap3A_563, %swap3A_564], %swap3A_567 {strides = array<i32>} : memref<1x4608x256xf32, #tpu.memory_space<vmem>>, vector<1x1x256xf32>,
    %slice3A_568 = vector.extract_strided_slice %add3A_319 {offsets = [34, 0], sizes = [1, 256], strides = [1, 1]} : vector<64x256xf32> to vector<1x256xf32>
    %swap3A_569 = arith.constant 0 : index
    %swap3A_570 = arith.constant 2390 : index
    %swap3A_571 = arith.constant 0 : index
    %swap3A_572 = vector.load %arg5[%swap3A_569, %swap3A_570, %swap3A_571] : memref<1x4608x256xf32, #tpu.memory_space<vmem>>, vector<1x1x256xf32>
    %swap3A_573 = vector.shape_cast %swap3A_572 : vector<1x1x256xf32> to vector<1x256xf32>
    %swap3A_574 = vector.shape_cast %slice3A_568 : vector<1x256xf32> to vector<1x1x256xf32>
    tpu.vector_store %arg5[%swap3A_569, %swap3A_570, %swap3A_571], %swap3A_574 {strides = array<i32>} : memref<1x4608x256xf32, #tpu.memory_space<vmem>>, vector<1x1x256xf32>,
    %slice3A_575 = vector.extract_strided_slice %add3A_319 {offsets = [35, 0], sizes = [1, 256], strides = [1, 1]} : vector<64x256xf32> to vector<1x256xf32>
    %swap3A_576 = arith.constant 0 : index
    %swap3A_577 = arith.constant 2396 : index
    %swap3A_578 = arith.constant 0 : index
    %swap3A_579 = vector.load %arg5[%swap3A_576, %swap3A_577, %swap3A_578] : memref<1x4608x256xf32, #tpu.memory_space<vmem>>, vector<1x1x256xf32>
    %swap3A_580 = vector.shape_cast %swap3A_579 : vector<1x1x256xf32> to vector<1x256xf32>
    %swap3A_581 = vector.shape_cast %slice3A_575 : vector<1x256xf32> to vector<1x1x256xf32>
    tpu.vector_store %arg5[%swap3A_576, %swap3A_577, %swap3A_578], %swap3A_581 {strides = array<i32>} : memref<1x4608x256xf32, #tpu.memory_space<vmem>>, vector<1x1x256xf32>,
    %slice3A_582 = vector.extract_strided_slice %add3A_319 {offsets = [36, 0], sizes = [1, 256], strides = [1, 1]} : vector<64x256xf32> to vector<1x256xf32>
    %swap3A_583 = arith.constant 0 : index
    %swap3A_584 = arith.constant 2523 : index
    %swap3A_585 = arith.constant 0 : index
    %swap3A_586 = vector.load %arg5[%swap3A_583, %swap3A_584, %swap3A_585] : memref<1x4608x256xf32, #tpu.memory_space<vmem>>, vector<1x1x256xf32>
    %swap3A_587 = vector.shape_cast %swap3A_586 : vector<1x1x256xf32> to vector<1x256xf32>
    %swap3A_588 = vector.shape_cast %slice3A_582 : vector<1x256xf32> to vector<1x1x256xf32>
    tpu.vector_store %arg5[%swap3A_583, %swap3A_584, %swap3A_585], %swap3A_588 {strides = array<i32>} : memref<1x4608x256xf32, #tpu.memory_space<vmem>>, vector<1x1x256xf32>,
    %slice3A_589 = vector.extract_strided_slice %add3A_319 {offsets = [37, 0], sizes = [1, 256], strides = [1, 1]} : vector<64x256xf32> to vector<1x256xf32>
    %swap3A_590 = arith.constant 0 : index
    %swap3A_591 = arith.constant 2529 : index
    %swap3A_592 = arith.constant 0 : index
    %swap3A_593 = vector.load %arg5[%swap3A_590, %swap3A_591, %swap3A_592] : memref<1x4608x256xf32, #tpu.memory_space<vmem>>, vector<1x1x256xf32>
    %swap3A_594 = vector.shape_cast %swap3A_593 : vector<1x1x256xf32> to vector<1x256xf32>
    %swap3A_595 = vector.shape_cast %slice3A_589 : vector<1x256xf32> to vector<1x1x256xf32>
    tpu.vector_store %arg5[%swap3A_590, %swap3A_591, %swap3A_592], %swap3A_595 {strides = array<i32>} : memref<1x4608x256xf32, #tpu.memory_space<vmem>>, vector<1x1x256xf32>,
    %slice3A_596 = vector.extract_strided_slice %add3A_319 {offsets = [38, 0], sizes = [1, 256], strides = [1, 1]} : vector<64x256xf32> to vector<1x256xf32>
    %swap3A_597 = arith.constant 0 : index
    %swap3A_598 = arith.constant 2534 : index
    %swap3A_599 = arith.constant 0 : index
    %swap3A_600 = vector.load %arg5[%swap3A_597, %swap3A_598, %swap3A_599] : memref<1x4608x256xf32, #tpu.memory_space<vmem>>, vector<1x1x256xf32>
    %swap3A_601 = vector.shape_cast %swap3A_600 : vector<1x1x256xf32> to vector<1x256xf32>
    %swap3A_602 = vector.shape_cast %slice3A_596 : vector<1x256xf32> to vector<1x1x256xf32>
    tpu.vector_store %arg5[%swap3A_597, %swap3A_598, %swap3A_599], %swap3A_602 {strides = array<i32>} : memref<1x4608x256xf32, #tpu.memory_space<vmem>>, vector<1x1x256xf32>,
    %slice3A_603 = vector.extract_strided_slice %add3A_319 {offsets = [39, 0], sizes = [1, 256], strides = [1, 1]} : vector<64x256xf32> to vector<1x256xf32>
    %swap3A_604 = arith.constant 0 : index
    %swap3A_605 = arith.constant 2540 : index
    %swap3A_606 = arith.constant 0 : index
    %swap3A_607 = vector.load %arg5[%swap3A_604, %swap3A_605, %swap3A_606] : memref<1x4608x256xf32, #tpu.memory_space<vmem>>, vector<1x1x256xf32>
    %swap3A_608 = vector.shape_cast %swap3A_607 : vector<1x1x256xf32> to vector<1x256xf32>
    %swap3A_609 = vector.shape_cast %slice3A_603 : vector<1x256xf32> to vector<1x1x256xf32>
    tpu.vector_store %arg5[%swap3A_604, %swap3A_605, %swap3A_606], %swap3A_609 {strides = array<i32>} : memref<1x4608x256xf32, #tpu.memory_space<vmem>>, vector<1x1x256xf32>,
    %slice3A_610 = vector.extract_strided_slice %add3A_319 {offsets = [40, 0], sizes = [1, 256], strides = [1, 1]} : vector<64x256xf32> to vector<1x256xf32>
    %swap3A_611 = arith.constant 0 : index
    %swap3A_612 = arith.constant 2643 : index
    %swap3A_613 = arith.constant 0 : index
    %swap3A_614 = vector.load %arg5[%swap3A_611, %swap3A_612, %swap3A_613] : memref<1x4608x256xf32, #tpu.memory_space<vmem>>, vector<1x1x256xf32>
    %swap3A_615 = vector.shape_cast %swap3A_614 : vector<1x1x256xf32> to vector<1x256xf32>
    %swap3A_616 = vector.shape_cast %slice3A_610 : vector<1x256xf32> to vector<1x1x256xf32>
    tpu.vector_store %arg5[%swap3A_611, %swap3A_612, %swap3A_613], %swap3A_616 {strides = array<i32>} : memref<1x4608x256xf32, #tpu.memory_space<vmem>>, vector<1x1x256xf32>,
    %slice3A_617 = vector.extract_strided_slice %add3A_319 {offsets = [41, 0], sizes = [1, 256], strides = [1, 1]} : vector<64x256xf32> to vector<1x256xf32>
    %swap3A_618 = arith.constant 0 : index
    %swap3A_619 = arith.constant 2649 : index
    %swap3A_620 = arith.constant 0 : index
    %swap3A_621 = vector.load %arg5[%swap3A_618, %swap3A_619, %swap3A_620] : memref<1x4608x256xf32, #tpu.memory_space<vmem>>, vector<1x1x256xf32>
    %swap3A_622 = vector.shape_cast %swap3A_621 : vector<1x1x256xf32> to vector<1x256xf32>
    %swap3A_623 = vector.shape_cast %slice3A_617 : vector<1x256xf32> to vector<1x1x256xf32>
    tpu.vector_store %arg5[%swap3A_618, %swap3A_619, %swap3A_620], %swap3A_623 {strides = array<i32>} : memref<1x4608x256xf32, #tpu.memory_space<vmem>>, vector<1x1x256xf32>,
    %slice3A_624 = vector.extract_strided_slice %add3A_319 {offsets = [42, 0], sizes = [1, 256], strides = [1, 1]} : vector<64x256xf32> to vector<1x256xf32>
    %swap3A_625 = arith.constant 0 : index
    %swap3A_626 = arith.constant 2654 : index
    %swap3A_627 = arith.constant 0 : index
    %swap3A_628 = vector.load %arg5[%swap3A_625, %swap3A_626, %swap3A_627] : memref<1x4608x256xf32, #tpu.memory_space<vmem>>, vector<1x1x256xf32>
    %swap3A_629 = vector.shape_cast %swap3A_628 : vector<1x1x256xf32> to vector<1x256xf32>
    %swap3A_630 = vector.shape_cast %slice3A_624 : vector<1x256xf32> to vector<1x1x256xf32>
    tpu.vector_store %arg5[%swap3A_625, %swap3A_626, %swap3A_627], %swap3A_630 {strides = array<i32>} : memref<1x4608x256xf32, #tpu.memory_space<vmem>>, vector<1x1x256xf32>,
    %slice3A_631 = vector.extract_strided_slice %add3A_319 {offsets = [43, 0], sizes = [1, 256], strides = [1, 1]} : vector<64x256xf32> to vector<1x256xf32>
    %swap3A_632 = arith.constant 0 : index
    %swap3A_633 = arith.constant 2660 : index
    %swap3A_634 = arith.constant 0 : index
    %swap3A_635 = vector.load %arg5[%swap3A_632, %swap3A_633, %swap3A_634] : memref<1x4608x256xf32, #tpu.memory_space<vmem>>, vector<1x1x256xf32>
    %swap3A_636 = vector.shape_cast %swap3A_635 : vector<1x1x256xf32> to vector<1x256xf32>
    %swap3A_637 = vector.shape_cast %slice3A_631 : vector<1x256xf32> to vector<1x1x256xf32>
    tpu.vector_store %arg5[%swap3A_632, %swap3A_633, %swap3A_634], %swap3A_637 {strides = array<i32>} : memref<1x4608x256xf32, #tpu.memory_space<vmem>>, vector<1x1x256xf32>,
    %slice3A_638 = vector.extract_strided_slice %add3A_319 {offsets = [44, 0], sizes = [1, 256], strides = [1, 1]} : vector<64x256xf32> to vector<1x256xf32>
    %swap3A_639 = arith.constant 0 : index
    %swap3A_640 = arith.constant 2787 : index
    %swap3A_641 = arith.constant 0 : index
    %swap3A_642 = vector.load %arg5[%swap3A_639, %swap3A_640, %swap3A_641] : memref<1x4608x256xf32, #tpu.memory_space<vmem>>, vector<1x1x256xf32>
    %swap3A_643 = vector.shape_cast %swap3A_642 : vector<1x1x256xf32> to vector<1x256xf32>
    %swap3A_644 = vector.shape_cast %slice3A_638 : vector<1x256xf32> to vector<1x1x256xf32>
    tpu.vector_store %arg5[%swap3A_639, %swap3A_640, %swap3A_641], %swap3A_644 {strides = array<i32>} : memref<1x4608x256xf32, #tpu.memory_space<vmem>>, vector<1x1x256xf32>,
    %slice3A_645 = vector.extract_strided_slice %add3A_319 {offsets = [45, 0], sizes = [1, 256], strides = [1, 1]} : vector<64x256xf32> to vector<1x256xf32>
    %swap3A_646 = arith.constant 0 : index
    %swap3A_647 = arith.constant 2793 : index
    %swap3A_648 = arith.constant 0 : index
    %swap3A_649 = vector.load %arg5[%swap3A_646, %swap3A_647, %swap3A_648] : memref<1x4608x256xf32, #tpu.memory_space<vmem>>, vector<1x1x256xf32>
    %swap3A_650 = vector.shape_cast %swap3A_649 : vector<1x1x256xf32> to vector<1x256xf32>
    %swap3A_651 = vector.shape_cast %slice3A_645 : vector<1x256xf32> to vector<1x1x256xf32>
    tpu.vector_store %arg5[%swap3A_646, %swap3A_647, %swap3A_648], %swap3A_651 {strides = array<i32>} : memref<1x4608x256xf32, #tpu.memory_space<vmem>>, vector<1x1x256xf32>,
    %slice3A_652 = vector.extract_strided_slice %add3A_319 {offsets = [46, 0], sizes = [1, 256], strides = [1, 1]} : vector<64x256xf32> to vector<1x256xf32>
    %swap3A_653 = arith.constant 0 : index
    %swap3A_654 = arith.constant 2798 : index
    %swap3A_655 = arith.constant 0 : index
    %swap3A_656 = vector.load %arg5[%swap3A_653, %swap3A_654, %swap3A_655] : memref<1x4608x256xf32, #tpu.memory_space<vmem>>, vector<1x1x256xf32>
    %swap3A_657 = vector.shape_cast %swap3A_656 : vector<1x1x256xf32> to vector<1x256xf32>
    %swap3A_658 = vector.shape_cast %slice3A_652 : vector<1x256xf32> to vector<1x1x256xf32>
    tpu.vector_store %arg5[%swap3A_653, %swap3A_654, %swap3A_655], %swap3A_658 {strides = array<i32>} : memref<1x4608x256xf32, #tpu.memory_space<vmem>>, vector<1x1x256xf32>,
    %slice3A_659 = vector.extract_strided_slice %add3A_319 {offsets = [47, 0], sizes = [1, 256], strides = [1, 1]} : vector<64x256xf32> to vector<1x256xf32>
    %swap3A_660 = arith.constant 0 : index
    %swap3A_661 = arith.constant 2804 : index
    %swap3A_662 = arith.constant 0 : index
    %swap3A_663 = vector.load %arg5[%swap3A_660, %swap3A_661, %swap3A_662] : memref<1x4608x256xf32, #tpu.memory_space<vmem>>, vector<1x1x256xf32>
    %swap3A_664 = vector.shape_cast %swap3A_663 : vector<1x1x256xf32> to vector<1x256xf32>
    %swap3A_665 = vector.shape_cast %slice3A_659 : vector<1x256xf32> to vector<1x1x256xf32>
    tpu.vector_store %arg5[%swap3A_660, %swap3A_661, %swap3A_662], %swap3A_665 {strides = array<i32>} : memref<1x4608x256xf32, #tpu.memory_space<vmem>>, vector<1x1x256xf32>,
    %slice3A_666 = vector.extract_strided_slice %add3A_319 {offsets = [48, 0], sizes = [1, 256], strides = [1, 1]} : vector<64x256xf32> to vector<1x256xf32>
    %swap3A_667 = arith.constant 0 : index
    %swap3A_668 = arith.constant 3531 : index
    %swap3A_669 = arith.constant 0 : index
    %swap3A_670 = vector.load %arg5[%swap3A_667, %swap3A_668, %swap3A_669] : memref<1x4608x256xf32, #tpu.memory_space<vmem>>, vector<1x1x256xf32>
    %swap3A_671 = vector.shape_cast %swap3A_670 : vector<1x1x256xf32> to vector<1x256xf32>
    %swap3A_672 = vector.shape_cast %slice3A_666 : vector<1x256xf32> to vector<1x1x256xf32>
    tpu.vector_store %arg5[%swap3A_667, %swap3A_668, %swap3A_669], %swap3A_672 {strides = array<i32>} : memref<1x4608x256xf32, #tpu.memory_space<vmem>>, vector<1x1x256xf32>,
    %slice3A_673 = vector.extract_strided_slice %add3A_319 {offsets = [49, 0], sizes = [1, 256], strides = [1, 1]} : vector<64x256xf32> to vector<1x256xf32>
    %swap3A_674 = arith.constant 0 : index
    %swap3A_675 = arith.constant 3537 : index
    %swap3A_676 = arith.constant 0 : index
    %swap3A_677 = vector.load %arg5[%swap3A_674, %swap3A_675, %swap3A_676] : memref<1x4608x256xf32, #tpu.memory_space<vmem>>, vector<1x1x256xf32>
    %swap3A_678 = vector.shape_cast %swap3A_677 : vector<1x1x256xf32> to vector<1x256xf32>
    %swap3A_679 = vector.shape_cast %slice3A_673 : vector<1x256xf32> to vector<1x1x256xf32>
    tpu.vector_store %arg5[%swap3A_674, %swap3A_675, %swap3A_676], %swap3A_679 {strides = array<i32>} : memref<1x4608x256xf32, #tpu.memory_space<vmem>>, vector<1x1x256xf32>,
    %slice3A_680 = vector.extract_strided_slice %add3A_319 {offsets = [50, 0], sizes = [1, 256], strides = [1, 1]} : vector<64x256xf32> to vector<1x256xf32>
    %swap3A_681 = arith.constant 0 : index
    %swap3A_682 = arith.constant 3542 : index
    %swap3A_683 = arith.constant 0 : index
    %swap3A_684 = vector.load %arg5[%swap3A_681, %swap3A_682, %swap3A_683] : memref<1x4608x256xf32, #tpu.memory_space<vmem>>, vector<1x1x256xf32>
    %swap3A_685 = vector.shape_cast %swap3A_684 : vector<1x1x256xf32> to vector<1x256xf32>
    %swap3A_686 = vector.shape_cast %slice3A_680 : vector<1x256xf32> to vector<1x1x256xf32>
    tpu.vector_store %arg5[%swap3A_681, %swap3A_682, %swap3A_683], %swap3A_686 {strides = array<i32>} : memref<1x4608x256xf32, #tpu.memory_space<vmem>>, vector<1x1x256xf32>,
    %slice3A_687 = vector.extract_strided_slice %add3A_319 {offsets = [51, 0], sizes = [1, 256], strides = [1, 1]} : vector<64x256xf32> to vector<1x256xf32>
    %swap3A_688 = arith.constant 0 : index
    %swap3A_689 = arith.constant 3548 : index
    %swap3A_690 = arith.constant 0 : index
    %swap3A_691 = vector.load %arg5[%swap3A_688, %swap3A_689, %swap3A_690] : memref<1x4608x256xf32, #tpu.memory_space<vmem>>, vector<1x1x256xf32>
    %swap3A_692 = vector.shape_cast %swap3A_691 : vector<1x1x256xf32> to vector<1x256xf32>
    %swap3A_693 = vector.shape_cast %slice3A_687 : vector<1x256xf32> to vector<1x1x256xf32>
    tpu.vector_store %arg5[%swap3A_688, %swap3A_689, %swap3A_690], %swap3A_693 {strides = array<i32>} : memref<1x4608x256xf32, #tpu.memory_space<vmem>>, vector<1x1x256xf32>,
    %slice3A_694 = vector.extract_strided_slice %add3A_319 {offsets = [52, 0], sizes = [1, 256], strides = [1, 1]} : vector<64x256xf32> to vector<1x256xf32>
    %swap3A_695 = arith.constant 0 : index
    %swap3A_696 = arith.constant 3675 : index
    %swap3A_697 = arith.constant 0 : index
    %swap3A_698 = vector.load %arg5[%swap3A_695, %swap3A_696, %swap3A_697] : memref<1x4608x256xf32, #tpu.memory_space<vmem>>, vector<1x1x256xf32>
    %swap3A_699 = vector.shape_cast %swap3A_698 : vector<1x1x256xf32> to vector<1x256xf32>
    %swap3A_700 = vector.shape_cast %slice3A_694 : vector<1x256xf32> to vector<1x1x256xf32>
    tpu.vector_store %arg5[%swap3A_695, %swap3A_696, %swap3A_697], %swap3A_700 {strides = array<i32>} : memref<1x4608x256xf32, #tpu.memory_space<vmem>>, vector<1x1x256xf32>,
    %slice3A_701 = vector.extract_strided_slice %add3A_319 {offsets = [53, 0], sizes = [1, 256], strides = [1, 1]} : vector<64x256xf32> to vector<1x256xf32>
    %swap3A_702 = arith.constant 0 : index
    %swap3A_703 = arith.constant 3681 : index
    %swap3A_704 = arith.constant 0 : index
    %swap3A_705 = vector.load %arg5[%swap3A_702, %swap3A_703, %swap3A_704] : memref<1x4608x256xf32, #tpu.memory_space<vmem>>, vector<1x1x256xf32>
    %swap3A_706 = vector.shape_cast %swap3A_705 : vector<1x1x256xf32> to vector<1x256xf32>
    %swap3A_707 = vector.shape_cast %slice3A_701 : vector<1x256xf32> to vector<1x1x256xf32>
    tpu.vector_store %arg5[%swap3A_702, %swap3A_703, %swap3A_704], %swap3A_707 {strides = array<i32>} : memref<1x4608x256xf32, #tpu.memory_space<vmem>>, vector<1x1x256xf32>,
    %slice3A_708 = vector.extract_strided_slice %add3A_319 {offsets = [54, 0], sizes = [1, 256], strides = [1, 1]} : vector<64x256xf32> to vector<1x256xf32>
    %swap3A_709 = arith.constant 0 : index
    %swap3A_710 = arith.constant 3686 : index
    %swap3A_711 = arith.constant 0 : index
    %swap3A_712 = vector.load %arg5[%swap3A_709, %swap3A_710, %swap3A_711] : memref<1x4608x256xf32, #tpu.memory_space<vmem>>, vector<1x1x256xf32>
    %swap3A_713 = vector.shape_cast %swap3A_712 : vector<1x1x256xf32> to vector<1x256xf32>
    %swap3A_714 = vector.shape_cast %slice3A_708 : vector<1x256xf32> to vector<1x1x256xf32>
    tpu.vector_store %arg5[%swap3A_709, %swap3A_710, %swap3A_711], %swap3A_714 {strides = array<i32>} : memref<1x4608x256xf32, #tpu.memory_space<vmem>>, vector<1x1x256xf32>,
    %slice3A_715 = vector.extract_strided_slice %add3A_319 {offsets = [55, 0], sizes = [1, 256], strides = [1, 1]} : vector<64x256xf32> to vector<1x256xf32>
    %swap3A_716 = arith.constant 0 : index
    %swap3A_717 = arith.constant 3692 : index
    %swap3A_718 = arith.constant 0 : index
    %swap3A_719 = vector.load %arg5[%swap3A_716, %swap3A_717, %swap3A_718] : memref<1x4608x256xf32, #tpu.memory_space<vmem>>, vector<1x1x256xf32>
    %swap3A_720 = vector.shape_cast %swap3A_719 : vector<1x1x256xf32> to vector<1x256xf32>
    %swap3A_721 = vector.shape_cast %slice3A_715 : vector<1x256xf32> to vector<1x1x256xf32>
    tpu.vector_store %arg5[%swap3A_716, %swap3A_717, %swap3A_718], %swap3A_721 {strides = array<i32>} : memref<1x4608x256xf32, #tpu.memory_space<vmem>>, vector<1x1x256xf32>,
    %slice3A_722 = vector.extract_strided_slice %add3A_319 {offsets = [56, 0], sizes = [1, 256], strides = [1, 1]} : vector<64x256xf32> to vector<1x256xf32>
    %swap3A_723 = arith.constant 0 : index
    %swap3A_724 = arith.constant 3795 : index
    %swap3A_725 = arith.constant 0 : index
    %swap3A_726 = vector.load %arg5[%swap3A_723, %swap3A_724, %swap3A_725] : memref<1x4608x256xf32, #tpu.memory_space<vmem>>, vector<1x1x256xf32>
    %swap3A_727 = vector.shape_cast %swap3A_726 : vector<1x1x256xf32> to vector<1x256xf32>
    %swap3A_728 = vector.shape_cast %slice3A_722 : vector<1x256xf32> to vector<1x1x256xf32>
    tpu.vector_store %arg5[%swap3A_723, %swap3A_724, %swap3A_725], %swap3A_728 {strides = array<i32>} : memref<1x4608x256xf32, #tpu.memory_space<vmem>>, vector<1x1x256xf32>,
    %slice3A_729 = vector.extract_strided_slice %add3A_319 {offsets = [57, 0], sizes = [1, 256], strides = [1, 1]} : vector<64x256xf32> to vector<1x256xf32>
    %swap3A_730 = arith.constant 0 : index
    %swap3A_731 = arith.constant 3801 : index
    %swap3A_732 = arith.constant 0 : index
    %swap3A_733 = vector.load %arg5[%swap3A_730, %swap3A_731, %swap3A_732] : memref<1x4608x256xf32, #tpu.memory_space<vmem>>, vector<1x1x256xf32>
    %swap3A_734 = vector.shape_cast %swap3A_733 : vector<1x1x256xf32> to vector<1x256xf32>
    %swap3A_735 = vector.shape_cast %slice3A_729 : vector<1x256xf32> to vector<1x1x256xf32>
    tpu.vector_store %arg5[%swap3A_730, %swap3A_731, %swap3A_732], %swap3A_735 {strides = array<i32>} : memref<1x4608x256xf32, #tpu.memory_space<vmem>>, vector<1x1x256xf32>,
    %slice3A_736 = vector.extract_strided_slice %add3A_319 {offsets = [58, 0], sizes = [1, 256], strides = [1, 1]} : vector<64x256xf32> to vector<1x256xf32>
    %swap3A_737 = arith.constant 0 : index
    %swap3A_738 = arith.constant 3806 : index
    %swap3A_739 = arith.constant 0 : index
    %swap3A_740 = vector.load %arg5[%swap3A_737, %swap3A_738, %swap3A_739] : memref<1x4608x256xf32, #tpu.memory_space<vmem>>, vector<1x1x256xf32>
    %swap3A_741 = vector.shape_cast %swap3A_740 : vector<1x1x256xf32> to vector<1x256xf32>
    %swap3A_742 = vector.shape_cast %slice3A_736 : vector<1x256xf32> to vector<1x1x256xf32>
    tpu.vector_store %arg5[%swap3A_737, %swap3A_738, %swap3A_739], %swap3A_742 {strides = array<i32>} : memref<1x4608x256xf32, #tpu.memory_space<vmem>>, vector<1x1x256xf32>,
    %slice3A_743 = vector.extract_strided_slice %add3A_319 {offsets = [59, 0], sizes = [1, 256], strides = [1, 1]} : vector<64x256xf32> to vector<1x256xf32>
    %swap3A_744 = arith.constant 0 : index
    %swap3A_745 = arith.constant 3812 : index
    %swap3A_746 = arith.constant 0 : index
    %swap3A_747 = vector.load %arg5[%swap3A_744, %swap3A_745, %swap3A_746] : memref<1x4608x256xf32, #tpu.memory_space<vmem>>, vector<1x1x256xf32>
    %swap3A_748 = vector.shape_cast %swap3A_747 : vector<1x1x256xf32> to vector<1x256xf32>
    %swap3A_749 = vector.shape_cast %slice3A_743 : vector<1x256xf32> to vector<1x1x256xf32>
    tpu.vector_store %arg5[%swap3A_744, %swap3A_745, %swap3A_746], %swap3A_749 {strides = array<i32>} : memref<1x4608x256xf32, #tpu.memory_space<vmem>>, vector<1x1x256xf32>,
    %slice3A_750 = vector.extract_strided_slice %add3A_319 {offsets = [60, 0], sizes = [1, 256], strides = [1, 1]} : vector<64x256xf32> to vector<1x256xf32>
    %swap3A_751 = arith.constant 0 : index
    %swap3A_752 = arith.constant 3939 : index
    %swap3A_753 = arith.constant 0 : index
    %swap3A_754 = vector.load %arg5[%swap3A_751, %swap3A_752, %swap3A_753] : memref<1x4608x256xf32, #tpu.memory_space<vmem>>, vector<1x1x256xf32>
    %swap3A_755 = vector.shape_cast %swap3A_754 : vector<1x1x256xf32> to vector<1x256xf32>
    %swap3A_756 = vector.shape_cast %slice3A_750 : vector<1x256xf32> to vector<1x1x256xf32>
    tpu.vector_store %arg5[%swap3A_751, %swap3A_752, %swap3A_753], %swap3A_756 {strides = array<i32>} : memref<1x4608x256xf32, #tpu.memory_space<vmem>>, vector<1x1x256xf32>,
    %slice3A_757 = vector.extract_strided_slice %add3A_319 {offsets = [61, 0], sizes = [1, 256], strides = [1, 1]} : vector<64x256xf32> to vector<1x256xf32>
    %swap3A_758 = arith.constant 0 : index
    %swap3A_759 = arith.constant 3945 : index
    %swap3A_760 = arith.constant 0 : index
    %swap3A_761 = vector.load %arg5[%swap3A_758, %swap3A_759, %swap3A_760] : memref<1x4608x256xf32, #tpu.memory_space<vmem>>, vector<1x1x256xf32>
    %swap3A_762 = vector.shape_cast %swap3A_761 : vector<1x1x256xf32> to vector<1x256xf32>
    %swap3A_763 = vector.shape_cast %slice3A_757 : vector<1x256xf32> to vector<1x1x256xf32>
    tpu.vector_store %arg5[%swap3A_758, %swap3A_759, %swap3A_760], %swap3A_763 {strides = array<i32>} : memref<1x4608x256xf32, #tpu.memory_space<vmem>>, vector<1x1x256xf32>,
    %slice3A_764 = vector.extract_strided_slice %add3A_319 {offsets = [62, 0], sizes = [1, 256], strides = [1, 1]} : vector<64x256xf32> to vector<1x256xf32>
    %swap3A_765 = arith.constant 0 : index
    %swap3A_766 = arith.constant 3950 : index
    %swap3A_767 = arith.constant 0 : index
    %swap3A_768 = vector.load %arg5[%swap3A_765, %swap3A_766, %swap3A_767] : memref<1x4608x256xf32, #tpu.memory_space<vmem>>, vector<1x1x256xf32>
    %swap3A_769 = vector.shape_cast %swap3A_768 : vector<1x1x256xf32> to vector<1x256xf32>
    %swap3A_770 = vector.shape_cast %slice3A_764 : vector<1x256xf32> to vector<1x1x256xf32>
    tpu.vector_store %arg5[%swap3A_765, %swap3A_766, %swap3A_767], %swap3A_770 {strides = array<i32>} : memref<1x4608x256xf32, #tpu.memory_space<vmem>>, vector<1x1x256xf32>,
    %slice3A_771 = vector.extract_strided_slice %add3A_319 {offsets = [63, 0], sizes = [1, 256], strides = [1, 1]} : vector<64x256xf32> to vector<1x256xf32>
    %swap3A_772 = arith.constant 0 : index
    %swap3A_773 = arith.constant 3956 : index
    %swap3A_774 = arith.constant 0 : index
    %swap3A_775 = vector.load %arg5[%swap3A_772, %swap3A_773, %swap3A_774] : memref<1x4608x256xf32, #tpu.memory_space<vmem>>, vector<1x1x256xf32>
    %swap3A_776 = vector.shape_cast %swap3A_775 : vector<1x1x256xf32> to vector<1x256xf32>
    %swap3A_777 = vector.shape_cast %slice3A_771 : vector<1x256xf32> to vector<1x1x256xf32>
    tpu.vector_store %arg5[%swap3A_772, %swap3A_773, %swap3A_774], %swap3A_777 {strides = array<i32>} : memref<1x4608x256xf32, #tpu.memory_space<vmem>>, vector<1x1x256xf32>,
    return
  }
  func.func @transform_0(%arg0: i32) -> (i32, i32, i32) {
    %c0_i32 = arith.constant 0 : i32
    %c0_i32_0 = arith.constant 0 : i32
    %c0_i32_1 = arith.constant 0 : i32
    return %arg0, %c0_i32, %c0_i32_0 : i32, i32, i32
  }
  func.func @transform_1(%arg0: i32) -> (i32, i32, i32) {
    %c0_i32 = arith.constant 0 : i32
    %c0_i32_0 = arith.constant 0 : i32
    %c0_i32_1 = arith.constant 0 : i32
    return %arg0, %c0_i32, %c0_i32_0 : i32, i32, i32
  }
  func.func @transform_2(%arg0: i32) -> (i32, i32) {
    %c0_i32 = arith.constant 0 : i32
    %c0_i32_0 = arith.constant 0 : i32
    %c0_i32_1 = arith.constant 0 : i32
    return %c0_i32, %c0_i32_0 : i32, i32
  }
  func.func @transform_3(%arg0: i32) -> (i32, i32) {
    %c0_i32 = arith.constant 0 : i32
    %c0_i32_0 = arith.constant 0 : i32
    %c0_i32_1 = arith.constant 0 : i32
    return %c0_i32, %c0_i32_0 : i32, i32
  }
  func.func @transform_4(%arg0: i32) -> (i32, i32, i32) {
    %c0_i32 = arith.constant 0 : i32
    %c0_i32_0 = arith.constant 0 : i32
    %c0_i32_1 = arith.constant 0 : i32
    return %arg0, %c0_i32, %c0_i32_0 : i32, i32, i32
  }
}

</mosaic_0001>

<sc_bundles>
// kernel: kernel.5.cloned.1.call-start
scs
__scs_entry_jumppad:
0x0: {  	(pc) =	sbr.rel $0x88, $3  }
0x1: {  	(tag) =	ssettag $0x0;
	lr =	simm.s32 $0x1  }
0x2: {  	[smem:$0x3F91] =	sst lr;
	_ =	strace $0xD0000000  }
0x3: {  	_ = 	snop  }
0x4: {  	_ = 	snop  }
0x5: {  	_ = 	snop  }
0x6: {  	_ = 	snop  }
0x7: {  	_ = 	snop  }
__scs_overlays_trampoline_lowered:
0x8: {  	[smem:$0x3FA0] =	sst s0  }
0x9: {  	[smem:$0x3FA1] =	sst s1  }
0xa: {  	[smem:$0x3FA2] =	sst s2  }
0xb: {  	[smem:$0x3FA3] =	sst s3  }
0xc: {  	[smem:$0x3FA4] =	sst s4  }
0xd: {  	[smem:$0x3FA5] =	sst s5  }
0xe: {  	[smem:$0x3FA6] =	sst s6  }
0xf: {  	[smem:$0x3FA7] =	sst s7  }
0x10: {  	[smem:$0x3FA8] =	sst s8  }
0x11: {  	[smem:$0x3FA9] =	sst s9;
	s0 =	simm.s32 @!p0 $0x0  }
0x12: {  	s1 =	sld [smem:$0x3F8F];
	s0 =	simm.s32 @p0 $0x1  }
0x13: {  	[smem:$0x3FAA] =	sst s0;
	s0 =	simm.s32 @!p1 $0x0  }
0x14: {  	s2 =	sld [smem:$0x3F8E];
	s0 =	simm.s32 @p1 $0x1  }
0x15: {  	[smem:$0x3FAB] =	sst s0;
	s0 =	simm.s32 @!p2 $0x0  }
0x16: {  	s3 =	sld [smem:$0x3FDB];
	s0 =	simm.s32 @p2 $0x1  }
0x17: {  	s4 =	simm.s32 $0x1BF5;
	[smem:$0x3FAD] =	sst s0  }
0x18: {  	s0 =	sld [smem:$0x3F90];
	_ =	swait.ge [sflag:s4], $0x0  }
0x19: {  	s7 =	sld [smem:$0x3F91]  }
0x1a: {  	s8 =	sadd.s32 $0xFFFFE003, lr  }
0x1b: {  	s9 =	sadd.s32 $0xFFFFFEF7, lr;
	s5 =	simm.s32 $0xFFFFFFFF;
	p2 =	slt.u32 s8, $0xFFFFF086  }
0x1c: {  	p1 =	slt.u32 s9, $0xF7A;
	s5 =	simm.s32 @!p2 $0x0  }
0x1d: {  	s5 =	simm.s32 @p1 $0x1;
	p0 =	seq.s32 s7, s2  }
0x1e: {  	s7 =	smul.u32 @!p0 $0xF7A, s2;
	p2 =	seq.s32 @!p0 s5, $0x0  }
0x1f: {  	s9 =	smul.u32 $0xF7A, s1;
	s8 =	simm.s32 @!p0 $0x1BF5;
	p2 =	por !p2, p0  }
0x20: {  	[sflag:s8] =	ssyncset.s32 @!p0 $0xFFFFF086;
	s6 =	sadd.s32 @!p0 s3, s7;
	s7 =	simm.s32 @!p0 $0x108  }
0x21: {  	s3 =	sadd.s32 s3, s9;
	s6 =	sadd.s32 @!p0 $0x88, s6;
	s7 =	simm.s32 @p2 $0x1082  }
0x22: {  	[simem:s7], [sflag:s8] =	dma.local @!p0 [hbm:s6], $0xF7A  }
0x23: {  	s9 =	sor.u32 $0xD0000000, s2;
	s6 =	simm.s32 $0x108;
	_ =	swait.ge @!p0 [sflag:s8], $0x0  }
0x24: {  	s3 =	sadd.s32 $0x88, s3;
	s6 =	simm.s32 @!p1 $0x1082;
	[sflag:s4] =	ssyncset.s32 $0xFFFFF086  }
0x25: {  	[simem:s6], [sflag:s4] =	dma.local [hbm:s3], $0xF7A  }
0x26: {  	[smem:$0x3F91] =	sst s1;
	(tag) =	ssettag s2;
	_ =	strace s9  }
0x27: {  	s1 =	sld [smem:$0x3FA1]  }
0x28: {  	s2 =	sld [smem:$0x3FA2]  }
0x29: {  	s4 =	sld [smem:$0x3FA4]  }
0x2a: {  	p0 =	seq.s32 s5, $0x0;
	s5 =	sld [smem:$0x3FA5]  }
0x2b: {  	s6 =	sld [smem:$0x3FA6]  }
0x2c: {  	s7 =	sld [smem:$0x3FA7]  }
0x2d: {  	s3 =	simm.s32 $0x108;
	s8 =	sld [smem:$0x3FA8]  }
0x2e: {  	s3 =	simm.s32 @!p0 $0x1082;
	s9 =	sld [smem:$0x3FA9]  }
0x2f: {  	lr =	sadd.s32 s0, s3;
	s0 =	sld [smem:$0x3FA0]  }
0x30: {  	s3 =	sld [smem:$0x3FA3]  }
0x31: {  	[smem:$0x3FAC] =	sst s10  }
0x32: {  	s10 =	sld [smem:$0x3FAA];
	_ =	sdelay $0x3  }
0x33: {  	p0 =	seq.s32 s10, $0x1;
	s10 =	sld [smem:$0x3FAC];
	_ =	sdelay $0x3  }
0x34: {  	[smem:$0x3FAC] =	sst s10  }
0x35: {  	s10 =	sld [smem:$0x3FAB];
	_ =	sdelay $0x3  }
0x36: {  	p1 =	seq.s32 s10, $0x1;
	s10 =	sld [smem:$0x3FAC];
	_ =	sdelay $0x3  }
0x37: {  	[smem:$0x3FAC] =	sst s10  }
0x38: {  	s10 =	sld [smem:$0x3FAD]  }
0x39: {  	_ = 	snop;
	(pc) =	sbr.ind lr, $3  }
0x3a: {  	_ = 	snop  }
0x3b: {  	_ = 	snop  }
0x3c: {  	p2 =	seq.s32 s10, $0x1;
	s10 =	sld [smem:$0x3FAC]  }
0x3d: {  	_ =	shalt  }
0x3e: {  	_ =	shalt  }
0x3f: {  	_ =	shalt  }
0x40: {  	_ =	shalt  }
0x41: {  	_ =	shalt  }
0x42: {  	_ =	shalt  }
0x43: {  	_ =	shalt  }
0x44: {  	_ =	shalt  }
0x45: {  	_ =	shalt  }
0x46: {  	_ =	shalt  }
0x47: {  	_ =	shalt  }
0x48: {  	_ =	shalt  }
0x49: {  	_ =	shalt  }
0x4a: {  	_ =	shalt  }
0x4b: {  	_ =	shalt  }
0x4c: {  	_ =	shalt  }
0x4d: {  	_ =	shalt  }
0x4e: {  	_ =	shalt  }
0x4f: {  	_ =	shalt  }
0x50: {  	_ =	shalt  }
0x51: {  	_ =	shalt  }
0x52: {  	_ =	shalt  }
0x53: {  	_ =	shalt  }
0x54: {  	_ =	shalt  }
0x55: {  	_ =	shalt  }
0x56: {  	_ =	shalt  }
0x57: {  	_ =	shalt  }
0x58: {  	_ =	shalt  }
0x59: {  	_ =	shalt  }
0x5a: {  	_ =	shalt  }
0x5b: {  	_ =	shalt  }
0x5c: {  	_ =	shalt  }
0x5d: {  	_ =	shalt  }
0x5e: {  	_ =	shalt  }
0x5f: {  	_ =	shalt  }
0x60: {  	_ =	shalt  }
0x61: {  	_ =	shalt  }
0x62: {  	_ =	shalt  }
0x63: {  	_ =	shalt  }
0x64: {  	_ =	shalt  }
0x65: {  	_ =	shalt  }
0x66: {  	_ =	shalt  }
0x67: {  	_ =	shalt  }
0x68: {  	_ =	shalt  }
0x69: {  	_ =	shalt  }
0x6a: {  	_ =	shalt  }
0x6b: {  	_ =	shalt  }
0x6c: {  	_ =	shalt  }
0x6d: {  	_ =	shalt  }
0x6e: {  	_ =	shalt  }
0x6f: {  	_ =	shalt  }
0x70: {  	_ =	shalt  }
0x71: {  	_ =	shalt  }
0x72: {  	_ =	shalt  }
0x73: {  	_ =	shalt  }
0x74: {  	_ =	shalt  }
0x75: {  	_ =	shalt  }
0x76: {  	_ =	shalt  }
0x77: {  	_ =	shalt  }
0x78: {  	_ =	shalt  }
0x79: {  	_ =	shalt  }
0x7a: {  	_ =	shalt  }
0x7b: {  	_ =	shalt  }
0x7c: {  	_ =	shalt  }
0x7d: {  	_ =	shalt  }
0x7e: {  	_ =	shalt  }
0x7f: {  	_ =	shalt  }
0x80: {  	_ =	shalt  }
0x81: {  	_ =	shalt  }
0x82: {  	_ =	shalt  }
0x83: {  	_ =	shalt  }
0x84: {  	_ =	shalt  }
0x85: {  	_ =	shalt  }
0x86: {  	_ =	shalt  }
0x87: {  	_ =	shalt  }
.Lfunc_end0:
.L_simem_size_0:
called_computation.2_lowered:
.L_overlay_start_0:
0x88: {  	s2 =	sld [smem:$0x3FD9]  }
0x89: {  	s3 =	sld [smem:$0x3FFE];
	_ =	sdelay $0x1  }
0x8a: {  	s1 =	srdreg.scid  }
0x8b: {  	s0 =	sand.u32 $0x1, s1  }
0x8c: {  	s14 =	sshll.u32 s0, $0xA;
	s2 =	sadd.s32 s3, s2  }
0x8d: {  	s2 =	sadd.s32 s2, s14  }
0x8e: {  	[smem:$0x3FB8] =	sst s2  }
0x8f: {  	_ = 	snop  }
0x90: {  	s2 =	sld [smem:$0x3FD0];
	_ =	sdelay $0x2  }
0x91: {  	s15 =	simm.s32 $0xA;
	s4 =	simm.s32 $0x10  }
0x92: {  	[smem:s4], [sflag:s15] =	dma.local [hbm:s2], $0x1  }
0x93: {  	_ =	swait.eq [sflag:s15], $0x1  }
0x94: {  	[sflag:s15] =	ssyncset.done $0x0  }
0x95: {  	[sflag:s15] =	ssyncadd.s32 $0xFFFFFFFF  }
0x96: {  	s16 =	sld [smem:$0x10];
	(tm) =	ssettm $0x1  }
0x97: {  	s17 =	sld [smem:$0x3FFB];
	_ =	sdelay $0x3  }
0x98: {  	_ =	strace s17  }
0x99: {  	s3 =	sld [smem:$0x3FFC];
	_ =	sdelay $0x3  }
0x9a: {  	_ =	strace s3  }
0x9b: {  	s3 =	sld [smem:$0x3FFD];
	_ =	sdelay $0x3  }
0x9c: {  	_ =	strace s3  }
0x9d: {  	_ =	strace $0x8FFFFFFF  }
0x9e: {  	s18 =	sld [smem:$0x3FDB];
	_ =	sdelay $0x1  }
0x9f: {  	s19 =	simm.s32 $_scs_section_size  }
0xa0: {  	s5 =	simm.s32 $_size__tile_overlayer_lowered;
	s6 =	simm.s32 $_tile_overlayer_lowered  }
0xa1: {  	s22 =	simm.s32 $0x1BFF;
	s21 =	sshll.u32 s6, $0x1;
	s3 =	sadd.s32 s19, s18  }
0xa2: {  	s7 =	simm.s32 $0x0;
	s20 =	sshll.u32 s5, $0x1;
	s5 =	sadd.s32 s21, s3  }
0xa3: {  	[timem:s7], [sflag:s22] =	dma.local [hbm:s5], s20  }
0xa4: {  	_ =	swait.ge [sflag:s22], s20  }
0xa5: {  	s4 =	ssub.s32 $0x0, s20;
	[sflag:s22] =	ssyncset.done $0x0  }
0xa6: {  	[sflag:s22] =	ssyncadd.s32 s4;
	_ =	sdelay $0x1  }
0xa7: {  	s23 =	simm.s32 $0x1B8B  }
0xa8: {  	_ =	swait.ge [sflag:s23], $0x1  }
0xa9: {  	[sflag:s23] =	ssyncset.done $0x0  }
0xaa: {  	s25 =	simm.s32 $0x1B8E;
	s24 =	sld [smem:$0x3FFE];
	[sflag:s23] =	ssyncadd.s32 $0xFFFFFFFF  }
0xab: {  	s26 =	simm.s32 $execute0_lowered;
	[smem:$0x3FD2] =	sst s25  }
0xac: {  	s5 =	sshll.u32 s26, $0x1;
	_ =	strace $0x80000049;
	[dreg:$0x1] =	wrdreg $0xFFFFFFFF  }
0xad: {  	s28 =	simm.s32 $_size_execute0_lowered;
	s3 =	sadd.s32 s3, s5;
	[dreg:$0x0] =	wrdreg $0x0  }
0xae: {  	s5 =	sshll.u32 s28, $0x1;
	[dreg:$0x2] =	wrdreg s3  }
0xaf: {  	[dreg:$0x3] =	wrdreg s5  }
0xb0: {  	[dreg:$0x4] =	wrdreg $0xC0  }
0xb1: {  	_ =	task [dreg:s7], $0x5FFFF  }
0xb2: {  	[dreg:$0x1] =	wrdreg $0xFFFFFFFF  }
0xb3: {  	[dreg:$0x0] =	wrdreg $0x60  }
0xb4: {  	[dreg:$0x2] =	wrdreg s16  }
0xb5: {  	[dreg:$0x3] =	wrdreg s24  }
0xb6: {  	[dreg:$0x4] =	wrdreg $0x9  }
0xb7: {  	_ =	task.clear_ibuf [dreg:s7], $0x5FFFF;
	_ =	strace $0x90000049  }
0xb8: {  	s29 =	simm.s32 $0x9;
	_ =	strace $0x8000004B  }
0xb9: {  	_ =	swait.ge [sflag:s29], $0x1  }
0xba: {  	[sflag:s29] =	ssyncadd.s32 $0xFFFFFFFF  }
0xbb: {  	_ =	strace $0x9000004B  }
0xbc: {  	_ =	sfence  }
0xbd: {  	s30 =	sld [smem:$0x0];
	_ =	sdelay $0x2  }
0xbe: {  	s31 =	sshll.u32 s1, $0xD;
	s1 =	sshrl.u32 s1, $0x2  }
0xbf: {  	s3 =	sand.u32 $0x4000, s31;
	s1 =	sadd.s32 s1, s30  }
0xc0: {  	s0 =	sor.u32 s3, s0;
	s1 =	sshll.u32 s1, $0x11  }
0xc1: {  	s0 =	sor.u32 s1, s0  }
0xc2: {  	s0 =	sadd.s32 $0x8F2B, s0  }
0xc3: {  	[sflag:s0] =	ssyncadd.remote.s32 $0x1  }
0xc4: {  	_ =	sfence.sel $0xFFFF  }
0xc5: {  	[dreg:$0x0] =	wrdreg $0xFFFFFFFF;
	(pc) =	sbr.abs _section_cstart, $3  }
0xc6: {  	[dreg:$0x1] =	wrdreg $0xFFFFFFFF  }
0xc7: {  	_ =	task.clear_ibuf [dreg:s7], $0x2FFFF;
	_ =	strace $0x9FFFFFFF  }
0xc8: {  	(tm) =	ssettm $0x7FFFFFFF  }
0xc9: {  	_ =	shalt  }
tec
execute0_lowered:
.L_overlay_start_1:
0x0: {  	(tag) =	ssettag $0x1  }
0x1: {  	s1 =	rddreg [dreg:$0x0]  }
0x2: {  	s4 =	rddreg [dreg:$0x1]  }
0x3: {  	s0 =	rddreg [dreg:$0x2];
	s5 =	srdreg.scid  }
0x4: {  	s3 =	simm.s32 $0x0;
	s2 =	stileid.u32;
	s11 =	simm.s32 $0x200  }
0x5: {  	s12 =	simm.s32 $0xA00;
	s13 =	simm.s32 $0x1200;
	s14 =	simm.s32 $0x1A00  }
0x6: {  	s15 =	simm.s32 $0x2200;
	s16 =	simm.s32 $0x2A00;
	s17 =	simm.s32 $0x3200  }
0x7: {  	s18 =	simm.s32 $0x3A00;
	s19 =	simm.s32 $0x4200;
	s20 =	simm.s32 $0x4A00  }
0x8: {  	s21 =	simm.s32 $0x5200;
	s22 =	simm.s32 $0x5A00;
	s23 =	simm.s32 $0x6200  }
0x9: {  	s24 =	simm.s32 $0x6A00;
	s25 =	simm.s32 $0x7200;
	s5 =	sand.u32 $0x1, s5  }
0xa: {  	s26 =	simm.s32 $0x7A00;
	s6 =	sshll.u32 s2, $0xA;
	s7 =	sshll.u32 s5, $0x9  }
0xb: {  	s28 =	simm.s32 $0x1;
	[smem:$0x7FF] =	sst s3;
	s6 =	sor.u32 s7, s6  }
0xc: {  	_ =	strace $0x8000004A;
	s5 =	ssub.s32 $0x2, s5;
	s7 =	sshrl.u32 s6, $0x3  }
0xd: {  	s8 =	sshrl.u32 s5, $0x1;
	s6 =	sshll.u32 s6, $0x5;
	s7 =	sadd.s32 s7, s4  }
0xe: {  	v2 =	vlaneseq.u32;
	s10 =	ssub.s32 s5, s8;
	s9 =	sadd.s32 s6, s4;
	s4 =	sadd.s32 $0x3200, s7  }
0xf: {  	vm0 =	vmmov $0xffff;
	v1 =	vshrl.u32 v2, $0x3;
	s5 =	sadd.s32 $0x3A00, s9;
	s6 =	sadd.s32 $0x4A00, s9;
	s7 =	sadd.s32 $0x5A00, s9  }
0x10: {  	v0 =	vand.u32 $0x7, v2;
	v2 =	vor.u32 $0x8, v2;
	v1 =	vmul.u32 $0x8, v1;
	s8 =	sadd.s32 $0x6A00, s9;
	s9 =	smax.u32 s10, $0x1;
	s10 =	simm.s32 $0x2  }
.LBB2_1:
0x11: {  	[tilespmem:s3], [sflag:$0x2] =	stream.linear.gather [hbm4b:s4+s3], $0x200, $0x38;
	[tilespmem:$0x8200] =	vst v63  }
0x12: {  	_ =	swait.ge [sflag:s10], $0x200  }
0x13: {  	[sflag:s10] =	ssyncset.done $0x0  }
0x14: {  	[sflag:s10] =	ssyncadd.s32 $0xFFFFFE00  }
0x15: {  	v3 =	vld [tilespmem:$0x0];
	_ =	sdelay $0x4  }
0x16: {  	v4 =	vshll.u32 v3, $0x1  }
0x17: {  	v3 =	vand.u32 $0x7, v3;
	v4 =	vand.u32 $0xFFFFFFF0, v4  }
0x18: {  	v3 =	vor.u32 v3, v4  }
0x19: {  	v4 =	vperm.xlane v3, v0;
	_ =	sdelay $0x1  }
0x1a: {  	v3 =	vperm.xlane v3, v2;
	v4 =	vadd.s32 v1, v4;
	_ =	sdelay $0x1  }
0x1b: {  	v3 =	vadd.s32 v1, v3;
	_ =	sdelay $0x2  }
0x1c: {  	[tilespmem:s11], [sflag:$0x1] =	stream.indirect_vreg.gather [hbm4b:s1+s3], $0x80, v4, vm0, $0xb8;
	[tilespmem:$0x8200] =	vst v63  }
0x1d: {  	_ = 	snop  }
0x1e: {  	[tilespmem:s12], [sflag:$0x1] =	stream.indirect_vreg.gather [hbm4b:s1+s3], $0x80, v3, vm0, $0xb8;
	[tilespmem:$0x8200] =	vst v63  }
0x1f: {  	v3 =	vld [tilespmem:$0x10];
	_ =	sdelay $0x4  }
0x20: {  	v33 =	vshll.u32 v3, $0x1  }
0x21: {  	v3 =	vand.u32 $0x7, v3;
	v4 =	vand.u32 $0xFFFFFFF0, v33  }
0x22: {  	v3 =	vor.u32 v3, v4  }
0x23: {  	v4 =	vperm.xlane v3, v0;
	_ =	sdelay $0x1  }
0x24: {  	v3 =	vperm.xlane v3, v2;
	v4 =	vadd.s32 v1, v4;
	_ =	sdelay $0x1  }
0x25: {  	v3 =	vadd.s32 v1, v3;
	_ =	sdelay $0x2  }
0x26: {  	[tilespmem:s13], [sflag:$0x1] =	stream.indirect_vreg.gather [hbm4b:s1+s3], $0x80, v4, vm0, $0xb8;
	[tilespmem:$0x8200] =	vst v63  }
0x27: {  	_ = 	snop  }
0x28: {  	[tilespmem:s14], [sflag:$0x1] =	stream.indirect_vreg.gather [hbm4b:s1+s3], $0x80, v3, vm0, $0xb8;
	[tilespmem:$0x8200] =	vst v63  }
0x29: {  	v3 =	vld [tilespmem:$0x20];
	_ =	sdelay $0x4  }
0x2a: {  	v34 =	vshll.u32 v3, $0x1  }
0x2b: {  	v3 =	vand.u32 $0x7, v3;
	v4 =	vand.u32 $0xFFFFFFF0, v34  }
0x2c: {  	v3 =	vor.u32 v3, v4  }
0x2d: {  	v4 =	vperm.xlane v3, v0;
	_ =	sdelay $0x1  }
0x2e: {  	v3 =	vperm.xlane v3, v2;
	v4 =	vadd.s32 v1, v4;
	_ =	sdelay $0x1  }
0x2f: {  	v3 =	vadd.s32 v1, v3;
	_ =	sdelay $0x2  }
0x30: {  	[tilespmem:s15], [sflag:$0x1] =	stream.indirect_vreg.gather [hbm4b:s1+s3], $0x80, v4, vm0, $0xb8;
	[tilespmem:$0x8200] =	vst v63  }
0x31: {  	_ = 	snop  }
0x32: {  	[tilespmem:s16], [sflag:$0x1] =	stream.indirect_vreg.gather [hbm4b:s1+s3], $0x80, v3, vm0, $0xb8;
	[tilespmem:$0x8200] =	vst v63  }
0x33: {  	v3 =	vld [tilespmem:$0x30];
	_ =	sdelay $0x4  }
0x34: {  	v35 =	vshll.u32 v3, $0x1  }
0x35: {  	v3 =	vand.u32 $0x7, v3;
	v4 =	vand.u32 $0xFFFFFFF0, v35  }
0x36: {  	v3 =	vor.u32 v3, v4  }
0x37: {  	v4 =	vperm.xlane v3, v0;
	_ =	sdelay $0x1  }
0x38: {  	v3 =	vperm.xlane v3, v2;
	v4 =	vadd.s32 v1, v4;
	_ =	sdelay $0x1  }
0x39: {  	v3 =	vadd.s32 v1, v3;
	_ =	sdelay $0x2  }
0x3a: {  	[tilespmem:s17], [sflag:$0x1] =	stream.indirect_vreg.gather [hbm4b:s1+s3], $0x80, v4, vm0, $0xb8;
	[tilespmem:$0x8200] =	vst v63  }
0x3b: {  	_ = 	snop  }
0x3c: {  	[tilespmem:s18], [sflag:$0x1] =	stream.indirect_vreg.gather [hbm4b:s1+s3], $0x80, v3, vm0, $0xb8;
	[tilespmem:$0x8200] =	vst v63  }
0x3d: {  	v3 =	vld [tilespmem:$0x40];
	_ =	sdelay $0x4  }
0x3e: {  	v36 =	vshll.u32 v3, $0x1  }
0x3f: {  	v3 =	vand.u32 $0x7, v3;
	v4 =	vand.u32 $0xFFFFFFF0, v36  }
0x40: {  	v3 =	vor.u32 v3, v4  }
0x41: {  	v4 =	vperm.xlane v3, v0;
	_ =	sdelay $0x1  }
0x42: {  	v3 =	vperm.xlane v3, v2;
	v4 =	vadd.s32 v1, v4;
	_ =	sdelay $0x1  }
0x43: {  	v3 =	vadd.s32 v1, v3;
	_ =	sdelay $0x2  }
0x44: {  	[tilespmem:s19], [sflag:$0x1] =	stream.indirect_vreg.gather [hbm4b:s1+s3], $0x80, v4, vm0, $0xb8;
	[tilespmem:$0x8200] =	vst v63  }
0x45: {  	_ = 	snop  }
0x46: {  	[tilespmem:s20], [sflag:$0x1] =	stream.indirect_vreg.gather [hbm4b:s1+s3], $0x80, v3, vm0, $0xb8;
	[tilespmem:$0x8200] =	vst v63  }
0x47: {  	v3 =	vld [tilespmem:$0x50];
	_ =	sdelay $0x4  }
0x48: {  	v37 =	vshll.u32 v3, $0x1  }
0x49: {  	v3 =	vand.u32 $0x7, v3;
	v4 =	vand.u32 $0xFFFFFFF0, v37  }
0x4a: {  	v3 =	vor.u32 v3, v4  }
0x4b: {  	v4 =	vperm.xlane v3, v0;
	_ =	sdelay $0x1  }
0x4c: {  	v3 =	vperm.xlane v3, v2;
	v4 =	vadd.s32 v1, v4;
	_ =	sdelay $0x1  }
0x4d: {  	v3 =	vadd.s32 v1, v3;
	_ =	sdelay $0x2  }
0x4e: {  	[tilespmem:s21], [sflag:$0x1] =	stream.indirect_vreg.gather [hbm4b:s1+s3], $0x80, v4, vm0, $0xb8;
	[tilespmem:$0x8200] =	vst v63  }
0x4f: {  	_ = 	snop  }
0x50: {  	[tilespmem:s22], [sflag:$0x1] =	stream.indirect_vreg.gather [hbm4b:s1+s3], $0x80, v3, vm0, $0xb8;
	[tilespmem:$0x8200] =	vst v63  }
0x51: {  	v3 =	vld [tilespmem:$0x60];
	_ =	sdelay $0x4  }
0x52: {  	v38 =	vshll.u32 v3, $0x1  }
0x53: {  	v3 =	vand.u32 $0x7, v3;
	v4 =	vand.u32 $0xFFFFFFF0, v38  }
0x54: {  	v3 =	vor.u32 v3, v4  }
0x55: {  	v4 =	vperm.xlane v3, v0;
	_ =	sdelay $0x1  }
0x56: {  	v3 =	vperm.xlane v3, v2;
	v4 =	vadd.s32 v1, v4;
	_ =	sdelay $0x1  }
0x57: {  	v3 =	vadd.s32 v1, v3;
	_ =	sdelay $0x2  }
0x58: {  	[tilespmem:s23], [sflag:$0x1] =	stream.indirect_vreg.gather [hbm4b:s1+s3], $0x80, v4, vm0, $0xb8;
	[tilespmem:$0x8200] =	vst v63  }
0x59: {  	_ = 	snop  }
0x5a: {  	[tilespmem:s24], [sflag:$0x1] =	stream.indirect_vreg.gather [hbm4b:s1+s3], $0x80, v3, vm0, $0xb8;
	[tilespmem:$0x8200] =	vst v63  }
0x5b: {  	v3 =	vld [tilespmem:$0x70];
	_ =	sdelay $0x4  }
0x5c: {  	v39 =	vshll.u32 v3, $0x1  }
0x5d: {  	v3 =	vand.u32 $0x7, v3;
	v4 =	vand.u32 $0xFFFFFFF0, v39  }
0x5e: {  	v3 =	vor.u32 v3, v4  }
0x5f: {  	v4 =	vperm.xlane v3, v0;
	_ =	sdelay $0x1  }
0x60: {  	v3 =	vperm.xlane v3, v2;
	v4 =	vadd.s32 v1, v4;
	_ =	sdelay $0x1  }
0x61: {  	v3 =	vadd.s32 v1, v3;
	_ =	sdelay $0x2  }
0x62: {  	[tilespmem:s25], [sflag:$0x1] =	stream.indirect_vreg.gather [hbm4b:s1+s3], $0x80, v4, vm0, $0xb8;
	[tilespmem:$0x8200] =	vst v63  }
0x63: {  	_ = 	snop  }
0x64: {  	[tilespmem:s26], [sflag:$0x1] =	stream.indirect_vreg.gather [hbm4b:s1+s3], $0x80, v3, vm0, $0xb8;
	[tilespmem:$0x8200] =	vst v63  }
0x65: {  	_ =	swait.ge [sflag:s28], $0x8000  }
0x66: {  	[sflag:s28] =	ssyncset.done $0x0  }
0x67: {  	[sflag:s28] =	ssyncadd.s32 $0xFFFF8000  }
0x68: {  	[hbm4b:s5+s3] =	stream.linear.scatter [tilespmem:s11], [sflag:$0x2], $0x8000, $0x38;
	[tilespmem:$0x8200] =	vst v63  }
0x69: {  	_ =	swait.ge [sflag:s10], $0x8000  }
0x6a: {  	[sflag:s10] =	ssyncset.done $0x0  }
0x6b: {  	[sflag:s10] =	ssyncadd.s32 $0xFFFF8000  }
0x6c: {  	v3 =	vld [tilespmem:$0x80];
	_ =	sdelay $0x4  }
0x6d: {  	v40 =	vshll.u32 v3, $0x1  }
0x6e: {  	v3 =	vand.u32 $0x7, v3;
	v4 =	vand.u32 $0xFFFFFFF0, v40  }
0x6f: {  	v3 =	vor.u32 v3, v4  }
0x70: {  	v4 =	vperm.xlane v3, v0;
	_ =	sdelay $0x1  }
0x71: {  	v3 =	vperm.xlane v3, v2;
	v4 =	vadd.s32 v1, v4;
	_ =	sdelay $0x1  }
0x72: {  	v3 =	vadd.s32 v1, v3;
	_ =	sdelay $0x2  }
0x73: {  	[tilespmem:s11], [sflag:$0x1] =	stream.indirect_vreg.gather [hbm4b:s1+s3], $0x80, v4, vm0, $0xb8;
	[tilespmem:$0x8200] =	vst v63  }
0x74: {  	_ = 	snop  }
0x75: {  	[tilespmem:s12], [sflag:$0x1] =	stream.indirect_vreg.gather [hbm4b:s1+s3], $0x80, v3, vm0, $0xb8;
	[tilespmem:$0x8200] =	vst v63  }
0x76: {  	v3 =	vld [tilespmem:$0x90];
	_ =	sdelay $0x4  }
0x77: {  	v41 =	vshll.u32 v3, $0x1  }
0x78: {  	v3 =	vand.u32 $0x7, v3;
	v4 =	vand.u32 $0xFFFFFFF0, v41  }
0x79: {  	v3 =	vor.u32 v3, v4  }
0x7a: {  	v4 =	vperm.xlane v3, v0;
	_ =	sdelay $0x1  }
0x7b: {  	v3 =	vperm.xlane v3, v2;
	v4 =	vadd.s32 v1, v4;
	_ =	sdelay $0x1  }
0x7c: {  	v3 =	vadd.s32 v1, v3;
	_ =	sdelay $0x2  }
0x7d: {  	[tilespmem:s13], [sflag:$0x1] =	stream.indirect_vreg.gather [hbm4b:s1+s3], $0x80, v4, vm0, $0xb8;
	[tilespmem:$0x8200] =	vst v63  }
0x7e: {  	_ = 	snop  }
0x7f: {  	[tilespmem:s14], [sflag:$0x1] =	stream.indirect_vreg.gather [hbm4b:s1+s3], $0x80, v3, vm0, $0xb8;
	[tilespmem:$0x8200] =	vst v63  }
0x80: {  	v3 =	vld [tilespmem:$0xA0];
	_ =	sdelay $0x4  }
0x81: {  	v42 =	vshll.u32 v3, $0x1  }
0x82: {  	v3 =	vand.u32 $0x7, v3;
	v4 =	vand.u32 $0xFFFFFFF0, v42  }
0x83: {  	v3 =	vor.u32 v3, v4  }
0x84: {  	v4 =	vperm.xlane v3, v0;
	_ =	sdelay $0x1  }
0x85: {  	v3 =	vperm.xlane v3, v2;
	v4 =	vadd.s32 v1, v4;
	_ =	sdelay $0x1  }
0x86: {  	v3 =	vadd.s32 v1, v3;
	_ =	sdelay $0x2  }
0x87: {  	[tilespmem:s15], [sflag:$0x1] =	stream.indirect_vreg.gather [hbm4b:s1+s3], $0x80, v4, vm0, $0xb8;
	[tilespmem:$0x8200] =	vst v63  }
0x88: {  	_ = 	snop  }
0x89: {  	[tilespmem:s16], [sflag:$0x1] =	stream.indirect_vreg.gather [hbm4b:s1+s3], $0x80, v3, vm0, $0xb8;
	[tilespmem:$0x8200] =	vst v63  }
0x8a: {  	v3 =	vld [tilespmem:$0xB0];
	_ =	sdelay $0x4  }
0x8b: {  	v43 =	vshll.u32 v3, $0x1  }
0x8c: {  	v3 =	vand.u32 $0x7, v3;
	v4 =	vand.u32 $0xFFFFFFF0, v43  }
0x8d: {  	v3 =	vor.u32 v3, v4  }
0x8e: {  	v4 =	vperm.xlane v3, v0;
	_ =	sdelay $0x1  }
0x8f: {  	v3 =	vperm.xlane v3, v2;
	v4 =	vadd.s32 v1, v4;
	_ =	sdelay $0x1  }
0x90: {  	v3 =	vadd.s32 v1, v3;
	_ =	sdelay $0x2  }
0x91: {  	[tilespmem:s17], [sflag:$0x1] =	stream.indirect_vreg.gather [hbm4b:s1+s3], $0x80, v4, vm0, $0xb8;
	[tilespmem:$0x8200] =	vst v63  }
0x92: {  	_ = 	snop  }
0x93: {  	[tilespmem:s18], [sflag:$0x1] =	stream.indirect_vreg.gather [hbm4b:s1+s3], $0x80, v3, vm0, $0xb8;
	[tilespmem:$0x8200] =	vst v63  }
0x94: {  	v3 =	vld [tilespmem:$0xC0];
	_ =	sdelay $0x4  }
0x95: {  	v44 =	vshll.u32 v3, $0x1  }
0x96: {  	v3 =	vand.u32 $0x7, v3;
	v4 =	vand.u32 $0xFFFFFFF0, v44  }
0x97: {  	v3 =	vor.u32 v3, v4  }
0x98: {  	v4 =	vperm.xlane v3, v0;
	_ =	sdelay $0x1  }
0x99: {  	v3 =	vperm.xlane v3, v2;
	v4 =	vadd.s32 v1, v4;
	_ =	sdelay $0x1  }
0x9a: {  	v3 =	vadd.s32 v1, v3;
	_ =	sdelay $0x2  }
0x9b: {  	[tilespmem:s19], [sflag:$0x1] =	stream.indirect_vreg.gather [hbm4b:s1+s3], $0x80, v4, vm0, $0xb8;
	[tilespmem:$0x8200] =	vst v63  }
0x9c: {  	_ = 	snop  }
0x9d: {  	[tilespmem:s20], [sflag:$0x1] =	stream.indirect_vreg.gather [hbm4b:s1+s3], $0x80, v3, vm0, $0xb8;
	[tilespmem:$0x8200] =	vst v63  }
0x9e: {  	v3 =	vld [tilespmem:$0xD0];
	_ =	sdelay $0x4  }
0x9f: {  	v45 =	vshll.u32 v3, $0x1  }
0xa0: {  	v3 =	vand.u32 $0x7, v3;
	v4 =	vand.u32 $0xFFFFFFF0, v45  }
0xa1: {  	v3 =	vor.u32 v3, v4  }
0xa2: {  	v4 =	vperm.xlane v3, v0;
	_ =	sdelay $0x1  }
0xa3: {  	v3 =	vperm.xlane v3, v2;
	v4 =	vadd.s32 v1, v4;
	_ =	sdelay $0x1  }
0xa4: {  	v3 =	vadd.s32 v1, v3;
	_ =	sdelay $0x2  }
0xa5: {  	[tilespmem:s21], [sflag:$0x1] =	stream.indirect_vreg.gather [hbm4b:s1+s3], $0x80, v4, vm0, $0xb8;
	[tilespmem:$0x8200] =	vst v63  }
0xa6: {  	_ = 	snop  }
0xa7: {  	[tilespmem:s22], [sflag:$0x1] =	stream.indirect_vreg.gather [hbm4b:s1+s3], $0x80, v3, vm0, $0xb8;
	[tilespmem:$0x8200] =	vst v63  }
0xa8: {  	v3 =	vld [tilespmem:$0xE0];
	_ =	sdelay $0x4  }
0xa9: {  	v46 =	vshll.u32 v3, $0x1  }
0xaa: {  	v3 =	vand.u32 $0x7, v3;
	v4 =	vand.u32 $0xFFFFFFF0, v46  }
0xab: {  	v3 =	vor.u32 v3, v4  }
0xac: {  	v4 =	vperm.xlane v3, v0;
	_ =	sdelay $0x1  }
0xad: {  	v3 =	vperm.xlane v3, v2;
	v4 =	vadd.s32 v1, v4;
	_ =	sdelay $0x1  }
0xae: {  	v3 =	vadd.s32 v1, v3;
	_ =	sdelay $0x2  }
0xaf: {  	[tilespmem:s23], [sflag:$0x1] =	stream.indirect_vreg.gather [hbm4b:s1+s3], $0x80, v4, vm0, $0xb8;
	[tilespmem:$0x8200] =	vst v63  }
0xb0: {  	_ = 	snop  }
0xb1: {  	[tilespmem:s24], [sflag:$0x1] =	stream.indirect_vreg.gather [hbm4b:s1+s3], $0x80, v3, vm0, $0xb8;
	[tilespmem:$0x8200] =	vst v63  }
0xb2: {  	v3 =	vld [tilespmem:$0xF0];
	_ =	sdelay $0x4  }
0xb3: {  	v47 =	vshll.u32 v3, $0x1  }
0xb4: {  	v3 =	vand.u32 $0x7, v3;
	v4 =	vand.u32 $0xFFFFFFF0, v47  }
0xb5: {  	v3 =	vor.u32 v3, v4  }
0xb6: {  	v4 =	vperm.xlane v3, v0;
	_ =	sdelay $0x1  }
0xb7: {  	v3 =	vperm.xlane v3, v2;
	v4 =	vadd.s32 v1, v4;
	_ =	sdelay $0x1  }
0xb8: {  	v3 =	vadd.s32 v1, v3;
	_ =	sdelay $0x2  }
0xb9: {  	[tilespmem:s25], [sflag:$0x1] =	stream.indirect_vreg.gather [hbm4b:s1+s3], $0x80, v4, vm0, $0xb8;
	[tilespmem:$0x8200] =	vst v63  }
0xba: {  	_ = 	snop  }
0xbb: {  	[tilespmem:s26], [sflag:$0x1] =	stream.indirect_vreg.gather [hbm4b:s1+s3], $0x80, v3, vm0, $0xb8;
	[tilespmem:$0x8200] =	vst v63  }
0xbc: {  	_ =	swait.ge [sflag:s28], $0x8000  }
0xbd: {  	[sflag:s28] =	ssyncset.done $0x0  }
0xbe: {  	[sflag:s28] =	ssyncadd.s32 $0xFFFF8000  }
0xbf: {  	[hbm4b:s6+s3] =	stream.linear.scatter [tilespmem:s11], [sflag:$0x2], $0x8000, $0x38;
	[tilespmem:$0x8200] =	vst v63  }
0xc0: {  	_ =	swait.ge [sflag:s10], $0x8000  }
0xc1: {  	[sflag:s10] =	ssyncset.done $0x0  }
0xc2: {  	[sflag:s10] =	ssyncadd.s32 $0xFFFF8000  }
0xc3: {  	v3 =	vld [tilespmem:$0x100];
	_ =	sdelay $0x4  }
0xc4: {  	v48 =	vshll.u32 v3, $0x1  }
0xc5: {  	v3 =	vand.u32 $0x7, v3;
	v4 =	vand.u32 $0xFFFFFFF0, v48  }
0xc6: {  	v3 =	vor.u32 v3, v4  }
0xc7: {  	v4 =	vperm.xlane v3, v0;
	_ =	sdelay $0x1  }
0xc8: {  	v3 =	vperm.xlane v3, v2;
	v4 =	vadd.s32 v1, v4;
	_ =	sdelay $0x1  }
0xc9: {  	v3 =	vadd.s32 v1, v3;
	_ =	sdelay $0x2  }
0xca: {  	[tilespmem:s11], [sflag:$0x1] =	stream.indirect_vreg.gather [hbm4b:s1+s3], $0x80, v4, vm0, $0xb8;
	[tilespmem:$0x8200] =	vst v63  }
0xcb: {  	_ = 	snop  }
0xcc: {  	[tilespmem:s12], [sflag:$0x1] =	stream.indirect_vreg.gather [hbm4b:s1+s3], $0x80, v3, vm0, $0xb8;
	[tilespmem:$0x8200] =	vst v63  }
0xcd: {  	v3 =	vld [tilespmem:$0x110];
	_ =	sdelay $0x4  }
0xce: {  	v49 =	vshll.u32 v3, $0x1  }
0xcf: {  	v3 =	vand.u32 $0x7, v3;
	v4 =	vand.u32 $0xFFFFFFF0, v49  }
0xd0: {  	v3 =	vor.u32 v3, v4  }
0xd1: {  	v4 =	vperm.xlane v3, v0;
	_ =	sdelay $0x1  }
0xd2: {  	v3 =	vperm.xlane v3, v2;
	v4 =	vadd.s32 v1, v4;
	_ =	sdelay $0x1  }
0xd3: {  	v3 =	vadd.s32 v1, v3;
	_ =	sdelay $0x2  }
0xd4: {  	[tilespmem:s13], [sflag:$0x1] =	stream.indirect_vreg.gather [hbm4b:s1+s3], $0x80, v4, vm0, $0xb8;
	[tilespmem:$0x8200] =	vst v63  }
0xd5: {  	_ = 	snop  }
0xd6: {  	[tilespmem:s14], [sflag:$0x1] =	stream.indirect_vreg.gather [hbm4b:s1+s3], $0x80, v3, vm0, $0xb8;
	[tilespmem:$0x8200] =	vst v63  }
0xd7: {  	v3 =	vld [tilespmem:$0x120];
	_ =	sdelay $0x4  }
0xd8: {  	v50 =	vshll.u32 v3, $0x1  }
0xd9: {  	v3 =	vand.u32 $0x7, v3;
	v4 =	vand.u32 $0xFFFFFFF0, v50  }
0xda: {  	v3 =	vor.u32 v3, v4  }
0xdb: {  	v4 =	vperm.xlane v3, v0;
	_ =	sdelay $0x1  }
0xdc: {  	v3 =	vperm.xlane v3, v2;
	v4 =	vadd.s32 v1, v4;
	_ =	sdelay $0x1  }
0xdd: {  	v3 =	vadd.s32 v1, v3;
	_ =	sdelay $0x2  }
0xde: {  	[tilespmem:s15], [sflag:$0x1] =	stream.indirect_vreg.gather [hbm4b:s1+s3], $0x80, v4, vm0, $0xb8;
	[tilespmem:$0x8200] =	vst v63  }
0xdf: {  	_ = 	snop  }
0xe0: {  	[tilespmem:s16], [sflag:$0x1] =	stream.indirect_vreg.gather [hbm4b:s1+s3], $0x80, v3, vm0, $0xb8;
	[tilespmem:$0x8200] =	vst v63  }
0xe1: {  	v3 =	vld [tilespmem:$0x130];
	_ =	sdelay $0x4  }
0xe2: {  	v51 =	vshll.u32 v3, $0x1  }
0xe3: {  	v3 =	vand.u32 $0x7, v3;
	v4 =	vand.u32 $0xFFFFFFF0, v51  }
0xe4: {  	v3 =	vor.u32 v3, v4  }
0xe5: {  	v4 =	vperm.xlane v3, v0;
	_ =	sdelay $0x1  }
0xe6: {  	v3 =	vperm.xlane v3, v2;
	v4 =	vadd.s32 v1, v4;
	_ =	sdelay $0x1  }
0xe7: {  	v3 =	vadd.s32 v1, v3;
	_ =	sdelay $0x2  }
0xe8: {  	[tilespmem:s17], [sflag:$0x1] =	stream.indirect_vreg.gather [hbm4b:s1+s3], $0x80, v4, vm0, $0xb8;
	[tilespmem:$0x8200] =	vst v63  }
0xe9: {  	_ = 	snop  }
0xea: {  	[tilespmem:s18], [sflag:$0x1] =	stream.indirect_vreg.gather [hbm4b:s1+s3], $0x80, v3, vm0, $0xb8;
	[tilespmem:$0x8200] =	vst v63  }
0xeb: {  	v3 =	vld [tilespmem:$0x140];
	_ =	sdelay $0x4  }
0xec: {  	v52 =	vshll.u32 v3, $0x1  }
0xed: {  	v3 =	vand.u32 $0x7, v3;
	v4 =	vand.u32 $0xFFFFFFF0, v52  }
0xee: {  	v3 =	vor.u32 v3, v4  }
0xef: {  	v4 =	vperm.xlane v3, v0;
	_ =	sdelay $0x1  }
0xf0: {  	v3 =	vperm.xlane v3, v2;
	v4 =	vadd.s32 v1, v4;
	_ =	sdelay $0x1  }
0xf1: {  	v3 =	vadd.s32 v1, v3;
	_ =	sdelay $0x2  }
0xf2: {  	[tilespmem:s19], [sflag:$0x1] =	stream.indirect_vreg.gather [hbm4b:s1+s3], $0x80, v4, vm0, $0xb8;
	[tilespmem:$0x8200] =	vst v63  }
0xf3: {  	_ = 	snop  }
0xf4: {  	[tilespmem:s20], [sflag:$0x1] =	stream.indirect_vreg.gather [hbm4b:s1+s3], $0x80, v3, vm0, $0xb8;
	[tilespmem:$0x8200] =	vst v63  }
0xf5: {  	v3 =	vld [tilespmem:$0x150];
	_ =	sdelay $0x4  }
0xf6: {  	v53 =	vshll.u32 v3, $0x1  }
0xf7: {  	v3 =	vand.u32 $0x7, v3;
	v4 =	vand.u32 $0xFFFFFFF0, v53  }
0xf8: {  	v3 =	vor.u32 v3, v4  }
0xf9: {  	v4 =	vperm.xlane v3, v0;
	_ =	sdelay $0x1  }
0xfa: {  	v3 =	vperm.xlane v3, v2;
	v4 =	vadd.s32 v1, v4;
	_ =	sdelay $0x1  }
0xfb: {  	v3 =	vadd.s32 v1, v3;
	_ =	sdelay $0x2  }
0xfc: {  	[tilespmem:s21], [sflag:$0x1] =	stream.indirect_vreg.gather [hbm4b:s1+s3], $0x80, v4, vm0, $0xb8;
	[tilespmem:$0x8200] =	vst v63  }
0xfd: {  	_ = 	snop  }
0xfe: {  	[tilespmem:s22], [sflag:$0x1] =	stream.indirect_vreg.gather [hbm4b:s1+s3], $0x80, v3, vm0, $0xb8;
	[tilespmem:$0x8200] =	vst v63  }
0xff: {  	v3 =	vld [tilespmem:$0x160];
	_ =	sdelay $0x4  }
0x100: {  	v54 =	vshll.u32 v3, $0x1  }
0x101: {  	v3 =	vand.u32 $0x7, v3;
	v4 =	vand.u32 $0xFFFFFFF0, v54  }
0x102: {  	v3 =	vor.u32 v3, v4  }
0x103: {  	v4 =	vperm.xlane v3, v0;
	_ =	sdelay $0x1  }
0x104: {  	v3 =	vperm.xlane v3, v2;
	v4 =	vadd.s32 v1, v4;
	_ =	sdelay $0x1  }
0x105: {  	v3 =	vadd.s32 v1, v3;
	_ =	sdelay $0x2  }
0x106: {  	[tilespmem:s23], [sflag:$0x1] =	stream.indirect_vreg.gather [hbm4b:s1+s3], $0x80, v4, vm0, $0xb8;
	[tilespmem:$0x8200] =	vst v63  }
0x107: {  	_ = 	snop  }
0x108: {  	[tilespmem:s24], [sflag:$0x1] =	stream.indirect_vreg.gather [hbm4b:s1+s3], $0x80, v3, vm0, $0xb8;
	[tilespmem:$0x8200] =	vst v63  }
0x109: {  	v3 =	vld [tilespmem:$0x170];
	_ =	sdelay $0x4  }
0x10a: {  	v55 =	vshll.u32 v3, $0x1  }
0x10b: {  	v3 =	vand.u32 $0x7, v3;
	v4 =	vand.u32 $0xFFFFFFF0, v55  }
0x10c: {  	v3 =	vor.u32 v3, v4  }
0x10d: {  	v4 =	vperm.xlane v3, v0;
	_ =	sdelay $0x1  }
0x10e: {  	v3 =	vperm.xlane v3, v2;
	v4 =	vadd.s32 v1, v4;
	_ =	sdelay $0x1  }
0x10f: {  	v3 =	vadd.s32 v1, v3;
	_ =	sdelay $0x2  }
0x110: {  	[tilespmem:s25], [sflag:$0x1] =	stream.indirect_vreg.gather [hbm4b:s1+s3], $0x80, v4, vm0, $0xb8;
	[tilespmem:$0x8200] =	vst v63  }
0x111: {  	_ = 	snop  }
0x112: {  	[tilespmem:s26], [sflag:$0x1] =	stream.indirect_vreg.gather [hbm4b:s1+s3], $0x80, v3, vm0, $0xb8;
	[tilespmem:$0x8200] =	vst v63  }
0x113: {  	_ =	swait.ge [sflag:s28], $0x8000  }
0x114: {  	[sflag:s28] =	ssyncset.done $0x0  }
0x115: {  	[sflag:s28] =	ssyncadd.s32 $0xFFFF8000  }
0x116: {  	[hbm4b:s7+s3] =	stream.linear.scatter [tilespmem:s11], [sflag:$0x2], $0x8000, $0x38;
	[tilespmem:$0x8200] =	vst v63  }
0x117: {  	_ =	swait.ge [sflag:s10], $0x8000  }
0x118: {  	[sflag:s10] =	ssyncset.done $0x0  }
0x119: {  	[sflag:s10] =	ssyncadd.s32 $0xFFFF8000  }
0x11a: {  	v3 =	vld [tilespmem:$0x180];
	_ =	sdelay $0x4  }
0x11b: {  	v56 =	vshll.u32 v3, $0x1  }
0x11c: {  	v3 =	vand.u32 $0x7, v3;
	v4 =	vand.u32 $0xFFFFFFF0, v56  }
0x11d: {  	v3 =	vor.u32 v3, v4  }
0x11e: {  	v4 =	vperm.xlane v3, v0;
	_ =	sdelay $0x1  }
0x11f: {  	v3 =	vperm.xlane v3, v2;
	v4 =	vadd.s32 v1, v4;
	_ =	sdelay $0x1  }
0x120: {  	v3 =	vadd.s32 v1, v3;
	_ =	sdelay $0x2  }
0x121: {  	[tilespmem:s11], [sflag:$0x1] =	stream.indirect_vreg.gather [hbm4b:s1+s3], $0x80, v4, vm0, $0xb8;
	[tilespmem:$0x8200] =	vst v63  }
0x122: {  	_ = 	snop  }
0x123: {  	[tilespmem:s12], [sflag:$0x1] =	stream.indirect_vreg.gather [hbm4b:s1+s3], $0x80, v3, vm0, $0xb8;
	[tilespmem:$0x8200] =	vst v63  }
0x124: {  	v3 =	vld [tilespmem:$0x190];
	_ =	sdelay $0x4  }
0x125: {  	v57 =	vshll.u32 v3, $0x1  }
0x126: {  	v3 =	vand.u32 $0x7, v3;
	v4 =	vand.u32 $0xFFFFFFF0, v57  }
0x127: {  	v3 =	vor.u32 v3, v4  }
0x128: {  	v4 =	vperm.xlane v3, v0;
	_ =	sdelay $0x1  }
0x129: {  	v3 =	vperm.xlane v3, v2;
	v4 =	vadd.s32 v1, v4;
	_ =	sdelay $0x1  }
0x12a: {  	v3 =	vadd.s32 v1, v3;
	_ =	sdelay $0x2  }
0x12b: {  	[tilespmem:s13], [sflag:$0x1] =	stream.indirect_vreg.gather [hbm4b:s1+s3], $0x80, v4, vm0, $0xb8;
	[tilespmem:$0x8200] =	vst v63  }
0x12c: {  	_ = 	snop  }
0x12d: {  	[tilespmem:s14], [sflag:$0x1] =	stream.indirect_vreg.gather [hbm4b:s1+s3], $0x80, v3, vm0, $0xb8;
	[tilespmem:$0x8200] =	vst v63  }
0x12e: {  	v3 =	vld [tilespmem:$0x1A0];
	_ =	sdelay $0x4  }
0x12f: {  	v58 =	vshll.u32 v3, $0x1  }
0x130: {  	v3 =	vand.u32 $0x7, v3;
	v4 =	vand.u32 $0xFFFFFFF0, v58  }
0x131: {  	v3 =	vor.u32 v3, v4  }
0x132: {  	v4 =	vperm.xlane v3, v0;
	_ =	sdelay $0x1  }
0x133: {  	v3 =	vperm.xlane v3, v2;
	v4 =	vadd.s32 v1, v4;
	_ =	sdelay $0x1  }
0x134: {  	v3 =	vadd.s32 v1, v3;
	_ =	sdelay $0x2  }
0x135: {  	[tilespmem:s15], [sflag:$0x1] =	stream.indirect_vreg.gather [hbm4b:s1+s3], $0x80, v4, vm0, $0xb8;
	[tilespmem:$0x8200] =	vst v63  }
0x136: {  	_ = 	snop  }
0x137: {  	[tilespmem:s16], [sflag:$0x1] =	stream.indirect_vreg.gather [hbm4b:s1+s3], $0x80, v3, vm0, $0xb8;
	[tilespmem:$0x8200] =	vst v63  }
0x138: {  	v3 =	vld [tilespmem:$0x1B0];
	_ =	sdelay $0x4  }
0x139: {  	v59 =	vshll.u32 v3, $0x1  }
0x13a: {  	v3 =	vand.u32 $0x7, v3;
	v4 =	vand.u32 $0xFFFFFFF0, v59  }
0x13b: {  	v3 =	vor.u32 v3, v4  }
0x13c: {  	v4 =	vperm.xlane v3, v0;
	_ =	sdelay $0x1  }
0x13d: {  	v3 =	vperm.xlane v3, v2;
	v4 =	vadd.s32 v1, v4;
	_ =	sdelay $0x1  }
0x13e: {  	v3 =	vadd.s32 v1, v3;
	_ =	sdelay $0x2  }
0x13f: {  	[tilespmem:s17], [sflag:$0x1] =	stream.indirect_vreg.gather [hbm4b:s1+s3], $0x80, v4, vm0, $0xb8;
	[tilespmem:$0x8200] =	vst v63  }
0x140: {  	_ = 	snop  }
0x141: {  	[tilespmem:s18], [sflag:$0x1] =	stream.indirect_vreg.gather [hbm4b:s1+s3], $0x80, v3, vm0, $0xb8;
	[tilespmem:$0x8200] =	vst v63  }
0x142: {  	v3 =	vld [tilespmem:$0x1C0];
	_ =	sdelay $0x4  }
0x143: {  	v60 =	vshll.u32 v3, $0x1  }
0x144: {  	v3 =	vand.u32 $0x7, v3;
	v4 =	vand.u32 $0xFFFFFFF0, v60  }
0x145: {  	v3 =	vor.u32 v3, v4  }
0x146: {  	v4 =	vperm.xlane v3, v0;
	_ =	sdelay $0x1  }
0x147: {  	v3 =	vperm.xlane v3, v2;
	v4 =	vadd.s32 v1, v4;
	_ =	sdelay $0x1  }
0x148: {  	v3 =	vadd.s32 v1, v3;
	_ =	sdelay $0x2  }
0x149: {  	[tilespmem:s19], [sflag:$0x1] =	stream.indirect_vreg.gather [hbm4b:s1+s3], $0x80, v4, vm0, $0xb8;
	[tilespmem:$0x8200] =	vst v63  }
0x14a: {  	_ = 	snop  }
0x14b: {  	[tilespmem:s20], [sflag:$0x1] =	stream.indirect_vreg.gather [hbm4b:s1+s3], $0x80, v3, vm0, $0xb8;
	[tilespmem:$0x8200] =	vst v63  }
0x14c: {  	v3 =	vld [tilespmem:$0x1D0];
	_ =	sdelay $0x4  }
0x14d: {  	v61 =	vshll.u32 v3, $0x1  }
0x14e: {  	v3 =	vand.u32 $0x7, v3;
	v4 =	vand.u32 $0xFFFFFFF0, v61  }
0x14f: {  	v3 =	vor.u32 v3, v4  }
0x150: {  	v4 =	vperm.xlane v3, v0;
	_ =	sdelay $0x1  }
0x151: {  	v3 =	vperm.xlane v3, v2;
	v4 =	vadd.s32 v1, v4;
	_ =	sdelay $0x1  }
0x152: {  	v3 =	vadd.s32 v1, v3;
	_ =	sdelay $0x2  }
0x153: {  	[tilespmem:s21], [sflag:$0x1] =	stream.indirect_vreg.gather [hbm4b:s1+s3], $0x80, v4, vm0, $0xb8;
	[tilespmem:$0x8200] =	vst v63  }
0x154: {  	_ = 	snop  }
0x155: {  	[tilespmem:s22], [sflag:$0x1] =	stream.indirect_vreg.gather [hbm4b:s1+s3], $0x80, v3, vm0, $0xb8;
	[tilespmem:$0x8200] =	vst v63  }
0x156: {  	v3 =	vld [tilespmem:$0x1E0];
	_ =	sdelay $0x4  }
0x157: {  	v62 =	vshll.u32 v3, $0x1  }
0x158: {  	v3 =	vand.u32 $0x7, v3;
	v4 =	vand.u32 $0xFFFFFFF0, v62  }
0x159: {  	v3 =	vor.u32 v3, v4  }
0x15a: {  	v4 =	vperm.xlane v3, v0;
	_ =	sdelay $0x1  }
0x15b: {  	v3 =	vperm.xlane v3, v2;
	v4 =	vadd.s32 v1, v4;
	_ =	sdelay $0x1  }
0x15c: {  	v3 =	vadd.s32 v1, v3;
	_ =	sdelay $0x2  }
0x15d: {  	[tilespmem:s23], [sflag:$0x1] =	stream.indirect_vreg.gather [hbm4b:s1+s3], $0x80, v4, vm0, $0xb8;
	[tilespmem:$0x8200] =	vst v63  }
0x15e: {  	_ = 	snop  }
0x15f: {  	[tilespmem:s24], [sflag:$0x1] =	stream.indirect_vreg.gather [hbm4b:s1+s3], $0x80, v3, vm0, $0xb8;
	[tilespmem:$0x8200] =	vst v63  }
0x160: {  	v3 =	vld [tilespmem:$0x1F0];
	_ =	sdelay $0x4  }
0x161: {  	v63 =	vshll.u32 v3, $0x1  }
0x162: {  	v3 =	vand.u32 $0x7, v3;
	v4 =	vand.u32 $0xFFFFFFF0, v63  }
0x163: {  	v3 =	vor.u32 v3, v4  }
0x164: {  	v4 =	vperm.xlane v3, v0;
	_ =	sdelay $0x1  }
0x165: {  	v3 =	vperm.xlane v3, v2;
	v4 =	vadd.s32 v1, v4;
	_ =	sdelay $0x1  }
0x166: {  	v3 =	vadd.s32 v1, v3;
	_ =	sdelay $0x2  }
0x167: {  	[tilespmem:s25], [sflag:$0x1] =	stream.indirect_vreg.gather [hbm4b:s1+s3], $0x80, v4, vm0, $0xb8;
	[tilespmem:$0x8200] =	vst v63  }
0x168: {  	_ = 	snop  }
0x169: {  	[tilespmem:s26], [sflag:$0x1] =	stream.indirect_vreg.gather [hbm4b:s1+s3], $0x80, v3, vm0, $0xb8;
	[tilespmem:$0x8200] =	vst v63  }
0x16a: {  	_ =	swait.ge [sflag:s28], $0x8000  }
0x16b: {  	p0 =	sne.s32 s9, $0x1;
	[sflag:s28] =	ssyncset.done $0x0  }
.Ltmp0:
0x16c: {  	[sflag:s28] =	ssyncadd.s32 $0xFFFF8000;
	(pc) =	sbr.rel @p0 .LBB2_1-.Ltmp0, $4  }
0x16d: {  	[hbm4b:s8+s3] =	stream.linear.scatter [tilespmem:s11], [sflag:$0x2], $0x8000, $0x38;
	[tilespmem:$0x8200] =	vst v63  }
0x16e: {  	_ =	swait.ge [sflag:s10], $0x8000  }
0x16f: {  	[sflag:s10] =	ssyncset.done $0x0  }
0x170: {  	s9 =	sadd.s32 $0xFFFFFFFF, s9;
	[sflag:s10] =	ssyncadd.s32 $0xFFFF8000  }
0x171: {  	_ =	sfence.sel $0x180000  }
0x172: {  	[bflag:$0x0] =	sbarrier.arrive $0xFFFF  }
0x173: {  	p0 =	sne.s32 s2, $0x0;
	_ =	strace $0x9000004A  }
0x174: {  	s0 =	sadd.s32 @!p0 $0x100000, s0;
	[bflag:$0x2] =	sbarrier.arrive $0xFFFF  }
0x175: {  	[sflag:s0] =	ssyncadd.tile.s32 @!p0 $0x1;
	_ =	shalt  }
.Lfunc_end2:
_tile_overlayer_lowered:
.L_overlay_start_2:
0x176: {  	(tag) =	ssettag $0x2  }
0x177: {  	s0 =	rddreg [dreg:$0x0];
	s2 =	stileid.u32  }
0x178: {  	s1 =	rddreg [dreg:$0x1];
	p0 =	sne.s32 s2, $0x0  }
0x179: {  	s3 =	rddreg [dreg:$0x2];
	[bflag:$0x3] =	sbarrier.arrive $0xFFFF;
	s2 =	simm.s32 @!p0 $0x1C02  }
0x17a: {  	[timem:s3], [sflag:s2] =	dma.local @!p0 [hbm:s0], s1  }
0x17b: {  	s0 =	simm.s32 @!p0 $0x2  }
0x17c: {  	_ =	swait.ge @!p0 [sflag:s0], s1  }
0x17d: {  	s1 =	ssub.s32 @!p0 $0x0, s1;
	[sflag:s0] =	ssyncset.done @!p0 $0x0  }
0x17e: {  	[sflag:s0] =	ssyncadd.s32 @!p0 s1  }
0x17f: {  	[bflag:$0x3] =	sbarrier.arrive $0xFFFF  }
0x180: {  	_ =	shalt  }

// kernel: sparse-core-data-format-call.1.cloned.1.call-start
scs
called_computation.1_lowered:
.L_overlay_start_0:
0x0: {  	s2 =	sld [smem:$0x3FD9]  }
0x1: {  	s3 =	sld [smem:$0x3FFE];
	_ =	sdelay $0x1  }
0x2: {  	s1 =	srdreg.scid  }
0x3: {  	s0 =	sand.u32 $0x1, s1  }
0x4: {  	s16 =	sshll.u32 s0, $0xA;
	s2 =	sadd.s32 s3, s2  }
0x5: {  	s2 =	sadd.s32 s2, s16  }
0x6: {  	[smem:$0x3FB8] =	sst s2  }
0x7: {  	_ = 	snop  }
0x8: {  	s2 =	sld [smem:$0x3FD0];
	_ =	sdelay $0x2  }
0x9: {  	s4 =	simm.s32 $0xA;
	s5 =	simm.s32 $0x10;
	s17 =	sld [smem:$0x3FC9]  }
0xa: {  	[smem:s5], [sflag:s4] =	dma.local [hbm:s2], $0x1  }
0xb: {  	_ =	swait.eq [sflag:s4], $0x1  }
0xc: {  	[sflag:s4] =	ssyncset.done $0x0  }
0xd: {  	[sflag:s4] =	ssyncadd.s32 $0xFFFFFFFF  }
0xe: {  	s18 =	sld [smem:$0x10];
	(tm) =	ssettm $0x1  }
0xf: {  	s19 =	sld [smem:$0x3FFB];
	_ =	sdelay $0x3  }
0x10: {  	_ =	strace s19  }
0x11: {  	s4 =	sld [smem:$0x3FFC];
	_ =	sdelay $0x3  }
0x12: {  	_ =	strace s4  }
0x13: {  	s4 =	sld [smem:$0x3FFD];
	_ =	sdelay $0x3  }
0x14: {  	_ =	strace s4  }
0x15: {  	_ =	strace $0x8FFFFFFF  }
0x16: {  	s20 =	sld [smem:$0x3FDB];
	_ =	sdelay $0x1  }
0x17: {  	s21 =	simm.s32 $_scs_section_size  }
0x18: {  	s6 =	simm.s32 $_size__tile_overlayer_lowered;
	s7 =	simm.s32 $_tile_overlayer_lowered  }
0x19: {  	s24 =	simm.s32 $0x1BFF;
	s23 =	sshll.u32 s7, $0x1;
	s4 =	sadd.s32 s21, s20  }
0x1a: {  	s8 =	simm.s32 $0x0;
	s22 =	sshll.u32 s6, $0x1;
	s6 =	sadd.s32 s23, s4  }
0x1b: {  	[timem:s8], [sflag:s24] =	dma.local [hbm:s6], s22  }
0x1c: {  	_ =	swait.ge [sflag:s24], s22  }
0x1d: {  	s5 =	ssub.s32 $0x0, s22;
	[sflag:s24] =	ssyncset.done $0x0  }
0x1e: {  	[sflag:s24] =	ssyncadd.s32 s5;
	_ =	sdelay $0x1  }
0x1f: {  	s25 =	simm.s32 $0x1B8B  }
0x20: {  	_ =	swait.ge [sflag:s25], $0x1  }
0x21: {  	[sflag:s25] =	ssyncset.done $0x0  }
0x22: {  	s26 =	simm.s32 $0x1B8E;
	[sflag:s25] =	ssyncadd.s32 $0xFFFFFFFF  }
0x23: {  	s27 =	simm.s32 $execute0_lowered;
	[smem:$0x3FD2] =	sst s26  }
0x24: {  	s5 =	sshll.u32 s27, $0x1;
	_ =	strace $0x80000046;
	[dreg:$0x1] =	wrdreg $0xFFFFFFFF  }
0x25: {  	s28 =	simm.s32 $_size_execute0_lowered;
	s4 =	sadd.s32 s4, s5;
	[dreg:$0x0] =	wrdreg $0x0  }
0x26: {  	s5 =	sshll.u32 s28, $0x1;
	[dreg:$0x2] =	wrdreg s4  }
0x27: {  	[dreg:$0x3] =	wrdreg s5  }
0x28: {  	[dreg:$0x4] =	wrdreg $0xC0  }
0x29: {  	_ =	task [dreg:s8], $0x5FFFF  }
0x2a: {  	[dreg:$0x1] =	wrdreg $0xFFFFFFFF  }
0x2b: {  	[dreg:$0x0] =	wrdreg $0x60  }
0x2c: {  	[dreg:$0x2] =	wrdreg s17  }
0x2d: {  	[dreg:$0x3] =	wrdreg s18  }
0x2e: {  	[dreg:$0x4] =	wrdreg $0x9  }
0x2f: {  	_ =	task.clear_ibuf [dreg:s8], $0x5FFFF;
	_ =	strace $0x90000046  }
0x30: {  	s29 =	simm.s32 $0x9;
	_ =	strace $0x80000048  }
0x31: {  	_ =	swait.ge [sflag:s29], $0x1  }
0x32: {  	[sflag:s29] =	ssyncadd.s32 $0xFFFFFFFF  }
0x33: {  	_ =	strace $0x90000048  }
0x34: {  	_ =	sfence  }
0x35: {  	s30 =	sld [smem:$0x0];
	_ =	sdelay $0x2  }
0x36: {  	s31 =	sshll.u32 s1, $0xD;
	s1 =	sshrl.u32 s1, $0x2  }
0x37: {  	s3 =	sand.u32 $0x4000, s31;
	s1 =	sadd.s32 s1, s30  }
0x38: {  	s0 =	sor.u32 s3, s0;
	s1 =	sshll.u32 s1, $0x11  }
0x39: {  	s0 =	sor.u32 s1, s0  }
0x3a: {  	s0 =	sadd.s32 $0x8F2B, s0  }
0x3b: {  	[sflag:s0] =	ssyncadd.remote.s32 $0x1  }
0x3c: {  	_ =	sfence.sel $0xFFFF  }
0x3d: {  	[dreg:$0x0] =	wrdreg $0xFFFFFFFF;
	(pc) =	sbr.abs _section_cstart, $3  }
0x3e: {  	[dreg:$0x1] =	wrdreg $0xFFFFFFFF  }
0x3f: {  	_ =	task.clear_ibuf [dreg:s8], $0x2FFFF;
	_ =	strace $0x9FFFFFFF  }
0x40: {  	(tm) =	ssettm $0x7FFFFFFF  }
0x41: {  	_ =	shalt  }
tec
execute0_lowered:
.L_overlay_start_1:
0x0: {  	(tag) =	ssettag $0x1  }
0x1: {  	s0 =	stileid.u32;
	s1 =	srdreg.scid;
	s31 =	simm.s32 $0x2  }
0x2: {  	s15 =	simm.s32 $0x0;
	s2 =	sshll.u32 s0, $0x3;
	s1 =	sshll.u32 s1, $0x7  }
0x3: {  	s10 =	simm.s32 $0x120000;
	s11 =	simm.s32 $0x0;
	s1 =	sor.u32 s2, s1  }
0x4: {  	s16 =	simm.s32 $0x0;
	s3 =	sand.u32 $0x1, s0;
	s1 =	sand.u32 $0xF0, s1  }
0x5: {  	s14 =	simm.s32 $0x0;
	s6 =	ssub.s32 $0x2, s3;
	s4 =	ssub.s32 $0x1200, s1  }
0x6: {  	s22 =	simm.s32 $0x0;
	s8 =	sshrl.u32 s6, $0x1;
	s7 =	sand.u32 $0xF0, s4  }
0x7: {  	s6 =	sand.u32 $0x1, s6;
	p0 =	sne.s32 s7, $0x0;
	s7 =	simm.s32 $0x1  }
.Ltmp0:
0x8: {  	s9 =	sshrl.u32 s4, $0x8;
	s7 =	simm.s32 @!p0 $0x0;
	(pc) =	sbr.rel .LBB1_1-.Ltmp0, $4  }
0x9: {  	s2 =	rddreg [dreg:$0x0];
	s8 =	sadd.s32 s6, s8;
	s7 =	sadd.s32 s7, s9  }
0xa: {  	_ =	strace $0x80000047;
	s6 =	simm.s32 $0x1;
	s7 =	smul.u32 s8, s7  }
0xb: {  	s13 =	smov.u32 s3;
	s12 =	smov.u32 s1;
	[sflag:s6] =	ssyncpa.u1 $0x0  }
0xc: {  	[sflag:s31] =	ssyncpa.u1 $0x0;
	s9 =	simm.s32 $0x1000;
	s8 =	sadd.s32 $0x1, s7  }
.LBB1_7:
0xd: {  	s0 =	sadd.s32 $0x100, s12  }
0xe: {  	s5 =	sadd.s32 $0x2, s13;
	s17 =	smov.u32 s13;
	p1 =	sgt.s32 s0, $0x11FF  }
0xf: {  	s17 =	smov.u32 @p1 s5  }
0x10: {  	s0 =	smov.u32 @p1 s1;
	p1 =	sgt.s32 s17, $0x1  }
0x11: {  	s17 =	smov.u32 @p1 s3;
	p1 =	sne.s32 s14, s8  }
.Ltmp1:
0x12: {  	p0 =	slt.u32 s14, $0x2;
	(pc) =	sbr.rel @!p1 .LBB1_8-.Ltmp1, $4  }
0x13: {  	s4 =	simm.s32 @!p0 $0x2  }
0x14: {  	s15 =	smov.u32 s12;
	s16 =	smov.u32 s13;
	_ =	swait.ge @!p0 [sflag:s4], $0x4000  }
0x15: {  	s11 =	sadd.s32 $0x4000, s11;
	[sflag:s4] =	ssyncset.done @!p0 $0x0;
	s12 =	smov.u32 s0  }
0x16: {  	s14 =	sadd.s32 $0x1, s14;
	[sflag:s4] =	ssyncadd.s32 @!p0 $0xFFFFC000;
	s13 =	smov.u32 s17  }
.LBB1_1:
0x17: {  	p0 =	sge.u32 s14, s7  }
0x18: {  	s17 =	smul.u32 @!p0 $0x90000, s13  }
0x19: {  	s31 =	sadd.s32 $0xFFFFFFFF, s14;
	s18 =	sxor.u32 @!p0 $0xFFFFFFFF, s14  }
0x1a: {  	s19 =	sshll.u32 @!p0 s12, $0x7;
	s18 =	sshll.u32 @!p0 s18, $0xE;
	s17 =	sadd.s32 @!p0 s2, s17  }
0x1b: {  	s18 =	sand.u32 @!p0 $0x4000, s18;
	s17 =	sadd.s32 @!p0 s19, s17;
	s19 =	simm.s32 @!p0 $0x0  }
0x1c: {  	[tilespmem:s18], [sflag:$0x1] =	stream.linear.gather @!p0 [hbm4b:s17+s19], $0x4000, $0x38;
	[tilespmem:$0x10000] =	vst v63  }
0x1d: {  	p0 =	sge.u32 s31, s7  }
.Ltmp2:
0x1e: {  	_ = 	snop;
	(pc) =	sbr.rel @p0 .LBB1_7-.Ltmp2, $1  }
0x1f: {  	_ =	sdelay $0x3  }
0x20: {  	s17 =	sshll.u32 s11, $0x2  }
0x21: {  	_ =	swait.ge [sflag:s6], $0x4000;
	s31 =	sshll.u32 s14, $0xE;
	p0 =	por $0x0, $0x0  }
0x22: {  	s23 =	simm.s32 $0x0;
	s24 =	simm.s32 $0x0;
	s25 =	simm.s32 $0x0  }
0x23: {  	s17 =	sand.u32 $0x10000, s17;
	[sflag:s6] =	ssyncset.done $0x0;
	s19 =	sand.u32 $0x4000, s31  }
0x24: {  	s21 =	sshrl.u32 s17, $0x2;
	[sflag:s6] =	ssyncadd.s32 $0xFFFFC000;
	s17 =	sor.u32 $0x8000, s19  }
0x25: {  	s18 =	sor.u32 $0x40, s21;
	s20 =	sor.u32 $0x8000, s21;
	s21 =	sadd.s32 $0x8470, s21  }
.LBB1_3:
0x26: {  	v1 =	vld [tilespmem:s18+$0x200]  }
0x27: {  	s26 =	sand.u32 $0x7, s23;
	s27 =	sshll.u32 s24, $0x2;
	v2 =	vld [tilespmem:s18+$0x0]  }
0x28: {  	v4 =	vld [tilespmem:s18+$0x1D0];
	s27 =	sand.u32 $0xFFFFE000, s27;
	s26 =	sshll.u32 s26, $0x9  }
0x29: {  	s28 =	simm.s32 $0x1;
	v6 =	vld [tilespmem:s18+$0x220];
	s27 =	sor.u32 s26, s27  }
0x2a: {  	v9 =	vld [tilespmem:s18+$0x230];
	s28 =	simm.s32 @!p0 $0x0;
	s26 =	sand.u32 $0xFFFFEC00, s27;
	s27 =	sshrl.u32 s27, $0x2  }
0x2b: {  	v10 =	vld [tilespmem:s18+$0x210];
	s28 =	sshll.u32 s28, $0x9;
	s27 =	sadd.s32 s27, s21  }
0x2c: {  	v7 =	vld [tilespmem:s18+$0x1E0];
	s26 =	sor.u32 s28, s26;
	s28 =	sshll.u32 s25, $0xA;
	[tilespmem:s27+$0xFFFFFFD0] =	vst v1  }
0x2d: {  	v5 =	vld [tilespmem:s18+$0x20];
	v0 =	vmov s28;
	[tilespmem:s27+$0xFFFFFFA0] =	vst v4  }
0x2e: {  	v3 =	vld [tilespmem:s18+$0x30];
	[tilespmem:s27+$0xFFFFFFF0] =	vst v6  }
0x2f: {  	v8 =	vld [tilespmem:s18+$0xFFFFFFC0];
	s28 =	sand.u32 $0x100, s22;
	[tilespmem:s27+$0x0] =	vst v9  }
0x30: {  	s29 =	sand.u32 $0x80, s22;
	s26 =	sshrl.u32 s26, $0x2;
	v1 =	vld [tilespmem:s18+$0x1F0];
	[tilespmem:s27+$0xFFFFFFE0] =	vst v10;
	s28 =	sadd.s32 s28, s19  }
0x31: {  	v4 =	vld [tilespmem:s18+$0xFFFFFFF0];
	[tilespmem:s27+$0xFFFFFFB0] =	vst v7;
	s26 =	sadd.s32 s26, s20;
	s28 =	sadd.s32 s29, s28  }
0x32: {  	[tilespmem:s26+$0x60] =	vst v5;
	v5 =	vld.idx.msk [tilespmem:v0+s28+$0x200 ss:$0x1], $0xffff  }
0x33: {  	[tilespmem:s26+$0x40] =	vst v2;
	v2 =	vld [tilespmem:s18+$0xFFFFFFD0]  }
0x34: {  	s31 =	simm.s32 $0x80;
	[tilespmem:s26+$0x70] =	vst v3;
	v3 =	vld [tilespmem:s18+$0x10]  }
0x35: {  	v6 =	vld [tilespmem:s18+$0xFFFFFFE0];
	[tilespmem:s26+$0x0] =	vst v8;
	s29 =	sadd.s32 $0x1000, s27;
	s30 =	smov.u32 s26;
	s28 =	sadd.s32 $0x80, s18  }
.LBB1_4:
0x36: {  	s4 =	sand.u32 $0x100, s31  }
0x37: {  	v7 =	vld [tilespmem:s28+$0x200];
	[tilespmem:s26+$0x400] =	vst v5;
	s30 =	sadd.s32 $0x1000, s30;
	s0 =	smov.u32 s31;
	s5 =	sadd.s32 $0x80, s31  }
0x38: {  	p1 =	sne.s32 s31, $0x180;
	v5 =	vld [tilespmem:s28+$0x0];
	s0 =	sand.u32 $0x80, s0;
	s4 =	sadd.s32 s4, s19;
	[tilespmem:s26+$0x10] =	vst v2  }
0x39: {  	v2 =	vld [tilespmem:s28+$0x30];
	s0 =	sadd.s32 s0, s4;
	[tilespmem:s26+$0x50] =	vst v3  }
0x3a: {  	v3 =	vld [tilespmem:s28+$0x1D0];
	[tilespmem:s26+$0x30] =	vst v4  }
0x3b: {  	v4 =	vld [tilespmem:s28+$0x20];
	[tilespmem:s26+$0x20] =	vst v6;
	s26 =	smov.u32 s30  }
0x3c: {  	v8 =	vld [tilespmem:s28+$0x1E0];
	[tilespmem:s27+$0xFFFFFFC0] =	vst v1;
	s27 =	smov.u32 s29  }
0x3d: {  	[tilespmem:s30+$0x40] =	vst v5;
	v1 =	vld [tilespmem:s28+$0x220]  }
0x3e: {  	v6 =	vld [tilespmem:s28+$0xFFFFFFC0];
	[tilespmem:s30+$0x70] =	vst v2  }
0x3f: {  	[tilespmem:s29+$0xFFFFFFD0] =	vst v7;
	v7 =	vld [tilespmem:s28+$0x230]  }
0x40: {  	[tilespmem:s29+$0xFFFFFFA0] =	vst v3;
	v9 =	vld [tilespmem:s28+$0x210]  }
0x41: {  	[tilespmem:s30+$0x60] =	vst v4;
	v5 =	vld.idx.msk [tilespmem:v0+s0+$0x200 ss:$0x1], $0xffff  }
.Ltmp3:
0x42: {  	v2 =	vld [tilespmem:s28+$0xFFFFFFD0];
	[tilespmem:s29+$0xFFFFFFF0] =	vst v1;
	(pc) =	sbr.rel @p1 .LBB1_4-.Ltmp3, $4  }
0x43: {  	[tilespmem:s30+$0x0] =	vst v6;
	v1 =	vld [tilespmem:s28+$0x1F0]  }
0x44: {  	v3 =	vld [tilespmem:s28+$0x10];
	[tilespmem:s29+$0x0] =	vst v7  }
0x45: {  	v4 =	vld [tilespmem:s28+$0xFFFFFFF0];
	[tilespmem:s29+$0xFFFFFFE0] =	vst v9  }
0x46: {  	s31 =	smov.u32 s5;
	s29 =	sadd.s32 $0x1000, s29;
	v6 =	vld [tilespmem:s28+$0xFFFFFFE0];
	[tilespmem:s27+$0xFFFFFFB0] =	vst v8;
	s28 =	sadd.s32 $0x80, s28  }
0x47: {  	s25 =	sadd.s32 $0x1, s25  }
0x48: {  	[tilespmem:s26+$0x400] =	vst v5;
	p1 =	sne.s32 s25, $0x10  }
.Ltmp4:
0x49: {  	[tilespmem:s26+$0x10] =	vst v2;
	(pc) =	sbr.rel @p1 .LBB1_3-.Ltmp4, $4  }
0x4a: {  	[tilespmem:s27+$0xFFFFFFC0] =	vst v1  }
0x4b: {  	[tilespmem:s26+$0x50] =	vst v3  }
0x4c: {  	s18 =	sadd.s32 $0x400, s18;
	[tilespmem:s26+$0x30] =	vst v4  }
0x4d: {  	s24 =	sadd.s32 $0x100, s24;
	s23 =	sadd.s32 $0x1, s23;
	p0 =	por !p0, !p0;
	[tilespmem:s26+$0x20] =	vst v6  }
0x4e: {  	s0 =	sshll.u32 s15, $0x8;
	s4 =	sshll.u32 s15, $0x7  }
0x4f: {  	s0 =	sand.u32 $0xFFFFF800, s0;
	s4 =	sand.u32 $0x300, s4  }
0x50: {  	s0 =	sor.u32 s4, s0  }
0x51: {  	s0 =	sshrl.u32 s0, $0x8  }
0x52: {  	s28 =	smulhi.u32 $0xE38E39, s0;
	_ =	sdelay $0x1  }
0x53: {  	s5 =	smul.u32 $0x90000, s16;
	s4 =	sshrl.u32 s28, $0x4  }
0x54: {  	s4 =	smul.u32 $0x1200, s4  }
.Ltmp5:
0x55: {  	s29 =	sshll.u32 s15, $0x4;
	s31 =	rddreg [dreg:$0x1];
	(pc) =	sbr.rel .LBB1_7-.Ltmp5, $4  }
0x56: {  	s30 =	sand.u32 $0x10, s29;
	s5 =	sadd.s32 s31, s5;
	s0 =	ssub.s32 s0, s4  }
0x57: {  	s4 =	sadd.s32 s30, s5;
	s0 =	sshll.u32 s0, $0x5  }
0x58: {  	s0 =	sadd.s32 s0, s4  }
0x59: {  	[hbm4b:s0+s9] =	stream.strided.scatter [tilespmem:s17], [sflag:$0x2], $0x4000, s10, s9, $0x38;
	[tilespmem:$0x10000] =	vst v63  }
.LBB1_8:
0x5a: {  	_ =	sfence.sel $0x180000  }
0x5b: {  	s0 =	simm.s32 $0x1;
	[bflag:$0x0] =	sbarrier.arrive $0xFFFF  }
0x5c: {  	s30 =	simm.s32 $0x2;
	[sflag:s0] =	ssyncpa.u1 $0x1  }
0x5d: {  	[sflag:s30] =	ssyncpa.u1 $0x1  }
0x5e: {  	_ =	strace $0x90000047  }
0x5f: {  	s31 =	stileid.u32;
	[bflag:$0x2] =	sbarrier.arrive $0xFFFF  }
0x60: {  	p0 =	sne.s32 s31, $0x0;
	s0 =	rddreg [dreg:$0x2]  }
0x61: {  	s0 =	sadd.s32 @!p0 $0x100000, s0  }
0x62: {  	[sflag:s0] =	ssyncadd.tile.s32 @!p0 $0x1;
	_ =	shalt  }
.Lfunc_end1:
_tile_overlayer_lowered:
.L_overlay_start_2:
0x63: {  	(tag) =	ssettag $0x2  }
0x64: {  	s0 =	rddreg [dreg:$0x0];
	s2 =	stileid.u32  }
0x65: {  	s1 =	rddreg [dreg:$0x1];
	p0 =	sne.s32 s2, $0x0  }
0x66: {  	s3 =	rddreg [dreg:$0x2];
	[bflag:$0x3] =	sbarrier.arrive $0xFFFF;
	s2 =	simm.s32 @!p0 $0x1C01  }
0x67: {  	[timem:s3], [sflag:s2] =	dma.local @!p0 [hbm:s0], s1  }
0x68: {  	s0 =	simm.s32 @!p0 $0x1  }
0x69: {  	_ =	swait.ge @!p0 [sflag:s0], s1  }
0x6a: {  	s1 =	ssub.s32 @!p0 $0x0, s1;
	[sflag:s0] =	ssyncset.done @!p0 $0x0  }
0x6b: {  	[sflag:s0] =	ssyncadd.s32 @!p0 s1  }
0x6c: {  	[bflag:$0x3] =	sbarrier.arrive $0xFFFF  }
0x6d: {  	_ =	shalt  }

// kernel: sparse-core-data-format-call.cloned.1.call-start
scs
called_computation_lowered:
.L_overlay_start_0:
0x0: {  	s2 =	sld [smem:$0x3FD9]  }
0x1: {  	s3 =	sld [smem:$0x3FFE];
	_ =	sdelay $0x1  }
0x2: {  	s1 =	srdreg.scid  }
0x3: {  	s0 =	sand.u32 $0x1, s1  }
0x4: {  	s15 =	sshll.u32 s0, $0xA;
	s2 =	sadd.s32 s3, s2  }
0x5: {  	s2 =	sadd.s32 s2, s15  }
0x6: {  	[smem:$0x3FB8] =	sst s2  }
0x7: {  	_ = 	snop  }
0x8: {  	s2 =	sld [smem:$0x3FD0];
	_ =	sdelay $0x2  }
0x9: {  	s16 =	simm.s32 $0xA;
	s4 =	simm.s32 $0x10  }
0xa: {  	[smem:s4], [sflag:s16] =	dma.local [hbm:s2], $0x1  }
0xb: {  	_ =	swait.eq [sflag:s16], $0x1  }
0xc: {  	[sflag:s16] =	ssyncset.done $0x0  }
0xd: {  	[sflag:s16] =	ssyncadd.s32 $0xFFFFFFFF  }
0xe: {  	s17 =	sld [smem:$0x10];
	(tm) =	ssettm $0x1  }
0xf: {  	s18 =	sld [smem:$0x3FFB];
	_ =	sdelay $0x3  }
0x10: {  	_ =	strace s18  }
0x11: {  	s3 =	sld [smem:$0x3FFC];
	_ =	sdelay $0x3  }
0x12: {  	_ =	strace s3  }
0x13: {  	s3 =	sld [smem:$0x3FFD];
	_ =	sdelay $0x3  }
0x14: {  	_ =	strace s3  }
0x15: {  	_ =	strace $0x8FFFFFFF  }
0x16: {  	s19 =	sld [smem:$0x3FDB];
	_ =	sdelay $0x1  }
0x17: {  	s20 =	simm.s32 $_scs_section_size  }
0x18: {  	s5 =	simm.s32 $_size__tile_overlayer_lowered;
	s6 =	simm.s32 $_tile_overlayer_lowered  }
0x19: {  	s23 =	simm.s32 $0x1BFF;
	s22 =	sshll.u32 s6, $0x1;
	s3 =	sadd.s32 s20, s19  }
0x1a: {  	s7 =	simm.s32 $0x0;
	s21 =	sshll.u32 s5, $0x1;
	s5 =	sadd.s32 s22, s3  }
0x1b: {  	[timem:s7], [sflag:s23] =	dma.local [hbm:s5], s21  }
0x1c: {  	_ =	swait.ge [sflag:s23], s21  }
0x1d: {  	s4 =	ssub.s32 $0x0, s21;
	[sflag:s23] =	ssyncset.done $0x0  }
0x1e: {  	[sflag:s23] =	ssyncadd.s32 s4;
	_ =	sdelay $0x1  }
0x1f: {  	s24 =	simm.s32 $0x1B8B  }
0x20: {  	_ =	swait.ge [sflag:s24], $0x1  }
0x21: {  	[sflag:s24] =	ssyncset.done $0x0  }
0x22: {  	s26 =	simm.s32 $0x1B8E;
	s25 =	sld [smem:$0x3FFE];
	[sflag:s24] =	ssyncadd.s32 $0xFFFFFFFF  }
0x23: {  	s27 =	simm.s32 $execute0_lowered;
	[smem:$0x3FD2] =	sst s26  }
0x24: {  	s5 =	sshll.u32 s27, $0x1;
	_ =	strace $0x8000004C;
	[dreg:$0x1] =	wrdreg $0xFFFFFFFF  }
0x25: {  	s28 =	simm.s32 $_size_execute0_lowered;
	s3 =	sadd.s32 s3, s5;
	[dreg:$0x0] =	wrdreg $0x0  }
0x26: {  	s5 =	sshll.u32 s28, $0x1;
	[dreg:$0x2] =	wrdreg s3  }
0x27: {  	[dreg:$0x3] =	wrdreg s5  }
0x28: {  	[dreg:$0x4] =	wrdreg $0xC0  }
0x29: {  	_ =	task [dreg:s7], $0x5FFFF  }
0x2a: {  	[dreg:$0x1] =	wrdreg $0xFFFFFFFF  }
0x2b: {  	[dreg:$0x0] =	wrdreg $0x60  }
0x2c: {  	[dreg:$0x2] =	wrdreg s25  }
0x2d: {  	[dreg:$0x3] =	wrdreg s17  }
0x2e: {  	[dreg:$0x4] =	wrdreg $0x9  }
0x2f: {  	_ =	task.clear_ibuf [dreg:s7], $0x5FFFF;
	_ =	strace $0x9000004C  }
0x30: {  	s29 =	simm.s32 $0x9;
	_ =	strace $0x8000004E  }
0x31: {  	_ =	swait.ge [sflag:s29], $0x1  }
0x32: {  	[sflag:s29] =	ssyncadd.s32 $0xFFFFFFFF  }
0x33: {  	_ =	strace $0x9000004E  }
0x34: {  	_ =	sfence  }
0x35: {  	s30 =	sld [smem:$0x0];
	_ =	sdelay $0x2  }
0x36: {  	s31 =	sshll.u32 s1, $0xD;
	s1 =	sshrl.u32 s1, $0x2  }
0x37: {  	s3 =	sand.u32 $0x4000, s31;
	s1 =	sadd.s32 s1, s30  }
0x38: {  	s0 =	sor.u32 s3, s0;
	s1 =	sshll.u32 s1, $0x11  }
0x39: {  	s0 =	sor.u32 s1, s0  }
0x3a: {  	s0 =	sadd.s32 $0x8F2B, s0  }
0x3b: {  	[sflag:s0] =	ssyncadd.remote.s32 $0x1  }
0x3c: {  	_ =	sfence.sel $0xFFFF  }
0x3d: {  	[dreg:$0x0] =	wrdreg $0xFFFFFFFF;
	(pc) =	sbr.abs _section_cstart, $3  }
0x3e: {  	[dreg:$0x1] =	wrdreg $0xFFFFFFFF  }
0x3f: {  	_ =	task.clear_ibuf [dreg:s7], $0x2FFFF;
	_ =	strace $0x9FFFFFFF  }
0x40: {  	(tm) =	ssettm $0x7FFFFFFF  }
0x41: {  	_ =	shalt  }
tec
execute0_lowered:
.L_overlay_start_1:
0x0: {  	(tag) =	ssettag $0x1  }
0x1: {  	s3 =	rddreg [dreg:$0x0]  }
0x2: {  	s2 =	rddreg [dreg:$0x1]  }
0x3: {  	s0 =	rddreg [dreg:$0x2]  }
0x4: {  	_ =	strace $0x8000004D;
	s1 =	stileid.u32;
	s6 =	srdreg.scid  }
0x5: {  	s31 =	simm.s32 $0x2;
	s20 =	simm.s32 $0x0;
	s12 =	simm.s32 $0x80  }
0x6: {  	s13 =	simm.s32 $0x400;
	s14 =	simm.s32 $0x0;
	s19 =	simm.s32 $0x0  }
0x7: {  	s21 =	simm.s32 $0x0;
	s22 =	simm.s32 $0x0;
	s5 =	sshll.u32 s1, $0x4  }
0x8: {  	s18 =	simm.s32 $0x0;
	s4 =	sand.u32 $0x1, s1;
	s5 =	sand.u32 $0x80, s5  }
0x9: {  	s6 =	sshll.u32 s6, $0x7;
	s7 =	ssub.s32 $0x2, s4;
	s8 =	ssub.s32 $0x1200, s5  }
0xa: {  	s6 =	sand.u32 $0x80, s6;
	s9 =	sshrl.u32 s7, $0x1;
	s10 =	sshrl.u32 s8, $0x7  }
0xb: {  	s7 =	sand.u32 $0x1, s7;
	s8 =	sshrl.u32 s8, $0x8;
	s10 =	sand.u32 $0x1, s10  }
0xc: {  	s11 =	ssub.s32 $0x100, s6;
	s7 =	sadd.s32 s7, s9;
	s8 =	sadd.s32 s8, s10  }
0xd: {  	s3 =	sadd.s32 $0x3200, s3;
	s28 =	sshrl.u32 s11, $0x7;
	s8 =	smul.u32 s7, s8  }
.Ltmp0:
0xe: {  	s29 =	sshrl.u32 s11, $0x8;
	s9 =	sand.u32 $0x1, s28;
	(pc) =	sbr.rel .LBB1_1-.Ltmp0, $4  }
0xf: {  	s30 =	sshrl.u32 s1, $0x1;
	s17 =	smov.u32 s4;
	s9 =	sadd.s32 s29, s9  }
0x10: {  	s15 =	smov.u32 s5;
	s7 =	simm.s32 $0x1;
	s8 =	smul.u32 s9, s8  }
0x11: {  	s10 =	sshll.u32 s6, $0x3;
	[sflag:s7] =	ssyncpa.u1 $0x0;
	s9 =	sand.u32 $0x3, s30  }
0x12: {  	[sflag:s31] =	ssyncpa.u1 $0x0;
	s16 =	smov.u32 s9;
	s11 =	sadd.s32 $0x1, s8  }
.LBB1_4:
0x13: {  	_ =	sdelay $0x3  }
0x14: {  	[tilespmem:v0+s25+$0xFFFFFFA0 ss:$0x1] =	vst.idx.msk $0xffff, v6  }
0x15: {  	v56 =	vld.idx.msk [tilespmem:v1+s24+$0x30 ss:$0x1], $0xffff;
	[tilespmem:v0+s25+$0xFFFFFFB0 ss:$0x1] =	vst.idx.msk $0xffff, v4  }
0x16: {  	v57 =	vld.idx.msk [tilespmem:v1+s24+$0xFFFFFFC0 ss:$0x1], $0xffff;
	[tilespmem:v0+s25+$0xFFFFFFC0 ss:$0x1] =	vst.idx.msk $0xffff, v2  }
0x17: {  	v58 =	vld.idx.msk [tilespmem:v1+s24+$0xFFFFFFD0 ss:$0x1], $0xffff;
	[tilespmem:v0+s25+$0xFFFFFFD0 ss:$0x1] =	vst.idx.msk $0xffff, v3  }
0x18: {  	v59 =	vld.idx.msk [tilespmem:v1+s24+$0xFFFFFFE0 ss:$0x1], $0xffff;
	[tilespmem:v0+s25+$0xFFFFFFE0 ss:$0x1] =	vst.idx.msk $0xffff, v5  }
0x19: {  	v60 =	vld.idx.msk [tilespmem:v1+s24+$0xFFFFFFF0 ss:$0x1], $0xffff;
	[tilespmem:v0+s25+$0xFFFFFFF0 ss:$0x1] =	vst.idx.msk $0xffff, v7  }
0x1a: {  	v61 =	vld.idx.msk [tilespmem:v1+s24+$0x0 ss:$0x1], $0xffff;
	[tilespmem:v0+s24+$0x0 ss:$0x1] =	vst.idx.msk $0xffff, v56  }
0x1b: {  	v62 =	vld.idx.msk [tilespmem:v1+s24+$0x10 ss:$0x1], $0xffff;
	[tilespmem:v0+s24+$0xFFFFFF90 ss:$0x1] =	vst.idx.msk $0xffff, v57  }
0x1c: {  	v63 =	vld.idx.msk [tilespmem:v1+s24+$0x20 ss:$0x1], $0xffff;
	[tilespmem:v0+s24+$0xFFFFFFA0 ss:$0x1] =	vst.idx.msk $0xffff, v58  }
0x1d: {  	s21 =	sshll.u32 s21, $0x7;
	s22 =	smul.u32 $0x90000, s22;
	[tilespmem:v0+s24+$0xFFFFFFB0 ss:$0x1] =	vst.idx.msk $0xffff, v59  }
0x1e: {  	s20 =	sshll.u32 s20, $0x2;
	s21 =	sand.u32 $0x180, s21;
	[tilespmem:v0+s24+$0xFFFFFFC0 ss:$0x1] =	vst.idx.msk $0xffff, v60  }
0x1f: {  	s19 =	sshll.u32 s19, $0x7;
	s20 =	sor.u32 s21, s20;
	s31 =	sadd.s32 s2, s22;
	[tilespmem:v0+s24+$0xFFFFFFD0 ss:$0x1] =	vst.idx.msk $0xffff, v61  }
0x20: {  	s20 =	sshrl.u32 s20, $0x3;
	s19 =	sadd.s32 s19, s31;
	[tilespmem:v0+s24+$0xFFFFFFE0 ss:$0x1] =	vst.idx.msk $0xffff, v62  }
0x21: {  	s19 =	sadd.s32 s20, s19;
	[tilespmem:v0+s24+$0xFFFFFFF0 ss:$0x1] =	vst.idx.msk $0xffff, v63  }
0x22: {  	[hbm4b:s19+s12] =	stream.strided.scatter [tilespmem:s23], [sflag:$0x2], $0x4000, s13, s12, $0x38;
	[tilespmem:$0x10000] =	vst v63  }
.LBB1_5:
0x23: {  	s23 =	sadd.s32 $0x100, s15  }
0x24: {  	s19 =	sadd.s32 $0x4, s16;
	s24 =	smov.u32 s16;
	p1 =	sgt.s32 s23, $0x11FF  }
0x25: {  	s24 =	smov.u32 @p1 s19  }
0x26: {  	s25 =	smov.u32 s17;
	s19 =	sadd.s32 $0x2, s17;
	p2 =	sgt.s32 s24, $0x3  }
0x27: {  	s25 =	smov.u32 @p2 s19  }
0x28: {  	s23 =	smov.u32 @p1 s5;
	p1 =	sgt.s32 s25, $0x1  }
0x29: {  	p0 =	slt.u32 s18, $0x2;
	s25 =	smov.u32 @p1 s4;
	p1 =	sne.s32 s18, s11  }
.Ltmp1:
0x2a: {  	s21 =	smov.u32 s16;
	s20 =	simm.s32 @!p0 $0x2;
	(pc) =	sbr.rel @!p1 .LBB1_6-.Ltmp1, $4  }
0x2b: {  	s22 =	smov.u32 s17;
	s14 =	sadd.s32 $0x4000, s14;
	_ =	swait.ge @!p0 [sflag:s20], $0x4000  }
0x2c: {  	[sflag:s20] =	ssyncset.done @!p0 $0x0;
	s24 =	smov.u32 @p2 s9;
	s19 =	smov.u32 s15  }
0x2d: {  	[sflag:s20] =	ssyncadd.s32 @!p0 $0xFFFFC000;
	s20 =	smov.u32 s6;
	s15 =	smov.u32 s23  }
0x2e: {  	s16 =	smov.u32 s24;
	s18 =	sadd.s32 $0x1, s18;
	s17 =	smov.u32 s25  }
.LBB1_1:
0x2f: {  	p0 =	sge.u32 s18, s8  }
0x30: {  	s23 =	sshll.u32 @!p0 s15, $0x8  }
0x31: {  	s24 =	sshll.u32 @!p0 s15, $0x7;
	s23 =	sand.u32 @!p0 $0xFFFFF800, s23  }
0x32: {  	s24 =	sand.u32 @!p0 $0x300, s24;
	s23 =	sor.u32 @!p0 s10, s23  }
0x33: {  	s23 =	sor.u32 @!p0 s24, s23  }
0x34: {  	s23 =	sshrl.u32 @!p0 s23, $0x8  }
0x35: {  	s24 =	smulhi.u32 @!p0 $0xE38E39, s23;
	_ =	sdelay $0x1  }
0x36: {  	s25 =	smul.u32 @!p0 $0x90000, s17;
	s24 =	sshrl.u32 @!p0 s24, $0x4  }
0x37: {  	s24 =	smul.u32 @!p0 $0x1200, s24  }
0x38: {  	s31 =	sadd.s32 $0xFFFFFFFF, s18;
	s26 =	sxor.u32 @!p0 $0xFFFFFFFF, s18;
	s27 =	smul.u32 @!p0 $0x24000, s16  }
0x39: {  	s25 =	sadd.s32 @!p0 s3, s25;
	s23 =	ssub.s32 @!p0 s23, s24;
	s24 =	sshll.u32 @!p0 s15, $0x4  }
0x3a: {  	s26 =	sshll.u32 @!p0 s26, $0xE;
	s25 =	sadd.s32 @!p0 s27, s25;
	s24 =	sand.u32 @!p0 $0x10, s24  }
0x3b: {  	s26 =	sand.u32 @!p0 $0x4000, s26;
	s23 =	sshll.u32 @!p0 s23, $0x5;
	s24 =	sadd.s32 @!p0 s24, s25  }
0x3c: {  	s25 =	simm.s32 @!p0 $0x800;
	s23 =	sadd.s32 @!p0 s23, s24;
	s24 =	simm.s32 @!p0 $0x400  }
0x3d: {  	[tilespmem:s26], [sflag:$0x1] =	stream.strided.gather @!p0 [hbm4b:s23+s24], $0x4000, s25, s24, $0x38;
	[tilespmem:$0x10000] =	vst v63  }
0x3e: {  	p0 =	sge.u32 s31, s8  }
.Ltmp2:
0x3f: {  	_ = 	snop;
	(pc) =	sbr.rel @p0 .LBB1_5-.Ltmp2, $1  }
0x40: {  	_ =	sdelay $0x3  }
0x41: {  	s23 =	sand.u32 $0x4000, s14  }
0x42: {  	s24 =	sor.u32 $0x40, s23  }
0x43: {  	v1 =	vmov s24;
	_ =	sdelay $0x1  }
0x44: {  	_ =	swait.ge [sflag:s7], $0x4000  }
0x45: {  	[sflag:s7] =	ssyncset.done $0x0  }
0x46: {  	s25 =	simm.s32 $0x0;
	[sflag:s7] =	ssyncadd.s32 $0xFFFFC000  }
0x47: {  	s23 =	sor.u32 $0x8070, s23;
	v7 =	vld.idx.msk [tilespmem:v1+s25+$0x30 ss:$0x1], $0xffff  }
0x48: {  	v0 =	vmov s23;
	v8 =	vld.idx.msk [tilespmem:v1+s25+$0xFFFFFFC0 ss:$0x1], $0xffff  }
0x49: {  	v6 =	vld.idx.msk [tilespmem:v1+s25+$0xFFFFFFD0 ss:$0x1], $0xffff  }
0x4a: {  	v4 =	vld.idx.msk [tilespmem:v1+s25+$0xFFFFFFE0 ss:$0x1], $0xffff  }
0x4b: {  	v2 =	vld.idx.msk [tilespmem:v1+s25+$0xFFFFFFF0 ss:$0x1], $0xffff  }
0x4c: {  	s31 =	sshll.u32 s18, $0xE;
	v3 =	vld.idx.msk [tilespmem:v1+s25+$0x0 ss:$0x1], $0xffff  }
0x4d: {  	s23 =	sand.u32 $0x4000, s31;
	v5 =	vld.idx.msk [tilespmem:v1+s25+$0x10 ss:$0x1], $0xffff;
	[tilespmem:v0+s25+$0x0 ss:$0x1] =	vst.idx.msk $0xffff, v7  }
0x4e: {  	s26 =	simm.s32 $0x400;
	s24 =	simm.s32 $0x80;
	s23 =	sor.u32 $0x8000, s23;
	[tilespmem:v0+s25+$0xFFFFFF90 ss:$0x1] =	vst.idx.msk $0xffff, v8;
	v7 =	vld.idx.msk [tilespmem:v1+s25+$0x20 ss:$0x1], $0xffff  }
.LBB1_3:
0x4f: {  	p0 =	sne.s32 s26, $0xFE00;
	v8 =	vld.idx.msk [tilespmem:v1+s24+$0x30 ss:$0x1], $0xffff;
	[tilespmem:v0+s25+$0xFFFFFFA0 ss:$0x1] =	vst.idx.msk $0xffff, v6  }
0x50: {  	v9 =	vld.idx.msk [tilespmem:v1+s24+$0xFFFFFFC0 ss:$0x1], $0xffff;
	[tilespmem:v0+s25+$0xFFFFFFB0 ss:$0x1] =	vst.idx.msk $0xffff, v4  }
0x51: {  	v6 =	vld.idx.msk [tilespmem:v1+s24+$0xFFFFFFD0 ss:$0x1], $0xffff;
	[tilespmem:v0+s25+$0xFFFFFFC0 ss:$0x1] =	vst.idx.msk $0xffff, v2  }
.Ltmp3:
0x52: {  	v4 =	vld.idx.msk [tilespmem:v1+s24+$0xFFFFFFE0 ss:$0x1], $0xffff;
	[tilespmem:v0+s25+$0xFFFFFFD0 ss:$0x1] =	vst.idx.msk $0xffff, v3;
	(pc) =	sbr.rel @p0 .LBB1_3-.Ltmp3, $4  }
0x53: {  	v2 =	vld.idx.msk [tilespmem:v1+s24+$0xFFFFFFF0 ss:$0x1], $0xffff;
	[tilespmem:v0+s25+$0xFFFFFFE0 ss:$0x1] =	vst.idx.msk $0xffff, v5  }
0x54: {  	v3 =	vld.idx.msk [tilespmem:v1+s24+$0x0 ss:$0x1], $0xffff;
	[tilespmem:v0+s25+$0xFFFFFFF0 ss:$0x1] =	vst.idx.msk $0xffff, v7;
	s25 =	smov.u32 s24  }
0x55: {  	v5 =	vld.idx.msk [tilespmem:v1+s25+$0x10 ss:$0x1], $0xffff;
	[tilespmem:v0+s25+$0x0 ss:$0x1] =	vst.idx.msk $0xffff, v8  }
0x56: {  	s24 =	sshra.s32 s26, $0x2;
	s26 =	sadd.s32 $0x200, s26;
	[tilespmem:v0+s25+$0xFFFFFF90 ss:$0x1] =	vst.idx.msk $0xffff, v9;
	v7 =	vld.idx.msk [tilespmem:v1+s25+$0x20 ss:$0x1], $0xffff  }
.Ltmp4:
0x57: {  	_ = 	snop;
	(pc) =	sbr.rel .LBB1_4-.Ltmp4, $1  }
0x58: {  	_ =	sdelay $0x3  }
.LBB1_6:
0x59: {  	_ =	sfence.sel $0x180000  }
0x5a: {  	s2 =	simm.s32 $0x1;
	[bflag:$0x0] =	sbarrier.arrive $0xFFFF  }
0x5b: {  	s31 =	simm.s32 $0x2;
	[sflag:s2] =	ssyncpa.u1 $0x1  }
0x5c: {  	[sflag:s31] =	ssyncpa.u1 $0x1  }
0x5d: {  	p0 =	sne.s32 s1, $0x0;
	_ =	strace $0x9000004D  }
0x5e: {  	s0 =	sadd.s32 @!p0 $0x100000, s0;
	[bflag:$0x2] =	sbarrier.arrive $0xFFFF  }
0x5f: {  	[sflag:s0] =	ssyncadd.tile.s32 @!p0 $0x1;
	_ =	shalt  }
.Lfunc_end1:
_tile_overlayer_lowered:
.L_overlay_start_2:
0x60: {  	(tag) =	ssettag $0x2  }
0x61: {  	s0 =	rddreg [dreg:$0x0];
	s2 =	stileid.u32  }
0x62: {  	s1 =	rddreg [dreg:$0x1];
	p0 =	sne.s32 s2, $0x0  }
0x63: {  	s3 =	rddreg [dreg:$0x2];
	[bflag:$0x3] =	sbarrier.arrive $0xFFFF;
	s2 =	simm.s32 @!p0 $0x1C01  }
0x64: {  	[timem:s3], [sflag:s2] =	dma.local @!p0 [hbm:s0], s1  }
0x65: {  	s0 =	simm.s32 @!p0 $0x1  }
0x66: {  	_ =	swait.ge @!p0 [sflag:s0], s1  }
0x67: {  	s1 =	ssub.s32 @!p0 $0x0, s1;
	[sflag:s0] =	ssyncset.done @!p0 $0x0  }
0x68: {  	[sflag:s0] =	ssyncadd.s32 @!p0 s1  }
0x69: {  	[bflag:$0x3] =	sbarrier.arrive $0xFFFF  }
0x6a: {  	_ =	shalt  }

</sc_bundles>
